<compile_context>
chip_gen: v7x
topology: tpu7x:2x2x1
jax: 0.10.2.dev20260603
libtpu: 0.0.44.dev20260713+nightly
codegen_flags: <defaults>
</compile_context>

<pallas_src>
import functools

import jax
import jax.numpy as jnp
from jax import lax
from jax.experimental import pallas as pl
from jax.experimental.pallas import tpu as pltpu
from jax.experimental.pallas import tpu_sc as plsc

N = 10000
NP = 10240
E = 320000
D = 128
H = 16
NC = 2
NS = 16
NW = NC * NS
EPW = E // NW
MB = 1000
MCHUNK = EPW // MB
EPS = E // NS
NR = NP // 16
NPER = NP // NS

_mesh = plsc.VectorSubcoreMesh(core_axis_name="c", subcore_axis_name="s")
_sc_params = pltpu.CompilerParams(use_tc_tiling_on_sc=False)
_sc_params_nl = pltpu.CompilerParams(use_tc_tiling_on_sc=False,
                                     needs_layout_passes=False)


@functools.partial(
    pl.kernel,
    out_type=jax.ShapeDtypeStruct((NC, NR, 16), jnp.float32),
    mesh=_mesh,
    compiler_params=_sc_params_nl,
    scratch_types=[
        pltpu.VMEM_SHARED((NR, 16), jnp.float32),
        pltpu.VMEM((NR, 16), jnp.float32),
        pltpu.VMEM((EPS,), jnp.int32),
        pltpu.VMEM((NR,), jnp.int32),
    ],
)
def _sc_degrees(edges_hbm, deg_hbm, deg_sh, hist_v, idx_v, ident_v):
    c = lax.axis_index("c")
    s = lax.axis_index("s")

    @pl.loop(0, NR)
    def _(j):
        hist_v[j, :] = jnp.zeros((16,), jnp.float32)

    @pl.loop(0, NR // 16)
    def _(j):
        ident_v[pl.ds(j * 16, 16)] = lax.iota(jnp.int32, 16) + j * 16

    pltpu.sync_copy(hist_v.at[pl.ds(0, NR // NS)],
                    deg_sh.at[pl.ds(s * (NR // NS), NR // NS)])
    pltpu.sync_copy(edges_hbm.at[c, pl.ds(s * EPS, EPS)], idx_v)
    plsc.subcore_barrier()

    ones16 = jnp.ones((16,), jnp.float32)

    @pl.loop(0, EPS // 16)
    def _(j):
        v = idx_v[pl.ds(j * 16, 16)]
        row = lax.shift_right_logical(v, 4)
        col = lax.bitwise_and(v, 15)
        plsc.addupdate_scatter(hist_v, [row, col], ones16)

    pltpu.sync_copy(hist_v, deg_sh.at[ident_v], add=True)
    plsc.subcore_barrier()
    pltpu.sync_copy(deg_sh.at[pl.ds(s * (NR // NS), NR // NS)],
                    deg_hbm.at[c, pl.ds(s * (NR // NS), NR // NS)])


@functools.partial(
    pl.kernel,
    out_type=jax.ShapeDtypeStruct((NC, NP, H), jnp.float32),
    mesh=_mesh,
    compiler_params=_sc_params,
    scratch_types=[
        pltpu.VMEM_SHARED((NP, H), jnp.float32),
        pltpu.VMEM_SHARED((NP, H), jnp.float32),
        [pltpu.VMEM((MB,), jnp.int32) for _ in range(MCHUNK)],
        [pltpu.VMEM((MB,), jnp.int32) for _ in range(MCHUNK)],
        pltpu.VMEM((MB, H), jnp.float32),
        pltpu.VMEM((MB, H), jnp.float32),
        pltpu.SemaphoreType.DMA,
        pltpu.SemaphoreType.DMA,
        pltpu.SemaphoreType.DMA,
        pltpu.SemaphoreType.DMA,
    ],
)
def _sc_messages(h_hbm, edges_hbm, aggp_hbm,
                 h_sh, agg_sh, sidx, didx, rows0_v, rows1_v,
                 semg0, semg1, sems0, sems1):
    c = lax.axis_index("c")
    s = lax.axis_index("s")

    @pl.loop(0, NPER)
    def _(j):
        rows0_v[j, :] = jnp.zeros((H,), jnp.float32)

    pltpu.sync_copy(h_hbm.at[pl.ds(s * NPER, NPER)],
                    h_sh.at[pl.ds(s * NPER, NPER)])
    pltpu.sync_copy(rows0_v.at[pl.ds(0, NPER)],
                    agg_sh.at[pl.ds(s * NPER, NPER)])
    e0 = (c * NS + s) * EPW
    for k in range(MCHUNK):
        pltpu.sync_copy(edges_hbm.at[0, pl.ds(e0 + k * MB, MB)], sidx[k])
        pltpu.sync_copy(edges_hbm.at[1, pl.ds(e0 + k * MB, MB)], didx[k])
    plsc.subcore_barrier()

    rows = (rows0_v, rows1_v)
    semg = (semg0, semg1)
    sems = (sems0, sems1)
    gat = [None] * MCHUNK
    sca = [None] * MCHUNK
    for k in range(MCHUNK):
        b = k % 2
        if k >= 2:
            sca[k - 2].wait()
        gat[k] = pltpu.async_copy(h_sh.at[sidx[k]], rows[b], semg[b])
        if k >= 1:
            bp = (k - 1) % 2
            gat[k - 1].wait()
            sca[k - 1] = pltpu.async_copy(rows[bp], agg_sh.at[didx[k - 1]],
                                          sems[bp], add=True)
    gat[MCHUNK - 1].wait()
    bl = (MCHUNK - 1) % 2
    sca[MCHUNK - 1] = pltpu.async_copy(rows[bl], agg_sh.at[didx[MCHUNK - 1]],
                                       sems[bl], add=True)
    sca[MCHUNK - 2].wait()
    sca[MCHUNK - 1].wait()

    plsc.subcore_barrier()
    pltpu.sync_copy(agg_sh.at[pl.ds(s * NPER, NPER)],
                    aggp_hbm.at[c, pl.ds(s * NPER, NPER)])


def _tc_prep1_body(f_ref, w1_ref, deg_ref, h1s_ref, no_ref, ni_ref):
    no = lax.rsqrt(jnp.maximum(deg_ref[0], 1.0)).reshape(NP, 1)
    ni = lax.rsqrt(jnp.maximum(deg_ref[1], 1.0)).reshape(NP, 1)
    h = jnp.dot(f_ref[...], w1_ref[...], preferred_element_type=jnp.float32)
    h1s_ref[...] = jnp.concatenate(
        [h * no[:N], jnp.zeros((NP - N, H), jnp.float32)], axis=0)
    no_ref[...] = no
    ni_ref[...] = ni


_tc_prep1 = pl.pallas_call(
    _tc_prep1_body,
    out_shape=[
        jax.ShapeDtypeStruct((NP, H), jnp.float32),
        jax.ShapeDtypeStruct((NP, 1), jnp.float32),
        jax.ShapeDtypeStruct((NP, 1), jnp.float32),
    ],
)


def _tc_mid_body(aggp_ref, ni_ref, b1_ref, w2_ref, no_ref, h2s_ref):
    agg = aggp_ref[0] + aggp_ref[1]
    y = jnp.maximum(agg * ni_ref[...] + b1_ref[...], 0.0)
    h2 = jnp.dot(y, w2_ref[...], preferred_element_type=jnp.float32)
    h2s_ref[...] = h2 * no_ref[...]


_tc_mid = pl.pallas_call(
    _tc_mid_body,
    out_shape=jax.ShapeDtypeStruct((NP, H), jnp.float32),
)


def _tc_final_body(aggp_ref, ni_ref, b2_ref, out_ref):
    agg = aggp_ref[0, :N, :] + aggp_ref[1, :N, :]
    out_ref[...] = agg * ni_ref[:N, :] + b2_ref[...]


_tc_final = pl.pallas_call(
    _tc_final_body,
    out_shape=jax.ShapeDtypeStruct((N, H), jnp.float32),
)


def kernel(features, edge_index, W1, b1, W2, b2):
    deg = _sc_degrees(edge_index).reshape(NC, NP)
    h1s, no, ni = _tc_prep1(features, W1, deg)
    agg1p = _sc_messages(h1s, edge_index)
    h2s = _tc_mid(agg1p, ni, b1.reshape(1, H), W2, no)
    agg2p = _sc_messages(h2s, edge_index)
    return _tc_final(agg2p, ni, b2.reshape(1, H))

# --- scband reference (transcript-rebuilt; emitter-appended) ---
"""Pipeline reference for scband-attack-net-66889820668155 (READ-ONLY COPY).

The authoritative reference and input builder live on the scoring server;
editing this copy changes nothing except your own understanding.
"""

import jax, jax.numpy as jnp
import numpy as np

N = 10000
E = 320000
D = 128
H = 16
L = 16


def _glorot(key, shape):
    limit = np.sqrt(6.0 / (shape[0] + shape[1]))
    return jax.random.uniform(key, shape, dtype=jnp.float32, minval=-limit, maxval=limit)


def setup_inputs(seed: int = 0) -> dict:
    key = jax.random.key(seed)
    k1, k2, k3, k4 = jax.random.split(key, 4)
    features = jax.random.normal(k1, (N, D), dtype=jnp.float32)
    edge_index = jax.random.randint(k2, (2, E), 0, N, dtype=jnp.int32)
    W1 = _glorot(k3, (D, H))
    b1 = jnp.zeros((H,), dtype=jnp.float32)
    W2 = _glorot(k4, (H, L))
    b2 = jnp.zeros((L,), dtype=jnp.float32)
    return {"features": features, "edge_index": edge_index, "W1": W1, "b1": b1, "W2": W2, "b2": b2}


def _graph_conv(x, edge_index, W, b):
    # DGL GraphConv with norm='both': D_out^{-1/2} applied to source feats,
    # sum-aggregate over edges, then D_in^{-1/2} on destination, plus bias.
    src = edge_index[0]
    dst = edge_index[1]
    n = x.shape[0]
    ones = jnp.ones((edge_index.shape[1],), dtype=x.dtype)
    deg_out = jnp.zeros((n,), dtype=x.dtype).at[src].add(ones)
    deg_in = jnp.zeros((n,), dtype=x.dtype).at[dst].add(ones)
    norm_out = jax.lax.rsqrt(jnp.clip(deg_out, 1.0))
    norm_in = jax.lax.rsqrt(jnp.clip(deg_in, 1.0))
    h = x @ W                      # project first (out_dim small -> cheaper messages)
    h = h * norm_out[:, None]
    msgs = jnp.take(h, src, axis=0)          # gather (SparseCore)
    agg = jax.ops.segment_sum(msgs, dst, num_segments=n)  # scatter-add
    return agg * norm_in[:, None] + b


def reference(features, edge_index, W1, b1, W2, b2):
    # layer0 has activation=F.relu inside GraphConv, then forward applies F.relu again
    h = jax.nn.relu(_graph_conv(features, edge_index, W1, b1))
    h = jax.nn.relu(h)
    out = _graph_conv(h, edge_index, W2, b2)
    return out

if __name__ == "__main__":
    import jax
    _d = setup_inputs()
    print(jax.jit(kernel)(*tuple(_d.values())))

</pallas_src>

<mosaic_0001>
#map = affine_map<(d0, d1) -> (0, 0)>
#map1 = affine_map<(d0, d1) -> (0, 0, 0)>
module attributes {stable_mosaic.version = 14 : i64} {
  func.func @_sc_degrees(%arg0: i32, %arg1: i32, %arg2: memref<2x320000xi32, #tpu.memory_space<hbm>>, %arg3: memref<2x640x16xf32, #tpu.memory_space<hbm>>, %arg4: memref<640x16xf32, #tpu.memory_space<vmem_shared>>, %arg5: memref<640x16xf32, #tpu.memory_space<vmem>>, %arg6: memref<20000xi32, #tpu.memory_space<vmem>>, %arg7: memref<640xi32, #tpu.memory_space<vmem>>) attributes {dimension_semantics = [#tpu.dimension_semantics<core_parallel>, #tpu.dimension_semantics<subcore_parallel>], iteration_bounds = array<i64: 2, 16>, scalar_prefetch = 0 : i64, scratch_operands = 4 : i64, tpu.core_type = #tpu.core_type<sc_vector_subcore>, window_params = [{transform_indices = #map}, {transform_indices = #map1}]} {
    %scan3A = arith.constant 0 : i32
    %scan3A_0 = arith.constant 640 : i32
    %scan3A_1 = arith.addi %scan3A, %scan3A_0 : i32
    %scan3A_2 = arith.constant 1 : i32
    scf.for %scan3A_23 = %scan3A to %scan3A_1 step %scan3A_2  : i32 {
      %mul3A_24 = arith.constant 1 : i32
      %mul3A_25 = arith.muli %scan3A_23, %mul3A_24 : i32
      %add3A = arith.constant 0 : i32
      %add3A_26 = arith.addi %add3A, %mul3A_25 : i32
      %broadcast_in_dim3A_27 = arith.constant 0.000000e+00 : f32
      %broadcast_in_dim3A_28 = vector.broadcast %broadcast_in_dim3A_27 : f32 to vector<16xf32>
      %swap3A = arith.index_cast %add3A_26 : i32 to index
      %swap3A_29 = arith.constant 0 : index
      %swap3A_30 = tpu.vector_load %arg5[%swap3A, %swap3A_29] {strides = array<i32>} : memref<640x16xf32, #tpu.memory_space<vmem>>, vector<16xf32>,
      tpu.vector_store %arg5[%swap3A, %swap3A_29], %broadcast_in_dim3A_28 {strides = array<i32>} : memref<640x16xf32, #tpu.memory_space<vmem>>, vector<16xf32>,
    }
    %scan3A_3 = arith.constant 640 : i32
    %scan3A_4 = arith.constant 0 : i32
    %scan3A_5 = arith.constant 40 : i32
    %scan3A_6 = arith.addi %scan3A_4, %scan3A_5 : i32
    %scan3A_7 = arith.constant 1 : i32
    scf.for %scan3A_23 = %scan3A_4 to %scan3A_6 step %scan3A_7  : i32 {
      %mul3A_24 = arith.constant 1 : i32
      %mul3A_25 = arith.muli %scan3A_23, %mul3A_24 : i32
      %add3A = arith.constant 0 : i32
      %add3A_26 = arith.addi %add3A, %mul3A_25 : i32
      %iota3A = tpu.iota {dimensions = array<i32: 0>} : vector<16xi32>
      %mul3A_27 = arith.constant 16 : i32
      %mul3A_28 = arith.muli %add3A_26, %mul3A_27 : i32
      %add3A_29 = vector.broadcast %mul3A_28 : i32 to vector<16xi32>
      %add3A_30 = arith.addi %iota3A, %add3A_29 : vector<16xi32>
      %mul3A_31 = arith.constant 16 : i32
      %mul3A_32 = arith.muli %add3A_26, %mul3A_31 : i32
      %swap3A = arith.index_cast %mul3A_32 : i32 to index
      %swap3A_33 = tpu.vector_load %arg7[%swap3A] {strides = array<i32>} : memref<640xi32, #tpu.memory_space<vmem>>, vector<16xi32>,
      tpu.vector_store %arg7[%swap3A], %add3A_30 {strides = array<i32>} : memref<640xi32, #tpu.memory_space<vmem>>, vector<16xi32>,
    }
    %scan3A_8 = arith.constant 40 : i32
    %mul3A = arith.constant 40 : i32
    %mul3A_9 = arith.muli %arg1, %mul3A : i32
    "tpu.region"() ({
      %run_scoped3A = tpu.sem_alloc : memref<!tpu.dma_semaphore, #tpu.memory_space<semaphore_mem>>
      %dma_start3A = arith.constant 0 : i32
      %dma_start3A_23 = arith.constant 0 : i32
      %dma_start3A_24 = tpu.memref_slice %arg5[%dma_start3A, %dma_start3A_23] : memref<640x16xf32, #tpu.memory_space<vmem>> -> memref<40x16xf32, #tpu.memory_space<vmem>>
      %dma_start3A_25 = arith.constant 0 : i32
      %dma_start3A_26 = tpu.memref_slice %arg4[%mul3A_9, %dma_start3A_25] : memref<640x16xf32, #tpu.memory_space<vmem_shared>> -> memref<40x16xf32, #tpu.memory_space<vmem_shared>>
      %dma_start3A_27 = arith.constant 0 : i32
      %dma_start3A_28 = tpu.memref_slice %arg4[%mul3A_9, %dma_start3A_27] : memref<640x16xf32, #tpu.memory_space<vmem_shared>> -> memref<40x16xf32, #tpu.memory_space<vmem_shared>>
      %dma_start3A_29 = arith.constant 0 : i32
      %dma_start3A_30 = arith.constant 0 : i32
      %dma_start3A_31 = tpu.memref_slice %arg5[%dma_start3A_29, %dma_start3A_30] : memref<640x16xf32, #tpu.memory_space<vmem>> -> memref<40x16xf32, #tpu.memory_space<vmem>>
      tpu.enqueue_dma source(%dma_start3A_31 : memref<40x16xf32, #tpu.memory_space<vmem>>) target(%dma_start3A_28 : memref<40x16xf32, #tpu.memory_space<vmem_shared>>) target_semaphore(%run_scoped3A : memref<!tpu.dma_semaphore, #tpu.memory_space<semaphore_mem>>)
      %dma_wait3A = arith.constant 0 : i32
      %dma_wait3A_32 = arith.constant 0 : i32
      %dma_wait3A_33 = tpu.memref_slice %arg5[%dma_wait3A, %dma_wait3A_32] : memref<640x16xf32, #tpu.memory_space<vmem>> -> memref<40x16xf32, #tpu.memory_space<vmem>>
      %dma_wait3A_34 = arith.constant 0 : i32
      %dma_wait3A_35 = tpu.memref_slice %arg4[%mul3A_9, %dma_wait3A_34] : memref<640x16xf32, #tpu.memory_space<vmem_shared>> -> memref<40x16xf32, #tpu.memory_space<vmem_shared>>
      %dma_wait3A_36 = arith.constant 0 : i32
      %dma_wait3A_37 = tpu.memref_slice %arg4[%mul3A_9, %dma_wait3A_36] : memref<640x16xf32, #tpu.memory_space<vmem_shared>> -> memref<40x16xf32, #tpu.memory_space<vmem_shared>>
      %dma_wait3A_38 = arith.constant 0 : i32
      %dma_wait3A_39 = arith.constant 0 : i32
      %dma_wait3A_40 = tpu.memref_slice %arg5[%dma_wait3A_38, %dma_wait3A_39] : memref<640x16xf32, #tpu.memory_space<vmem>> -> memref<40x16xf32, #tpu.memory_space<vmem>>
      tpu.wait_dma2 semaphore(%run_scoped3A : memref<!tpu.dma_semaphore, #tpu.memory_space<semaphore_mem>>) src(%dma_wait3A_40 : memref<40x16xf32, #tpu.memory_space<vmem>>) dst(%dma_wait3A_37 : memref<40x16xf32, #tpu.memory_space<vmem_shared>>)
      tpu.yield
    }) : () -> ()
    %mul3A_10 = arith.constant 20000 : i32
    %mul3A_11 = arith.muli %arg1, %mul3A_10 : i32
    "tpu.region"() ({
      %run_scoped3A = tpu.sem_alloc : memref<!tpu.dma_semaphore, #tpu.memory_space<semaphore_mem>>
      %dma_start3A = tpu.memref_slice %arg2[%arg0, %mul3A_11] : memref<2x320000xi32, #tpu.memory_space<hbm>> -> memref<1x20000xi32, #tpu.memory_space<hbm>>
      %dma_start3A_23 = tpu.memref_squeeze %dma_start3A : memref<1x20000xi32, #tpu.memory_space<hbm>> -> memref<20000xi32, #tpu.memory_space<hbm>>
      %dma_start3A_24 = tpu.memref_slice %arg2[%arg0, %mul3A_11] : memref<2x320000xi32, #tpu.memory_space<hbm>> -> memref<1x20000xi32, #tpu.memory_space<hbm>>
      %dma_start3A_25 = tpu.memref_squeeze %dma_start3A_24 : memref<1x20000xi32, #tpu.memory_space<hbm>> -> memref<20000xi32, #tpu.memory_space<hbm>>
      tpu.enqueue_dma source(%dma_start3A_25 : memref<20000xi32, #tpu.memory_space<hbm>>) target(%arg6 : memref<20000xi32, #tpu.memory_space<vmem>>) target_semaphore(%run_scoped3A : memref<!tpu.dma_semaphore, #tpu.memory_space<semaphore_mem>>)
      %dma_wait3A = tpu.memref_slice %arg2[%arg0, %mul3A_11] : memref<2x320000xi32, #tpu.memory_space<hbm>> -> memref<1x20000xi32, #tpu.memory_space<hbm>>
      %dma_wait3A_26 = tpu.memref_squeeze %dma_wait3A : memref<1x20000xi32, #tpu.memory_space<hbm>> -> memref<20000xi32, #tpu.memory_space<hbm>>
      %dma_wait3A_27 = tpu.memref_slice %arg2[%arg0, %mul3A_11] : memref<2x320000xi32, #tpu.memory_space<hbm>> -> memref<1x20000xi32, #tpu.memory_space<hbm>>
      %dma_wait3A_28 = tpu.memref_squeeze %dma_wait3A_27 : memref<1x20000xi32, #tpu.memory_space<hbm>> -> memref<20000xi32, #tpu.memory_space<hbm>>
      tpu.wait_dma2 semaphore(%run_scoped3A : memref<!tpu.dma_semaphore, #tpu.memory_space<semaphore_mem>>) src(%dma_wait3A_28 : memref<20000xi32, #tpu.memory_space<hbm>>) dst(%arg6 : memref<20000xi32, #tpu.memory_space<vmem>>)
      tpu.yield
    }) : () -> ()
    %barrier3A = arith.constant 0 : index
    tpu.barrier barrier_id(%barrier3A)
    %broadcast_in_dim3A = arith.constant 1.000000e+00 : f32
    %broadcast_in_dim3A_12 = vector.broadcast %broadcast_in_dim3A : f32 to vector<16xf32>
    %scan3A_13 = arith.constant 0 : i32
    %scan3A_14 = arith.constant 1250 : i32
    %scan3A_15 = arith.addi %scan3A_13, %scan3A_14 : i32
    %scan3A_16 = arith.constant 1 : i32
    scf.for %scan3A_23 = %scan3A_13 to %scan3A_15 step %scan3A_16  : i32 {
      %mul3A_24 = arith.constant 1 : i32
      %mul3A_25 = arith.muli %scan3A_23, %mul3A_24 : i32
      %add3A = arith.constant 0 : i32
      %add3A_26 = arith.addi %add3A, %mul3A_25 : i32
      %mul3A_27 = arith.constant 16 : i32
      %mul3A_28 = arith.muli %add3A_26, %mul3A_27 : i32
      %get3A = arith.index_cast %mul3A_28 : i32 to index
      %get3A_29 = tpu.vector_load %arg6[%get3A] {strides = array<i32>} : memref<20000xi32, #tpu.memory_space<vmem>>, vector<16xi32>,
      %shift_right_logical3A = arith.constant 4 : i32
      %shift_right_logical3A_30 = vector.broadcast %shift_right_logical3A : i32 to vector<16xi32>
      %shift_right_logical3A_31 = arith.shrui %get3A_29, %shift_right_logical3A_30 : vector<16xi32>
      %and3A = arith.constant 15 : i32
      %and3A_32 = vector.broadcast %and3A : i32 to vector<16xi32>
      %and3A_33 = arith.andi %get3A_29, %and3A_32 : vector<16xi32>
      tpu.vector_store_idx %arg5[%shift_right_logical3A_31, %and3A_33], %broadcast_in_dim3A_12 {add = true} : memref<640x16xf32, #tpu.memory_space<vmem>>[vector<16xi32>, vector<16xi32>], vector<16xf32>,
    }
    %scan3A_17 = arith.constant 1250 : i32
    "tpu.region"() ({
      %run_scoped3A = tpu.sem_alloc : memref<!tpu.dma_semaphore, #tpu.memory_space<semaphore_mem>>
      %dma_start3A = arith.constant 0 : i32
      %dma_start3A_23 = arith.constant 0 : i32
      %dma_start3A_24 = tpu.memref_slice %arg4[%dma_start3A, %dma_start3A_23] : memref<640x16xf32, #tpu.memory_space<vmem_shared>> -> memref<640x16xf32, #tpu.memory_space<vmem_shared>>
      tpu.enqueue_indirect_dma source(%arg5 : memref<640x16xf32, #tpu.memory_space<vmem>>) target(%dma_start3A_24 : memref<640x16xf32, #tpu.memory_space<vmem_shared>>) offsets(%arg7 : memref<640xi32, #tpu.memory_space<vmem>>) semaphore(%run_scoped3A : memref<!tpu.dma_semaphore, #tpu.memory_space<semaphore_mem>>) {add = true}
      %dma_wait3A = arith.constant 0 : i32
      %dma_wait3A_25 = arith.constant 0 : i32
      %dma_wait3A_26 = tpu.memref_slice %arg4[%dma_wait3A, %dma_wait3A_25] : memref<640x16xf32, #tpu.memory_space<vmem_shared>> -> memref<640x16xf32, #tpu.memory_space<vmem_shared>>
      tpu.wait_indirect_dma semaphore(%run_scoped3A : memref<!tpu.dma_semaphore, #tpu.memory_space<semaphore_mem>>) src(%arg5 : memref<640x16xf32, #tpu.memory_space<vmem>>) dst(%dma_wait3A_26 : memref<640x16xf32, #tpu.memory_space<vmem_shared>>)
      tpu.yield
    }) : () -> ()
    %barrier3A_18 = arith.constant 0 : index
    tpu.barrier barrier_id(%barrier3A_18)
    %mul3A_19 = arith.constant 40 : i32
    %mul3A_20 = arith.muli %arg1, %mul3A_19 : i32
    %mul3A_21 = arith.constant 40 : i32
    %mul3A_22 = arith.muli %arg1, %mul3A_21 : i32
    "tpu.region"() ({
      %run_scoped3A = tpu.sem_alloc : memref<!tpu.dma_semaphore, #tpu.memory_space<semaphore_mem>>
      %dma_start3A = arith.constant 0 : i32
      %dma_start3A_23 = tpu.memref_slice %arg3[%arg0, %mul3A_22, %dma_start3A] : memref<2x640x16xf32, #tpu.memory_space<hbm>> -> memref<1x40x16xf32, #tpu.memory_space<hbm>>
      %dma_start3A_24 = tpu.memref_squeeze %dma_start3A_23 : memref<1x40x16xf32, #tpu.memory_space<hbm>> -> memref<40x16xf32, #tpu.memory_space<hbm>>
      %dma_start3A_25 = arith.constant 0 : i32
      %dma_start3A_26 = tpu.memref_slice %arg4[%mul3A_20, %dma_start3A_25] : memref<640x16xf32, #tpu.memory_space<vmem_shared>> -> memref<40x16xf32, #tpu.memory_space<vmem_shared>>
      tpu.enqueue_dma source(%dma_start3A_26 : memref<40x16xf32, #tpu.memory_space<vmem_shared>>) target(%dma_start3A_24 : memref<40x16xf32, #tpu.memory_space<hbm>>) target_semaphore(%run_scoped3A : memref<!tpu.dma_semaphore, #tpu.memory_space<semaphore_mem>>)
      %dma_wait3A = arith.constant 0 : i32
      %dma_wait3A_27 = tpu.memref_slice %arg3[%arg0, %mul3A_22, %dma_wait3A] : memref<2x640x16xf32, #tpu.memory_space<hbm>> -> memref<1x40x16xf32, #tpu.memory_space<hbm>>
      %dma_wait3A_28 = tpu.memref_squeeze %dma_wait3A_27 : memref<1x40x16xf32, #tpu.memory_space<hbm>> -> memref<40x16xf32, #tpu.memory_space<hbm>>
      %dma_wait3A_29 = arith.constant 0 : i32
      %dma_wait3A_30 = tpu.memref_slice %arg4[%mul3A_20, %dma_wait3A_29] : memref<640x16xf32, #tpu.memory_space<vmem_shared>> -> memref<40x16xf32, #tpu.memory_space<vmem_shared>>
      tpu.wait_dma2 semaphore(%run_scoped3A : memref<!tpu.dma_semaphore, #tpu.memory_space<semaphore_mem>>) src(%dma_wait3A_30 : memref<40x16xf32, #tpu.memory_space<vmem_shared>>) dst(%dma_wait3A_28 : memref<40x16xf32, #tpu.memory_space<hbm>>)
      tpu.yield
    }) : () -> ()
    return
  }
}

#map = affine_map<(d0, d1) -> (0, 0)>
#map1 = affine_map<(d0, d1) -> (0, 0, 0)>
module attributes {stable_mosaic.version = 14 : i64} {
  func.func @_sc_messages(%arg0: i32, %arg1: i32, %arg2: memref<10240x16xf32, #tpu.memory_space<hbm>>, %arg3: memref<2x320000xi32, #tpu.memory_space<hbm>>, %arg4: memref<2x10240x16xf32, #tpu.memory_space<hbm>>, %arg5: memref<10240x16xf32, #tpu.memory_space<vmem_shared>>, %arg6: memref<10240x16xf32, #tpu.memory_space<vmem_shared>>, %arg7: memref<1000xi32, #tpu.memory_space<vmem>>, %arg8: memref<1000xi32, #tpu.memory_space<vmem>>, %arg9: memref<1000xi32, #tpu.memory_space<vmem>>, %arg10: memref<1000xi32, #tpu.memory_space<vmem>>, %arg11: memref<1000xi32, #tpu.memory_space<vmem>>, %arg12: memref<1000xi32, #tpu.memory_space<vmem>>, %arg13: memref<1000xi32, #tpu.memory_space<vmem>>, %arg14: memref<1000xi32, #tpu.memory_space<vmem>>, %arg15: memref<1000xi32, #tpu.memory_space<vmem>>, %arg16: memref<1000xi32, #tpu.memory_space<vmem>>, %arg17: memref<1000xi32, #tpu.memory_space<vmem>>, %arg18: memref<1000xi32, #tpu.memory_space<vmem>>, %arg19: memref<1000xi32, #tpu.memory_space<vmem>>, %arg20: memref<1000xi32, #tpu.memory_space<vmem>>, %arg21: memref<1000xi32, #tpu.memory_space<vmem>>, %arg22: memref<1000xi32, #tpu.memory_space<vmem>>, %arg23: memref<1000xi32, #tpu.memory_space<vmem>>, %arg24: memref<1000xi32, #tpu.memory_space<vmem>>, %arg25: memref<1000xi32, #tpu.memory_space<vmem>>, %arg26: memref<1000xi32, #tpu.memory_space<vmem>>, %arg27: memref<1000x16xf32, #tpu.memory_space<vmem>>, %arg28: memref<1000x16xf32, #tpu.memory_space<vmem>>, %arg29: memref<!tpu.dma_semaphore, #tpu.memory_space<semaphore_mem>>, %arg30: memref<!tpu.dma_semaphore, #tpu.memory_space<semaphore_mem>>, %arg31: memref<!tpu.dma_semaphore, #tpu.memory_space<semaphore_mem>>, %arg32: memref<!tpu.dma_semaphore, #tpu.memory_space<semaphore_mem>>) attributes {dimension_semantics = [#tpu.dimension_semantics<core_parallel>, #tpu.dimension_semantics<subcore_parallel>], iteration_bounds = array<i64: 2, 16>, scalar_prefetch = 0 : i64, scratch_operands = 28 : i64, tpu.core_type = #tpu.core_type<sc_vector_subcore>, window_params = [{transform_indices = #map}, {transform_indices = #map}, {transform_indices = #map1}]} {
    %scan3A = arith.constant 0 : i32
    %scan3A_0 = arith.constant 640 : i32
    %scan3A_1 = arith.addi %scan3A, %scan3A_0 : i32
    %scan3A_2 = arith.constant 1 : i32
    scf.for %scan3A_195 = %scan3A to %scan3A_1 step %scan3A_2  : i32 {
      %mul3A_196 = arith.constant 1 : i32
      %mul3A_197 = arith.muli %scan3A_195, %mul3A_196 : i32
      %add3A_198 = arith.constant 0 : i32
      %add3A_199 = arith.addi %add3A_198, %mul3A_197 : i32
      %broadcast_in_dim3A = arith.constant 0.000000e+00 : f32
      %broadcast_in_dim3A_200 = vector.broadcast %broadcast_in_dim3A : f32 to vector<16xf32>
      %swap3A = arith.index_cast %add3A_199 : i32 to index
      %swap3A_201 = arith.constant 0 : index
      %swap3A_202 = tpu.vector_load %arg27[%swap3A, %swap3A_201] {strides = array<i32>} : memref<1000x16xf32, #tpu.memory_space<vmem>>, vector<1x16xf32>,
      %swap3A_203 = vector.shape_cast %swap3A_202 : vector<1x16xf32> to vector<16xf32>
      %swap3A_204 = vector.shape_cast %broadcast_in_dim3A_200 : vector<16xf32> to vector<1x16xf32>
      tpu.vector_store %arg27[%swap3A, %swap3A_201], %swap3A_204 {strides = array<i32>} : memref<1000x16xf32, #tpu.memory_space<vmem>>, vector<1x16xf32>,
    }
    %scan3A_3 = arith.constant 640 : i32
    %mul3A = arith.constant 640 : i32
    %mul3A_4 = arith.muli %arg1, %mul3A : i32
    %mul3A_5 = arith.constant 640 : i32
    %mul3A_6 = arith.muli %arg1, %mul3A_5 : i32
    "tpu.region"() ({
      %run_scoped3A_195 = tpu.sem_alloc : memref<!tpu.dma_semaphore, #tpu.memory_space<semaphore_mem>>
      %dma_start3A_196 = arith.constant 0 : i32
      %dma_start3A_197 = tpu.memref_slice %arg5[%mul3A_6, %dma_start3A_196] : memref<10240x16xf32, #tpu.memory_space<vmem_shared>> -> memref<640x16xf32, #tpu.memory_space<vmem_shared>>
      %dma_start3A_198 = arith.constant 0 : i32
      %dma_start3A_199 = tpu.memref_slice %arg2[%mul3A_4, %dma_start3A_198] : memref<10240x16xf32, #tpu.memory_space<hbm>> -> memref<640x16xf32, #tpu.memory_space<hbm>>
      tpu.enqueue_dma source(%dma_start3A_199 : memref<640x16xf32, #tpu.memory_space<hbm>>) target(%dma_start3A_197 : memref<640x16xf32, #tpu.memory_space<vmem_shared>>) target_semaphore(%run_scoped3A_195 : memref<!tpu.dma_semaphore, #tpu.memory_space<semaphore_mem>>)
      %dma_wait3A_200 = arith.constant 0 : i32
      %dma_wait3A_201 = tpu.memref_slice %arg5[%mul3A_6, %dma_wait3A_200] : memref<10240x16xf32, #tpu.memory_space<vmem_shared>> -> memref<640x16xf32, #tpu.memory_space<vmem_shared>>
      %dma_wait3A_202 = arith.constant 0 : i32
      %dma_wait3A_203 = tpu.memref_slice %arg2[%mul3A_4, %dma_wait3A_202] : memref<10240x16xf32, #tpu.memory_space<hbm>> -> memref<640x16xf32, #tpu.memory_space<hbm>>
      tpu.wait_dma2 semaphore(%run_scoped3A_195 : memref<!tpu.dma_semaphore, #tpu.memory_space<semaphore_mem>>) src(%dma_wait3A_203 : memref<640x16xf32, #tpu.memory_space<hbm>>) dst(%dma_wait3A_201 : memref<640x16xf32, #tpu.memory_space<vmem_shared>>)
      tpu.yield
    }) : () -> ()
    %mul3A_7 = arith.constant 640 : i32
    %mul3A_8 = arith.muli %arg1, %mul3A_7 : i32
    "tpu.region"() ({
      %run_scoped3A_195 = tpu.sem_alloc : memref<!tpu.dma_semaphore, #tpu.memory_space<semaphore_mem>>
      %dma_start3A_196 = arith.constant 0 : i32
      %dma_start3A_197 = arith.constant 0 : i32
      %dma_start3A_198 = tpu.memref_slice %arg27[%dma_start3A_196, %dma_start3A_197] : memref<1000x16xf32, #tpu.memory_space<vmem>> -> memref<640x16xf32, #tpu.memory_space<vmem>>
      %dma_start3A_199 = arith.constant 0 : i32
      %dma_start3A_200 = tpu.memref_slice %arg6[%mul3A_8, %dma_start3A_199] : memref<10240x16xf32, #tpu.memory_space<vmem_shared>> -> memref<640x16xf32, #tpu.memory_space<vmem_shared>>
      %dma_start3A_201 = arith.constant 0 : i32
      %dma_start3A_202 = tpu.memref_slice %arg6[%mul3A_8, %dma_start3A_201] : memref<10240x16xf32, #tpu.memory_space<vmem_shared>> -> memref<640x16xf32, #tpu.memory_space<vmem_shared>>
      %dma_start3A_203 = arith.constant 0 : i32
      %dma_start3A_204 = arith.constant 0 : i32
      %dma_start3A_205 = tpu.memref_slice %arg27[%dma_start3A_203, %dma_start3A_204] : memref<1000x16xf32, #tpu.memory_space<vmem>> -> memref<640x16xf32, #tpu.memory_space<vmem>>
      tpu.enqueue_dma source(%dma_start3A_205 : memref<640x16xf32, #tpu.memory_space<vmem>>) target(%dma_start3A_202 : memref<640x16xf32, #tpu.memory_space<vmem_shared>>) target_semaphore(%run_scoped3A_195 : memref<!tpu.dma_semaphore, #tpu.memory_space<semaphore_mem>>)
      %dma_wait3A_206 = arith.constant 0 : i32
      %dma_wait3A_207 = arith.constant 0 : i32
      %dma_wait3A_208 = tpu.memref_slice %arg27[%dma_wait3A_206, %dma_wait3A_207] : memref<1000x16xf32, #tpu.memory_space<vmem>> -> memref<640x16xf32, #tpu.memory_space<vmem>>
      %dma_wait3A_209 = arith.constant 0 : i32
      %dma_wait3A_210 = tpu.memref_slice %arg6[%mul3A_8, %dma_wait3A_209] : memref<10240x16xf32, #tpu.memory_space<vmem_shared>> -> memref<640x16xf32, #tpu.memory_space<vmem_shared>>
      %dma_wait3A_211 = arith.constant 0 : i32
      %dma_wait3A_212 = tpu.memref_slice %arg6[%mul3A_8, %dma_wait3A_211] : memref<10240x16xf32, #tpu.memory_space<vmem_shared>> -> memref<640x16xf32, #tpu.memory_space<vmem_shared>>
      %dma_wait3A_213 = arith.constant 0 : i32
      %dma_wait3A_214 = arith.constant 0 : i32
      %dma_wait3A_215 = tpu.memref_slice %arg27[%dma_wait3A_213, %dma_wait3A_214] : memref<1000x16xf32, #tpu.memory_space<vmem>> -> memref<640x16xf32, #tpu.memory_space<vmem>>
      tpu.wait_dma2 semaphore(%run_scoped3A_195 : memref<!tpu.dma_semaphore, #tpu.memory_space<semaphore_mem>>) src(%dma_wait3A_215 : memref<640x16xf32, #tpu.memory_space<vmem>>) dst(%dma_wait3A_212 : memref<640x16xf32, #tpu.memory_space<vmem_shared>>)
      tpu.yield
    }) : () -> ()
    %mul3A_9 = arith.constant 16 : i32
    %mul3A_10 = arith.muli %arg0, %mul3A_9 : i32
    %add3A = arith.addi %mul3A_10, %arg1 : i32
    %mul3A_11 = arith.constant 10000 : i32
    %mul3A_12 = arith.muli %add3A, %mul3A_11 : i32
    %add3A_13 = arith.constant 0 : i32
    %add3A_14 = arith.addi %mul3A_12, %add3A_13 : i32
    %run_scoped3A = arith.constant 0 : i32
    "tpu.region"() ({
      %run_scoped3A_195 = tpu.sem_alloc : memref<!tpu.dma_semaphore, #tpu.memory_space<semaphore_mem>>
      %dma_start3A_196 = tpu.memref_slice %arg3[%run_scoped3A, %add3A_14] : memref<2x320000xi32, #tpu.memory_space<hbm>> -> memref<1x1000xi32, #tpu.memory_space<hbm>>
      %dma_start3A_197 = tpu.memref_squeeze %dma_start3A_196 : memref<1x1000xi32, #tpu.memory_space<hbm>> -> memref<1000xi32, #tpu.memory_space<hbm>>
      %dma_start3A_198 = tpu.memref_slice %arg3[%run_scoped3A, %add3A_14] : memref<2x320000xi32, #tpu.memory_space<hbm>> -> memref<1x1000xi32, #tpu.memory_space<hbm>>
      %dma_start3A_199 = tpu.memref_squeeze %dma_start3A_198 : memref<1x1000xi32, #tpu.memory_space<hbm>> -> memref<1000xi32, #tpu.memory_space<hbm>>
      tpu.enqueue_dma source(%dma_start3A_199 : memref<1000xi32, #tpu.memory_space<hbm>>) target(%arg7 : memref<1000xi32, #tpu.memory_space<vmem>>) target_semaphore(%run_scoped3A_195 : memref<!tpu.dma_semaphore, #tpu.memory_space<semaphore_mem>>)
      %dma_wait3A_200 = tpu.memref_slice %arg3[%run_scoped3A, %add3A_14] : memref<2x320000xi32, #tpu.memory_space<hbm>> -> memref<1x1000xi32, #tpu.memory_space<hbm>>
      %dma_wait3A_201 = tpu.memref_squeeze %dma_wait3A_200 : memref<1x1000xi32, #tpu.memory_space<hbm>> -> memref<1000xi32, #tpu.memory_space<hbm>>
      %dma_wait3A_202 = tpu.memref_slice %arg3[%run_scoped3A, %add3A_14] : memref<2x320000xi32, #tpu.memory_space<hbm>> -> memref<1x1000xi32, #tpu.memory_space<hbm>>
      %dma_wait3A_203 = tpu.memref_squeeze %dma_wait3A_202 : memref<1x1000xi32, #tpu.memory_space<hbm>> -> memref<1000xi32, #tpu.memory_space<hbm>>
      tpu.wait_dma2 semaphore(%run_scoped3A_195 : memref<!tpu.dma_semaphore, #tpu.memory_space<semaphore_mem>>) src(%dma_wait3A_203 : memref<1000xi32, #tpu.memory_space<hbm>>) dst(%arg7 : memref<1000xi32, #tpu.memory_space<vmem>>)
      tpu.yield
    }) : () -> ()
    %add3A_15 = arith.constant 0 : i32
    %add3A_16 = arith.addi %mul3A_12, %add3A_15 : i32
    %run_scoped3A_17 = arith.constant 1 : i32
    "tpu.region"() ({
      %run_scoped3A_195 = tpu.sem_alloc : memref<!tpu.dma_semaphore, #tpu.memory_space<semaphore_mem>>
      %dma_start3A_196 = tpu.memref_slice %arg3[%run_scoped3A_17, %add3A_16] : memref<2x320000xi32, #tpu.memory_space<hbm>> -> memref<1x1000xi32, #tpu.memory_space<hbm>>
      %dma_start3A_197 = tpu.memref_squeeze %dma_start3A_196 : memref<1x1000xi32, #tpu.memory_space<hbm>> -> memref<1000xi32, #tpu.memory_space<hbm>>
      %dma_start3A_198 = tpu.memref_slice %arg3[%run_scoped3A_17, %add3A_16] : memref<2x320000xi32, #tpu.memory_space<hbm>> -> memref<1x1000xi32, #tpu.memory_space<hbm>>
      %dma_start3A_199 = tpu.memref_squeeze %dma_start3A_198 : memref<1x1000xi32, #tpu.memory_space<hbm>> -> memref<1000xi32, #tpu.memory_space<hbm>>
      tpu.enqueue_dma source(%dma_start3A_199 : memref<1000xi32, #tpu.memory_space<hbm>>) target(%arg17 : memref<1000xi32, #tpu.memory_space<vmem>>) target_semaphore(%run_scoped3A_195 : memref<!tpu.dma_semaphore, #tpu.memory_space<semaphore_mem>>)
      %dma_wait3A_200 = tpu.memref_slice %arg3[%run_scoped3A_17, %add3A_16] : memref<2x320000xi32, #tpu.memory_space<hbm>> -> memref<1x1000xi32, #tpu.memory_space<hbm>>
      %dma_wait3A_201 = tpu.memref_squeeze %dma_wait3A_200 : memref<1x1000xi32, #tpu.memory_space<hbm>> -> memref<1000xi32, #tpu.memory_space<hbm>>
      %dma_wait3A_202 = tpu.memref_slice %arg3[%run_scoped3A_17, %add3A_16] : memref<2x320000xi32, #tpu.memory_space<hbm>> -> memref<1x1000xi32, #tpu.memory_space<hbm>>
      %dma_wait3A_203 = tpu.memref_squeeze %dma_wait3A_202 : memref<1x1000xi32, #tpu.memory_space<hbm>> -> memref<1000xi32, #tpu.memory_space<hbm>>
      tpu.wait_dma2 semaphore(%run_scoped3A_195 : memref<!tpu.dma_semaphore, #tpu.memory_space<semaphore_mem>>) src(%dma_wait3A_203 : memref<1000xi32, #tpu.memory_space<hbm>>) dst(%arg17 : memref<1000xi32, #tpu.memory_space<vmem>>)
      tpu.yield
    }) : () -> ()
    %add3A_18 = arith.constant 1000 : i32
    %add3A_19 = arith.addi %mul3A_12, %add3A_18 : i32
    %run_scoped3A_20 = arith.constant 0 : i32
    "tpu.region"() ({
      %run_scoped3A_195 = tpu.sem_alloc : memref<!tpu.dma_semaphore, #tpu.memory_space<semaphore_mem>>
      %dma_start3A_196 = tpu.memref_slice %arg3[%run_scoped3A_20, %add3A_19] : memref<2x320000xi32, #tpu.memory_space<hbm>> -> memref<1x1000xi32, #tpu.memory_space<hbm>>
      %dma_start3A_197 = tpu.memref_squeeze %dma_start3A_196 : memref<1x1000xi32, #tpu.memory_space<hbm>> -> memref<1000xi32, #tpu.memory_space<hbm>>
      %dma_start3A_198 = tpu.memref_slice %arg3[%run_scoped3A_20, %add3A_19] : memref<2x320000xi32, #tpu.memory_space<hbm>> -> memref<1x1000xi32, #tpu.memory_space<hbm>>
      %dma_start3A_199 = tpu.memref_squeeze %dma_start3A_198 : memref<1x1000xi32, #tpu.memory_space<hbm>> -> memref<1000xi32, #tpu.memory_space<hbm>>
      tpu.enqueue_dma source(%dma_start3A_199 : memref<1000xi32, #tpu.memory_space<hbm>>) target(%arg8 : memref<1000xi32, #tpu.memory_space<vmem>>) target_semaphore(%run_scoped3A_195 : memref<!tpu.dma_semaphore, #tpu.memory_space<semaphore_mem>>)
      %dma_wait3A_200 = tpu.memref_slice %arg3[%run_scoped3A_20, %add3A_19] : memref<2x320000xi32, #tpu.memory_space<hbm>> -> memref<1x1000xi32, #tpu.memory_space<hbm>>
      %dma_wait3A_201 = tpu.memref_squeeze %dma_wait3A_200 : memref<1x1000xi32, #tpu.memory_space<hbm>> -> memref<1000xi32, #tpu.memory_space<hbm>>
      %dma_wait3A_202 = tpu.memref_slice %arg3[%run_scoped3A_20, %add3A_19] : memref<2x320000xi32, #tpu.memory_space<hbm>> -> memref<1x1000xi32, #tpu.memory_space<hbm>>
      %dma_wait3A_203 = tpu.memref_squeeze %dma_wait3A_202 : memref<1x1000xi32, #tpu.memory_space<hbm>> -> memref<1000xi32, #tpu.memory_space<hbm>>
      tpu.wait_dma2 semaphore(%run_scoped3A_195 : memref<!tpu.dma_semaphore, #tpu.memory_space<semaphore_mem>>) src(%dma_wait3A_203 : memref<1000xi32, #tpu.memory_space<hbm>>) dst(%arg8 : memref<1000xi32, #tpu.memory_space<vmem>>)
      tpu.yield
    }) : () -> ()
    %add3A_21 = arith.constant 1000 : i32
    %add3A_22 = arith.addi %mul3A_12, %add3A_21 : i32
    %run_scoped3A_23 = arith.constant 1 : i32
    "tpu.region"() ({
      %run_scoped3A_195 = tpu.sem_alloc : memref<!tpu.dma_semaphore, #tpu.memory_space<semaphore_mem>>
      %dma_start3A_196 = tpu.memref_slice %arg3[%run_scoped3A_23, %add3A_22] : memref<2x320000xi32, #tpu.memory_space<hbm>> -> memref<1x1000xi32, #tpu.memory_space<hbm>>
      %dma_start3A_197 = tpu.memref_squeeze %dma_start3A_196 : memref<1x1000xi32, #tpu.memory_space<hbm>> -> memref<1000xi32, #tpu.memory_space<hbm>>
      %dma_start3A_198 = tpu.memref_slice %arg3[%run_scoped3A_23, %add3A_22] : memref<2x320000xi32, #tpu.memory_space<hbm>> -> memref<1x1000xi32, #tpu.memory_space<hbm>>
      %dma_start3A_199 = tpu.memref_squeeze %dma_start3A_198 : memref<1x1000xi32, #tpu.memory_space<hbm>> -> memref<1000xi32, #tpu.memory_space<hbm>>
      tpu.enqueue_dma source(%dma_start3A_199 : memref<1000xi32, #tpu.memory_space<hbm>>) target(%arg18 : memref<1000xi32, #tpu.memory_space<vmem>>) target_semaphore(%run_scoped3A_195 : memref<!tpu.dma_semaphore, #tpu.memory_space<semaphore_mem>>)
      %dma_wait3A_200 = tpu.memref_slice %arg3[%run_scoped3A_23, %add3A_22] : memref<2x320000xi32, #tpu.memory_space<hbm>> -> memref<1x1000xi32, #tpu.memory_space<hbm>>
      %dma_wait3A_201 = tpu.memref_squeeze %dma_wait3A_200 : memref<1x1000xi32, #tpu.memory_space<hbm>> -> memref<1000xi32, #tpu.memory_space<hbm>>
      %dma_wait3A_202 = tpu.memref_slice %arg3[%run_scoped3A_23, %add3A_22] : memref<2x320000xi32, #tpu.memory_space<hbm>> -> memref<1x1000xi32, #tpu.memory_space<hbm>>
      %dma_wait3A_203 = tpu.memref_squeeze %dma_wait3A_202 : memref<1x1000xi32, #tpu.memory_space<hbm>> -> memref<1000xi32, #tpu.memory_space<hbm>>
      tpu.wait_dma2 semaphore(%run_scoped3A_195 : memref<!tpu.dma_semaphore, #tpu.memory_space<semaphore_mem>>) src(%dma_wait3A_203 : memref<1000xi32, #tpu.memory_space<hbm>>) dst(%arg18 : memref<1000xi32, #tpu.memory_space<vmem>>)
      tpu.yield
    }) : () -> ()
    %add3A_24 = arith.constant 2000 : i32
    %add3A_25 = arith.addi %mul3A_12, %add3A_24 : i32
    %run_scoped3A_26 = arith.constant 0 : i32
    "tpu.region"() ({
      %run_scoped3A_195 = tpu.sem_alloc : memref<!tpu.dma_semaphore, #tpu.memory_space<semaphore_mem>>
      %dma_start3A_196 = tpu.memref_slice %arg3[%run_scoped3A_26, %add3A_25] : memref<2x320000xi32, #tpu.memory_space<hbm>> -> memref<1x1000xi32, #tpu.memory_space<hbm>>
      %dma_start3A_197 = tpu.memref_squeeze %dma_start3A_196 : memref<1x1000xi32, #tpu.memory_space<hbm>> -> memref<1000xi32, #tpu.memory_space<hbm>>
      %dma_start3A_198 = tpu.memref_slice %arg3[%run_scoped3A_26, %add3A_25] : memref<2x320000xi32, #tpu.memory_space<hbm>> -> memref<1x1000xi32, #tpu.memory_space<hbm>>
      %dma_start3A_199 = tpu.memref_squeeze %dma_start3A_198 : memref<1x1000xi32, #tpu.memory_space<hbm>> -> memref<1000xi32, #tpu.memory_space<hbm>>
      tpu.enqueue_dma source(%dma_start3A_199 : memref<1000xi32, #tpu.memory_space<hbm>>) target(%arg9 : memref<1000xi32, #tpu.memory_space<vmem>>) target_semaphore(%run_scoped3A_195 : memref<!tpu.dma_semaphore, #tpu.memory_space<semaphore_mem>>)
      %dma_wait3A_200 = tpu.memref_slice %arg3[%run_scoped3A_26, %add3A_25] : memref<2x320000xi32, #tpu.memory_space<hbm>> -> memref<1x1000xi32, #tpu.memory_space<hbm>>
      %dma_wait3A_201 = tpu.memref_squeeze %dma_wait3A_200 : memref<1x1000xi32, #tpu.memory_space<hbm>> -> memref<1000xi32, #tpu.memory_space<hbm>>
      %dma_wait3A_202 = tpu.memref_slice %arg3[%run_scoped3A_26, %add3A_25] : memref<2x320000xi32, #tpu.memory_space<hbm>> -> memref<1x1000xi32, #tpu.memory_space<hbm>>
      %dma_wait3A_203 = tpu.memref_squeeze %dma_wait3A_202 : memref<1x1000xi32, #tpu.memory_space<hbm>> -> memref<1000xi32, #tpu.memory_space<hbm>>
      tpu.wait_dma2 semaphore(%run_scoped3A_195 : memref<!tpu.dma_semaphore, #tpu.memory_space<semaphore_mem>>) src(%dma_wait3A_203 : memref<1000xi32, #tpu.memory_space<hbm>>) dst(%arg9 : memref<1000xi32, #tpu.memory_space<vmem>>)
      tpu.yield
    }) : () -> ()
    %add3A_27 = arith.constant 2000 : i32
    %add3A_28 = arith.addi %mul3A_12, %add3A_27 : i32
    %run_scoped3A_29 = arith.constant 1 : i32
    "tpu.region"() ({
      %run_scoped3A_195 = tpu.sem_alloc : memref<!tpu.dma_semaphore, #tpu.memory_space<semaphore_mem>>
      %dma_start3A_196 = tpu.memref_slice %arg3[%run_scoped3A_29, %add3A_28] : memref<2x320000xi32, #tpu.memory_space<hbm>> -> memref<1x1000xi32, #tpu.memory_space<hbm>>
      %dma_start3A_197 = tpu.memref_squeeze %dma_start3A_196 : memref<1x1000xi32, #tpu.memory_space<hbm>> -> memref<1000xi32, #tpu.memory_space<hbm>>
      %dma_start3A_198 = tpu.memref_slice %arg3[%run_scoped3A_29, %add3A_28] : memref<2x320000xi32, #tpu.memory_space<hbm>> -> memref<1x1000xi32, #tpu.memory_space<hbm>>
      %dma_start3A_199 = tpu.memref_squeeze %dma_start3A_198 : memref<1x1000xi32, #tpu.memory_space<hbm>> -> memref<1000xi32, #tpu.memory_space<hbm>>
      tpu.enqueue_dma source(%dma_start3A_199 : memref<1000xi32, #tpu.memory_space<hbm>>) target(%arg19 : memref<1000xi32, #tpu.memory_space<vmem>>) target_semaphore(%run_scoped3A_195 : memref<!tpu.dma_semaphore, #tpu.memory_space<semaphore_mem>>)
      %dma_wait3A_200 = tpu.memref_slice %arg3[%run_scoped3A_29, %add3A_28] : memref<2x320000xi32, #tpu.memory_space<hbm>> -> memref<1x1000xi32, #tpu.memory_space<hbm>>
      %dma_wait3A_201 = tpu.memref_squeeze %dma_wait3A_200 : memref<1x1000xi32, #tpu.memory_space<hbm>> -> memref<1000xi32, #tpu.memory_space<hbm>>
      %dma_wait3A_202 = tpu.memref_slice %arg3[%run_scoped3A_29, %add3A_28] : memref<2x320000xi32, #tpu.memory_space<hbm>> -> memref<1x1000xi32, #tpu.memory_space<hbm>>
      %dma_wait3A_203 = tpu.memref_squeeze %dma_wait3A_202 : memref<1x1000xi32, #tpu.memory_space<hbm>> -> memref<1000xi32, #tpu.memory_space<hbm>>
      tpu.wait_dma2 semaphore(%run_scoped3A_195 : memref<!tpu.dma_semaphore, #tpu.memory_space<semaphore_mem>>) src(%dma_wait3A_203 : memref<1000xi32, #tpu.memory_space<hbm>>) dst(%arg19 : memref<1000xi32, #tpu.memory_space<vmem>>)
      tpu.yield
    }) : () -> ()
    %add3A_30 = arith.constant 3000 : i32
    %add3A_31 = arith.addi %mul3A_12, %add3A_30 : i32
    %run_scoped3A_32 = arith.constant 0 : i32
    "tpu.region"() ({
      %run_scoped3A_195 = tpu.sem_alloc : memref<!tpu.dma_semaphore, #tpu.memory_space<semaphore_mem>>
      %dma_start3A_196 = tpu.memref_slice %arg3[%run_scoped3A_32, %add3A_31] : memref<2x320000xi32, #tpu.memory_space<hbm>> -> memref<1x1000xi32, #tpu.memory_space<hbm>>
      %dma_start3A_197 = tpu.memref_squeeze %dma_start3A_196 : memref<1x1000xi32, #tpu.memory_space<hbm>> -> memref<1000xi32, #tpu.memory_space<hbm>>
      %dma_start3A_198 = tpu.memref_slice %arg3[%run_scoped3A_32, %add3A_31] : memref<2x320000xi32, #tpu.memory_space<hbm>> -> memref<1x1000xi32, #tpu.memory_space<hbm>>
      %dma_start3A_199 = tpu.memref_squeeze %dma_start3A_198 : memref<1x1000xi32, #tpu.memory_space<hbm>> -> memref<1000xi32, #tpu.memory_space<hbm>>
      tpu.enqueue_dma source(%dma_start3A_199 : memref<1000xi32, #tpu.memory_space<hbm>>) target(%arg10 : memref<1000xi32, #tpu.memory_space<vmem>>) target_semaphore(%run_scoped3A_195 : memref<!tpu.dma_semaphore, #tpu.memory_space<semaphore_mem>>)
      %dma_wait3A_200 = tpu.memref_slice %arg3[%run_scoped3A_32, %add3A_31] : memref<2x320000xi32, #tpu.memory_space<hbm>> -> memref<1x1000xi32, #tpu.memory_space<hbm>>
      %dma_wait3A_201 = tpu.memref_squeeze %dma_wait3A_200 : memref<1x1000xi32, #tpu.memory_space<hbm>> -> memref<1000xi32, #tpu.memory_space<hbm>>
      %dma_wait3A_202 = tpu.memref_slice %arg3[%run_scoped3A_32, %add3A_31] : memref<2x320000xi32, #tpu.memory_space<hbm>> -> memref<1x1000xi32, #tpu.memory_space<hbm>>
      %dma_wait3A_203 = tpu.memref_squeeze %dma_wait3A_202 : memref<1x1000xi32, #tpu.memory_space<hbm>> -> memref<1000xi32, #tpu.memory_space<hbm>>
      tpu.wait_dma2 semaphore(%run_scoped3A_195 : memref<!tpu.dma_semaphore, #tpu.memory_space<semaphore_mem>>) src(%dma_wait3A_203 : memref<1000xi32, #tpu.memory_space<hbm>>) dst(%arg10 : memref<1000xi32, #tpu.memory_space<vmem>>)
      tpu.yield
    }) : () -> ()
    %add3A_33 = arith.constant 3000 : i32
    %add3A_34 = arith.addi %mul3A_12, %add3A_33 : i32
    %run_scoped3A_35 = arith.constant 1 : i32
    "tpu.region"() ({
      %run_scoped3A_195 = tpu.sem_alloc : memref<!tpu.dma_semaphore, #tpu.memory_space<semaphore_mem>>
      %dma_start3A_196 = tpu.memref_slice %arg3[%run_scoped3A_35, %add3A_34] : memref<2x320000xi32, #tpu.memory_space<hbm>> -> memref<1x1000xi32, #tpu.memory_space<hbm>>
      %dma_start3A_197 = tpu.memref_squeeze %dma_start3A_196 : memref<1x1000xi32, #tpu.memory_space<hbm>> -> memref<1000xi32, #tpu.memory_space<hbm>>
      %dma_start3A_198 = tpu.memref_slice %arg3[%run_scoped3A_35, %add3A_34] : memref<2x320000xi32, #tpu.memory_space<hbm>> -> memref<1x1000xi32, #tpu.memory_space<hbm>>
      %dma_start3A_199 = tpu.memref_squeeze %dma_start3A_198 : memref<1x1000xi32, #tpu.memory_space<hbm>> -> memref<1000xi32, #tpu.memory_space<hbm>>
      tpu.enqueue_dma source(%dma_start3A_199 : memref<1000xi32, #tpu.memory_space<hbm>>) target(%arg20 : memref<1000xi32, #tpu.memory_space<vmem>>) target_semaphore(%run_scoped3A_195 : memref<!tpu.dma_semaphore, #tpu.memory_space<semaphore_mem>>)
      %dma_wait3A_200 = tpu.memref_slice %arg3[%run_scoped3A_35, %add3A_34] : memref<2x320000xi32, #tpu.memory_space<hbm>> -> memref<1x1000xi32, #tpu.memory_space<hbm>>
      %dma_wait3A_201 = tpu.memref_squeeze %dma_wait3A_200 : memref<1x1000xi32, #tpu.memory_space<hbm>> -> memref<1000xi32, #tpu.memory_space<hbm>>
      %dma_wait3A_202 = tpu.memref_slice %arg3[%run_scoped3A_35, %add3A_34] : memref<2x320000xi32, #tpu.memory_space<hbm>> -> memref<1x1000xi32, #tpu.memory_space<hbm>>
      %dma_wait3A_203 = tpu.memref_squeeze %dma_wait3A_202 : memref<1x1000xi32, #tpu.memory_space<hbm>> -> memref<1000xi32, #tpu.memory_space<hbm>>
      tpu.wait_dma2 semaphore(%run_scoped3A_195 : memref<!tpu.dma_semaphore, #tpu.memory_space<semaphore_mem>>) src(%dma_wait3A_203 : memref<1000xi32, #tpu.memory_space<hbm>>) dst(%arg20 : memref<1000xi32, #tpu.memory_space<vmem>>)
      tpu.yield
    }) : () -> ()
    %add3A_36 = arith.constant 4000 : i32
    %add3A_37 = arith.addi %mul3A_12, %add3A_36 : i32
    %run_scoped3A_38 = arith.constant 0 : i32
    "tpu.region"() ({
      %run_scoped3A_195 = tpu.sem_alloc : memref<!tpu.dma_semaphore, #tpu.memory_space<semaphore_mem>>
      %dma_start3A_196 = tpu.memref_slice %arg3[%run_scoped3A_38, %add3A_37] : memref<2x320000xi32, #tpu.memory_space<hbm>> -> memref<1x1000xi32, #tpu.memory_space<hbm>>
      %dma_start3A_197 = tpu.memref_squeeze %dma_start3A_196 : memref<1x1000xi32, #tpu.memory_space<hbm>> -> memref<1000xi32, #tpu.memory_space<hbm>>
      %dma_start3A_198 = tpu.memref_slice %arg3[%run_scoped3A_38, %add3A_37] : memref<2x320000xi32, #tpu.memory_space<hbm>> -> memref<1x1000xi32, #tpu.memory_space<hbm>>
      %dma_start3A_199 = tpu.memref_squeeze %dma_start3A_198 : memref<1x1000xi32, #tpu.memory_space<hbm>> -> memref<1000xi32, #tpu.memory_space<hbm>>
      tpu.enqueue_dma source(%dma_start3A_199 : memref<1000xi32, #tpu.memory_space<hbm>>) target(%arg11 : memref<1000xi32, #tpu.memory_space<vmem>>) target_semaphore(%run_scoped3A_195 : memref<!tpu.dma_semaphore, #tpu.memory_space<semaphore_mem>>)
      %dma_wait3A_200 = tpu.memref_slice %arg3[%run_scoped3A_38, %add3A_37] : memref<2x320000xi32, #tpu.memory_space<hbm>> -> memref<1x1000xi32, #tpu.memory_space<hbm>>
      %dma_wait3A_201 = tpu.memref_squeeze %dma_wait3A_200 : memref<1x1000xi32, #tpu.memory_space<hbm>> -> memref<1000xi32, #tpu.memory_space<hbm>>
      %dma_wait3A_202 = tpu.memref_slice %arg3[%run_scoped3A_38, %add3A_37] : memref<2x320000xi32, #tpu.memory_space<hbm>> -> memref<1x1000xi32, #tpu.memory_space<hbm>>
      %dma_wait3A_203 = tpu.memref_squeeze %dma_wait3A_202 : memref<1x1000xi32, #tpu.memory_space<hbm>> -> memref<1000xi32, #tpu.memory_space<hbm>>
      tpu.wait_dma2 semaphore(%run_scoped3A_195 : memref<!tpu.dma_semaphore, #tpu.memory_space<semaphore_mem>>) src(%dma_wait3A_203 : memref<1000xi32, #tpu.memory_space<hbm>>) dst(%arg11 : memref<1000xi32, #tpu.memory_space<vmem>>)
      tpu.yield
    }) : () -> ()
    %add3A_39 = arith.constant 4000 : i32
    %add3A_40 = arith.addi %mul3A_12, %add3A_39 : i32
    %run_scoped3A_41 = arith.constant 1 : i32
    "tpu.region"() ({
      %run_scoped3A_195 = tpu.sem_alloc : memref<!tpu.dma_semaphore, #tpu.memory_space<semaphore_mem>>
      %dma_start3A_196 = tpu.memref_slice %arg3[%run_scoped3A_41, %add3A_40] : memref<2x320000xi32, #tpu.memory_space<hbm>> -> memref<1x1000xi32, #tpu.memory_space<hbm>>
      %dma_start3A_197 = tpu.memref_squeeze %dma_start3A_196 : memref<1x1000xi32, #tpu.memory_space<hbm>> -> memref<1000xi32, #tpu.memory_space<hbm>>
      %dma_start3A_198 = tpu.memref_slice %arg3[%run_scoped3A_41, %add3A_40] : memref<2x320000xi32, #tpu.memory_space<hbm>> -> memref<1x1000xi32, #tpu.memory_space<hbm>>
      %dma_start3A_199 = tpu.memref_squeeze %dma_start3A_198 : memref<1x1000xi32, #tpu.memory_space<hbm>> -> memref<1000xi32, #tpu.memory_space<hbm>>
      tpu.enqueue_dma source(%dma_start3A_199 : memref<1000xi32, #tpu.memory_space<hbm>>) target(%arg21 : memref<1000xi32, #tpu.memory_space<vmem>>) target_semaphore(%run_scoped3A_195 : memref<!tpu.dma_semaphore, #tpu.memory_space<semaphore_mem>>)
      %dma_wait3A_200 = tpu.memref_slice %arg3[%run_scoped3A_41, %add3A_40] : memref<2x320000xi32, #tpu.memory_space<hbm>> -> memref<1x1000xi32, #tpu.memory_space<hbm>>
      %dma_wait3A_201 = tpu.memref_squeeze %dma_wait3A_200 : memref<1x1000xi32, #tpu.memory_space<hbm>> -> memref<1000xi32, #tpu.memory_space<hbm>>
      %dma_wait3A_202 = tpu.memref_slice %arg3[%run_scoped3A_41, %add3A_40] : memref<2x320000xi32, #tpu.memory_space<hbm>> -> memref<1x1000xi32, #tpu.memory_space<hbm>>
      %dma_wait3A_203 = tpu.memref_squeeze %dma_wait3A_202 : memref<1x1000xi32, #tpu.memory_space<hbm>> -> memref<1000xi32, #tpu.memory_space<hbm>>
      tpu.wait_dma2 semaphore(%run_scoped3A_195 : memref<!tpu.dma_semaphore, #tpu.memory_space<semaphore_mem>>) src(%dma_wait3A_203 : memref<1000xi32, #tpu.memory_space<hbm>>) dst(%arg21 : memref<1000xi32, #tpu.memory_space<vmem>>)
      tpu.yield
    }) : () -> ()
    %add3A_42 = arith.constant 5000 : i32
    %add3A_43 = arith.addi %mul3A_12, %add3A_42 : i32
    %run_scoped3A_44 = arith.constant 0 : i32
    "tpu.region"() ({
      %run_scoped3A_195 = tpu.sem_alloc : memref<!tpu.dma_semaphore, #tpu.memory_space<semaphore_mem>>
      %dma_start3A_196 = tpu.memref_slice %arg3[%run_scoped3A_44, %add3A_43] : memref<2x320000xi32, #tpu.memory_space<hbm>> -> memref<1x1000xi32, #tpu.memory_space<hbm>>
      %dma_start3A_197 = tpu.memref_squeeze %dma_start3A_196 : memref<1x1000xi32, #tpu.memory_space<hbm>> -> memref<1000xi32, #tpu.memory_space<hbm>>
      %dma_start3A_198 = tpu.memref_slice %arg3[%run_scoped3A_44, %add3A_43] : memref<2x320000xi32, #tpu.memory_space<hbm>> -> memref<1x1000xi32, #tpu.memory_space<hbm>>
      %dma_start3A_199 = tpu.memref_squeeze %dma_start3A_198 : memref<1x1000xi32, #tpu.memory_space<hbm>> -> memref<1000xi32, #tpu.memory_space<hbm>>
      tpu.enqueue_dma source(%dma_start3A_199 : memref<1000xi32, #tpu.memory_space<hbm>>) target(%arg12 : memref<1000xi32, #tpu.memory_space<vmem>>) target_semaphore(%run_scoped3A_195 : memref<!tpu.dma_semaphore, #tpu.memory_space<semaphore_mem>>)
      %dma_wait3A_200 = tpu.memref_slice %arg3[%run_scoped3A_44, %add3A_43] : memref<2x320000xi32, #tpu.memory_space<hbm>> -> memref<1x1000xi32, #tpu.memory_space<hbm>>
      %dma_wait3A_201 = tpu.memref_squeeze %dma_wait3A_200 : memref<1x1000xi32, #tpu.memory_space<hbm>> -> memref<1000xi32, #tpu.memory_space<hbm>>
      %dma_wait3A_202 = tpu.memref_slice %arg3[%run_scoped3A_44, %add3A_43] : memref<2x320000xi32, #tpu.memory_space<hbm>> -> memref<1x1000xi32, #tpu.memory_space<hbm>>
      %dma_wait3A_203 = tpu.memref_squeeze %dma_wait3A_202 : memref<1x1000xi32, #tpu.memory_space<hbm>> -> memref<1000xi32, #tpu.memory_space<hbm>>
      tpu.wait_dma2 semaphore(%run_scoped3A_195 : memref<!tpu.dma_semaphore, #tpu.memory_space<semaphore_mem>>) src(%dma_wait3A_203 : memref<1000xi32, #tpu.memory_space<hbm>>) dst(%arg12 : memref<1000xi32, #tpu.memory_space<vmem>>)
      tpu.yield
    }) : () -> ()
    %add3A_45 = arith.constant 5000 : i32
    %add3A_46 = arith.addi %mul3A_12, %add3A_45 : i32
    %run_scoped3A_47 = arith.constant 1 : i32
    "tpu.region"() ({
      %run_scoped3A_195 = tpu.sem_alloc : memref<!tpu.dma_semaphore, #tpu.memory_space<semaphore_mem>>
      %dma_start3A_196 = tpu.memref_slice %arg3[%run_scoped3A_47, %add3A_46] : memref<2x320000xi32, #tpu.memory_space<hbm>> -> memref<1x1000xi32, #tpu.memory_space<hbm>>
      %dma_start3A_197 = tpu.memref_squeeze %dma_start3A_196 : memref<1x1000xi32, #tpu.memory_space<hbm>> -> memref<1000xi32, #tpu.memory_space<hbm>>
      %dma_start3A_198 = tpu.memref_slice %arg3[%run_scoped3A_47, %add3A_46] : memref<2x320000xi32, #tpu.memory_space<hbm>> -> memref<1x1000xi32, #tpu.memory_space<hbm>>
      %dma_start3A_199 = tpu.memref_squeeze %dma_start3A_198 : memref<1x1000xi32, #tpu.memory_space<hbm>> -> memref<1000xi32, #tpu.memory_space<hbm>>
      tpu.enqueue_dma source(%dma_start3A_199 : memref<1000xi32, #tpu.memory_space<hbm>>) target(%arg22 : memref<1000xi32, #tpu.memory_space<vmem>>) target_semaphore(%run_scoped3A_195 : memref<!tpu.dma_semaphore, #tpu.memory_space<semaphore_mem>>)
      %dma_wait3A_200 = tpu.memref_slice %arg3[%run_scoped3A_47, %add3A_46] : memref<2x320000xi32, #tpu.memory_space<hbm>> -> memref<1x1000xi32, #tpu.memory_space<hbm>>
      %dma_wait3A_201 = tpu.memref_squeeze %dma_wait3A_200 : memref<1x1000xi32, #tpu.memory_space<hbm>> -> memref<1000xi32, #tpu.memory_space<hbm>>
      %dma_wait3A_202 = tpu.memref_slice %arg3[%run_scoped3A_47, %add3A_46] : memref<2x320000xi32, #tpu.memory_space<hbm>> -> memref<1x1000xi32, #tpu.memory_space<hbm>>
      %dma_wait3A_203 = tpu.memref_squeeze %dma_wait3A_202 : memref<1x1000xi32, #tpu.memory_space<hbm>> -> memref<1000xi32, #tpu.memory_space<hbm>>
      tpu.wait_dma2 semaphore(%run_scoped3A_195 : memref<!tpu.dma_semaphore, #tpu.memory_space<semaphore_mem>>) src(%dma_wait3A_203 : memref<1000xi32, #tpu.memory_space<hbm>>) dst(%arg22 : memref<1000xi32, #tpu.memory_space<vmem>>)
      tpu.yield
    }) : () -> ()
    %add3A_48 = arith.constant 6000 : i32
    %add3A_49 = arith.addi %mul3A_12, %add3A_48 : i32
    %run_scoped3A_50 = arith.constant 0 : i32
    "tpu.region"() ({
      %run_scoped3A_195 = tpu.sem_alloc : memref<!tpu.dma_semaphore, #tpu.memory_space<semaphore_mem>>
      %dma_start3A_196 = tpu.memref_slice %arg3[%run_scoped3A_50, %add3A_49] : memref<2x320000xi32, #tpu.memory_space<hbm>> -> memref<1x1000xi32, #tpu.memory_space<hbm>>
      %dma_start3A_197 = tpu.memref_squeeze %dma_start3A_196 : memref<1x1000xi32, #tpu.memory_space<hbm>> -> memref<1000xi32, #tpu.memory_space<hbm>>
      %dma_start3A_198 = tpu.memref_slice %arg3[%run_scoped3A_50, %add3A_49] : memref<2x320000xi32, #tpu.memory_space<hbm>> -> memref<1x1000xi32, #tpu.memory_space<hbm>>
      %dma_start3A_199 = tpu.memref_squeeze %dma_start3A_198 : memref<1x1000xi32, #tpu.memory_space<hbm>> -> memref<1000xi32, #tpu.memory_space<hbm>>
      tpu.enqueue_dma source(%dma_start3A_199 : memref<1000xi32, #tpu.memory_space<hbm>>) target(%arg13 : memref<1000xi32, #tpu.memory_space<vmem>>) target_semaphore(%run_scoped3A_195 : memref<!tpu.dma_semaphore, #tpu.memory_space<semaphore_mem>>)
      %dma_wait3A_200 = tpu.memref_slice %arg3[%run_scoped3A_50, %add3A_49] : memref<2x320000xi32, #tpu.memory_space<hbm>> -> memref<1x1000xi32, #tpu.memory_space<hbm>>
      %dma_wait3A_201 = tpu.memref_squeeze %dma_wait3A_200 : memref<1x1000xi32, #tpu.memory_space<hbm>> -> memref<1000xi32, #tpu.memory_space<hbm>>
      %dma_wait3A_202 = tpu.memref_slice %arg3[%run_scoped3A_50, %add3A_49] : memref<2x320000xi32, #tpu.memory_space<hbm>> -> memref<1x1000xi32, #tpu.memory_space<hbm>>
      %dma_wait3A_203 = tpu.memref_squeeze %dma_wait3A_202 : memref<1x1000xi32, #tpu.memory_space<hbm>> -> memref<1000xi32, #tpu.memory_space<hbm>>
      tpu.wait_dma2 semaphore(%run_scoped3A_195 : memref<!tpu.dma_semaphore, #tpu.memory_space<semaphore_mem>>) src(%dma_wait3A_203 : memref<1000xi32, #tpu.memory_space<hbm>>) dst(%arg13 : memref<1000xi32, #tpu.memory_space<vmem>>)
      tpu.yield
    }) : () -> ()
    %add3A_51 = arith.constant 6000 : i32
    %add3A_52 = arith.addi %mul3A_12, %add3A_51 : i32
    %run_scoped3A_53 = arith.constant 1 : i32
    "tpu.region"() ({
      %run_scoped3A_195 = tpu.sem_alloc : memref<!tpu.dma_semaphore, #tpu.memory_space<semaphore_mem>>
      %dma_start3A_196 = tpu.memref_slice %arg3[%run_scoped3A_53, %add3A_52] : memref<2x320000xi32, #tpu.memory_space<hbm>> -> memref<1x1000xi32, #tpu.memory_space<hbm>>
      %dma_start3A_197 = tpu.memref_squeeze %dma_start3A_196 : memref<1x1000xi32, #tpu.memory_space<hbm>> -> memref<1000xi32, #tpu.memory_space<hbm>>
      %dma_start3A_198 = tpu.memref_slice %arg3[%run_scoped3A_53, %add3A_52] : memref<2x320000xi32, #tpu.memory_space<hbm>> -> memref<1x1000xi32, #tpu.memory_space<hbm>>
      %dma_start3A_199 = tpu.memref_squeeze %dma_start3A_198 : memref<1x1000xi32, #tpu.memory_space<hbm>> -> memref<1000xi32, #tpu.memory_space<hbm>>
      tpu.enqueue_dma source(%dma_start3A_199 : memref<1000xi32, #tpu.memory_space<hbm>>) target(%arg23 : memref<1000xi32, #tpu.memory_space<vmem>>) target_semaphore(%run_scoped3A_195 : memref<!tpu.dma_semaphore, #tpu.memory_space<semaphore_mem>>)
      %dma_wait3A_200 = tpu.memref_slice %arg3[%run_scoped3A_53, %add3A_52] : memref<2x320000xi32, #tpu.memory_space<hbm>> -> memref<1x1000xi32, #tpu.memory_space<hbm>>
      %dma_wait3A_201 = tpu.memref_squeeze %dma_wait3A_200 : memref<1x1000xi32, #tpu.memory_space<hbm>> -> memref<1000xi32, #tpu.memory_space<hbm>>
      %dma_wait3A_202 = tpu.memref_slice %arg3[%run_scoped3A_53, %add3A_52] : memref<2x320000xi32, #tpu.memory_space<hbm>> -> memref<1x1000xi32, #tpu.memory_space<hbm>>
      %dma_wait3A_203 = tpu.memref_squeeze %dma_wait3A_202 : memref<1x1000xi32, #tpu.memory_space<hbm>> -> memref<1000xi32, #tpu.memory_space<hbm>>
      tpu.wait_dma2 semaphore(%run_scoped3A_195 : memref<!tpu.dma_semaphore, #tpu.memory_space<semaphore_mem>>) src(%dma_wait3A_203 : memref<1000xi32, #tpu.memory_space<hbm>>) dst(%arg23 : memref<1000xi32, #tpu.memory_space<vmem>>)
      tpu.yield
    }) : () -> ()
    %add3A_54 = arith.constant 7000 : i32
    %add3A_55 = arith.addi %mul3A_12, %add3A_54 : i32
    %run_scoped3A_56 = arith.constant 0 : i32
    "tpu.region"() ({
      %run_scoped3A_195 = tpu.sem_alloc : memref<!tpu.dma_semaphore, #tpu.memory_space<semaphore_mem>>
      %dma_start3A_196 = tpu.memref_slice %arg3[%run_scoped3A_56, %add3A_55] : memref<2x320000xi32, #tpu.memory_space<hbm>> -> memref<1x1000xi32, #tpu.memory_space<hbm>>
      %dma_start3A_197 = tpu.memref_squeeze %dma_start3A_196 : memref<1x1000xi32, #tpu.memory_space<hbm>> -> memref<1000xi32, #tpu.memory_space<hbm>>
      %dma_start3A_198 = tpu.memref_slice %arg3[%run_scoped3A_56, %add3A_55] : memref<2x320000xi32, #tpu.memory_space<hbm>> -> memref<1x1000xi32, #tpu.memory_space<hbm>>
      %dma_start3A_199 = tpu.memref_squeeze %dma_start3A_198 : memref<1x1000xi32, #tpu.memory_space<hbm>> -> memref<1000xi32, #tpu.memory_space<hbm>>
      tpu.enqueue_dma source(%dma_start3A_199 : memref<1000xi32, #tpu.memory_space<hbm>>) target(%arg14 : memref<1000xi32, #tpu.memory_space<vmem>>) target_semaphore(%run_scoped3A_195 : memref<!tpu.dma_semaphore, #tpu.memory_space<semaphore_mem>>)
      %dma_wait3A_200 = tpu.memref_slice %arg3[%run_scoped3A_56, %add3A_55] : memref<2x320000xi32, #tpu.memory_space<hbm>> -> memref<1x1000xi32, #tpu.memory_space<hbm>>
      %dma_wait3A_201 = tpu.memref_squeeze %dma_wait3A_200 : memref<1x1000xi32, #tpu.memory_space<hbm>> -> memref<1000xi32, #tpu.memory_space<hbm>>
      %dma_wait3A_202 = tpu.memref_slice %arg3[%run_scoped3A_56, %add3A_55] : memref<2x320000xi32, #tpu.memory_space<hbm>> -> memref<1x1000xi32, #tpu.memory_space<hbm>>
      %dma_wait3A_203 = tpu.memref_squeeze %dma_wait3A_202 : memref<1x1000xi32, #tpu.memory_space<hbm>> -> memref<1000xi32, #tpu.memory_space<hbm>>
      tpu.wait_dma2 semaphore(%run_scoped3A_195 : memref<!tpu.dma_semaphore, #tpu.memory_space<semaphore_mem>>) src(%dma_wait3A_203 : memref<1000xi32, #tpu.memory_space<hbm>>) dst(%arg14 : memref<1000xi32, #tpu.memory_space<vmem>>)
      tpu.yield
    }) : () -> ()
    %add3A_57 = arith.constant 7000 : i32
    %add3A_58 = arith.addi %mul3A_12, %add3A_57 : i32
    %run_scoped3A_59 = arith.constant 1 : i32
    "tpu.region"() ({
      %run_scoped3A_195 = tpu.sem_alloc : memref<!tpu.dma_semaphore, #tpu.memory_space<semaphore_mem>>
      %dma_start3A_196 = tpu.memref_slice %arg3[%run_scoped3A_59, %add3A_58] : memref<2x320000xi32, #tpu.memory_space<hbm>> -> memref<1x1000xi32, #tpu.memory_space<hbm>>
      %dma_start3A_197 = tpu.memref_squeeze %dma_start3A_196 : memref<1x1000xi32, #tpu.memory_space<hbm>> -> memref<1000xi32, #tpu.memory_space<hbm>>
      %dma_start3A_198 = tpu.memref_slice %arg3[%run_scoped3A_59, %add3A_58] : memref<2x320000xi32, #tpu.memory_space<hbm>> -> memref<1x1000xi32, #tpu.memory_space<hbm>>
      %dma_start3A_199 = tpu.memref_squeeze %dma_start3A_198 : memref<1x1000xi32, #tpu.memory_space<hbm>> -> memref<1000xi32, #tpu.memory_space<hbm>>
      tpu.enqueue_dma source(%dma_start3A_199 : memref<1000xi32, #tpu.memory_space<hbm>>) target(%arg24 : memref<1000xi32, #tpu.memory_space<vmem>>) target_semaphore(%run_scoped3A_195 : memref<!tpu.dma_semaphore, #tpu.memory_space<semaphore_mem>>)
      %dma_wait3A_200 = tpu.memref_slice %arg3[%run_scoped3A_59, %add3A_58] : memref<2x320000xi32, #tpu.memory_space<hbm>> -> memref<1x1000xi32, #tpu.memory_space<hbm>>
      %dma_wait3A_201 = tpu.memref_squeeze %dma_wait3A_200 : memref<1x1000xi32, #tpu.memory_space<hbm>> -> memref<1000xi32, #tpu.memory_space<hbm>>
      %dma_wait3A_202 = tpu.memref_slice %arg3[%run_scoped3A_59, %add3A_58] : memref<2x320000xi32, #tpu.memory_space<hbm>> -> memref<1x1000xi32, #tpu.memory_space<hbm>>
      %dma_wait3A_203 = tpu.memref_squeeze %dma_wait3A_202 : memref<1x1000xi32, #tpu.memory_space<hbm>> -> memref<1000xi32, #tpu.memory_space<hbm>>
      tpu.wait_dma2 semaphore(%run_scoped3A_195 : memref<!tpu.dma_semaphore, #tpu.memory_space<semaphore_mem>>) src(%dma_wait3A_203 : memref<1000xi32, #tpu.memory_space<hbm>>) dst(%arg24 : memref<1000xi32, #tpu.memory_space<vmem>>)
      tpu.yield
    }) : () -> ()
    %add3A_60 = arith.constant 8000 : i32
    %add3A_61 = arith.addi %mul3A_12, %add3A_60 : i32
    %run_scoped3A_62 = arith.constant 0 : i32
    "tpu.region"() ({
      %run_scoped3A_195 = tpu.sem_alloc : memref<!tpu.dma_semaphore, #tpu.memory_space<semaphore_mem>>
      %dma_start3A_196 = tpu.memref_slice %arg3[%run_scoped3A_62, %add3A_61] : memref<2x320000xi32, #tpu.memory_space<hbm>> -> memref<1x1000xi32, #tpu.memory_space<hbm>>
      %dma_start3A_197 = tpu.memref_squeeze %dma_start3A_196 : memref<1x1000xi32, #tpu.memory_space<hbm>> -> memref<1000xi32, #tpu.memory_space<hbm>>
      %dma_start3A_198 = tpu.memref_slice %arg3[%run_scoped3A_62, %add3A_61] : memref<2x320000xi32, #tpu.memory_space<hbm>> -> memref<1x1000xi32, #tpu.memory_space<hbm>>
      %dma_start3A_199 = tpu.memref_squeeze %dma_start3A_198 : memref<1x1000xi32, #tpu.memory_space<hbm>> -> memref<1000xi32, #tpu.memory_space<hbm>>
      tpu.enqueue_dma source(%dma_start3A_199 : memref<1000xi32, #tpu.memory_space<hbm>>) target(%arg15 : memref<1000xi32, #tpu.memory_space<vmem>>) target_semaphore(%run_scoped3A_195 : memref<!tpu.dma_semaphore, #tpu.memory_space<semaphore_mem>>)
      %dma_wait3A_200 = tpu.memref_slice %arg3[%run_scoped3A_62, %add3A_61] : memref<2x320000xi32, #tpu.memory_space<hbm>> -> memref<1x1000xi32, #tpu.memory_space<hbm>>
      %dma_wait3A_201 = tpu.memref_squeeze %dma_wait3A_200 : memref<1x1000xi32, #tpu.memory_space<hbm>> -> memref<1000xi32, #tpu.memory_space<hbm>>
      %dma_wait3A_202 = tpu.memref_slice %arg3[%run_scoped3A_62, %add3A_61] : memref<2x320000xi32, #tpu.memory_space<hbm>> -> memref<1x1000xi32, #tpu.memory_space<hbm>>
      %dma_wait3A_203 = tpu.memref_squeeze %dma_wait3A_202 : memref<1x1000xi32, #tpu.memory_space<hbm>> -> memref<1000xi32, #tpu.memory_space<hbm>>
      tpu.wait_dma2 semaphore(%run_scoped3A_195 : memref<!tpu.dma_semaphore, #tpu.memory_space<semaphore_mem>>) src(%dma_wait3A_203 : memref<1000xi32, #tpu.memory_space<hbm>>) dst(%arg15 : memref<1000xi32, #tpu.memory_space<vmem>>)
      tpu.yield
    }) : () -> ()
    %add3A_63 = arith.constant 8000 : i32
    %add3A_64 = arith.addi %mul3A_12, %add3A_63 : i32
    %run_scoped3A_65 = arith.constant 1 : i32
    "tpu.region"() ({
      %run_scoped3A_195 = tpu.sem_alloc : memref<!tpu.dma_semaphore, #tpu.memory_space<semaphore_mem>>
      %dma_start3A_196 = tpu.memref_slice %arg3[%run_scoped3A_65, %add3A_64] : memref<2x320000xi32, #tpu.memory_space<hbm>> -> memref<1x1000xi32, #tpu.memory_space<hbm>>
      %dma_start3A_197 = tpu.memref_squeeze %dma_start3A_196 : memref<1x1000xi32, #tpu.memory_space<hbm>> -> memref<1000xi32, #tpu.memory_space<hbm>>
      %dma_start3A_198 = tpu.memref_slice %arg3[%run_scoped3A_65, %add3A_64] : memref<2x320000xi32, #tpu.memory_space<hbm>> -> memref<1x1000xi32, #tpu.memory_space<hbm>>
      %dma_start3A_199 = tpu.memref_squeeze %dma_start3A_198 : memref<1x1000xi32, #tpu.memory_space<hbm>> -> memref<1000xi32, #tpu.memory_space<hbm>>
      tpu.enqueue_dma source(%dma_start3A_199 : memref<1000xi32, #tpu.memory_space<hbm>>) target(%arg25 : memref<1000xi32, #tpu.memory_space<vmem>>) target_semaphore(%run_scoped3A_195 : memref<!tpu.dma_semaphore, #tpu.memory_space<semaphore_mem>>)
      %dma_wait3A_200 = tpu.memref_slice %arg3[%run_scoped3A_65, %add3A_64] : memref<2x320000xi32, #tpu.memory_space<hbm>> -> memref<1x1000xi32, #tpu.memory_space<hbm>>
      %dma_wait3A_201 = tpu.memref_squeeze %dma_wait3A_200 : memref<1x1000xi32, #tpu.memory_space<hbm>> -> memref<1000xi32, #tpu.memory_space<hbm>>
      %dma_wait3A_202 = tpu.memref_slice %arg3[%run_scoped3A_65, %add3A_64] : memref<2x320000xi32, #tpu.memory_space<hbm>> -> memref<1x1000xi32, #tpu.memory_space<hbm>>
      %dma_wait3A_203 = tpu.memref_squeeze %dma_wait3A_202 : memref<1x1000xi32, #tpu.memory_space<hbm>> -> memref<1000xi32, #tpu.memory_space<hbm>>
      tpu.wait_dma2 semaphore(%run_scoped3A_195 : memref<!tpu.dma_semaphore, #tpu.memory_space<semaphore_mem>>) src(%dma_wait3A_203 : memref<1000xi32, #tpu.memory_space<hbm>>) dst(%arg25 : memref<1000xi32, #tpu.memory_space<vmem>>)
      tpu.yield
    }) : () -> ()
    %add3A_66 = arith.constant 9000 : i32
    %add3A_67 = arith.addi %mul3A_12, %add3A_66 : i32
    %run_scoped3A_68 = arith.constant 0 : i32
    "tpu.region"() ({
      %run_scoped3A_195 = tpu.sem_alloc : memref<!tpu.dma_semaphore, #tpu.memory_space<semaphore_mem>>
      %dma_start3A_196 = tpu.memref_slice %arg3[%run_scoped3A_68, %add3A_67] : memref<2x320000xi32, #tpu.memory_space<hbm>> -> memref<1x1000xi32, #tpu.memory_space<hbm>>
      %dma_start3A_197 = tpu.memref_squeeze %dma_start3A_196 : memref<1x1000xi32, #tpu.memory_space<hbm>> -> memref<1000xi32, #tpu.memory_space<hbm>>
      %dma_start3A_198 = tpu.memref_slice %arg3[%run_scoped3A_68, %add3A_67] : memref<2x320000xi32, #tpu.memory_space<hbm>> -> memref<1x1000xi32, #tpu.memory_space<hbm>>
      %dma_start3A_199 = tpu.memref_squeeze %dma_start3A_198 : memref<1x1000xi32, #tpu.memory_space<hbm>> -> memref<1000xi32, #tpu.memory_space<hbm>>
      tpu.enqueue_dma source(%dma_start3A_199 : memref<1000xi32, #tpu.memory_space<hbm>>) target(%arg16 : memref<1000xi32, #tpu.memory_space<vmem>>) target_semaphore(%run_scoped3A_195 : memref<!tpu.dma_semaphore, #tpu.memory_space<semaphore_mem>>)
      %dma_wait3A_200 = tpu.memref_slice %arg3[%run_scoped3A_68, %add3A_67] : memref<2x320000xi32, #tpu.memory_space<hbm>> -> memref<1x1000xi32, #tpu.memory_space<hbm>>
      %dma_wait3A_201 = tpu.memref_squeeze %dma_wait3A_200 : memref<1x1000xi32, #tpu.memory_space<hbm>> -> memref<1000xi32, #tpu.memory_space<hbm>>
      %dma_wait3A_202 = tpu.memref_slice %arg3[%run_scoped3A_68, %add3A_67] : memref<2x320000xi32, #tpu.memory_space<hbm>> -> memref<1x1000xi32, #tpu.memory_space<hbm>>
      %dma_wait3A_203 = tpu.memref_squeeze %dma_wait3A_202 : memref<1x1000xi32, #tpu.memory_space<hbm>> -> memref<1000xi32, #tpu.memory_space<hbm>>
      tpu.wait_dma2 semaphore(%run_scoped3A_195 : memref<!tpu.dma_semaphore, #tpu.memory_space<semaphore_mem>>) src(%dma_wait3A_203 : memref<1000xi32, #tpu.memory_space<hbm>>) dst(%arg16 : memref<1000xi32, #tpu.memory_space<vmem>>)
      tpu.yield
    }) : () -> ()
    %add3A_69 = arith.constant 9000 : i32
    %add3A_70 = arith.addi %mul3A_12, %add3A_69 : i32
    %run_scoped3A_71 = arith.constant 1 : i32
    "tpu.region"() ({
      %run_scoped3A_195 = tpu.sem_alloc : memref<!tpu.dma_semaphore, #tpu.memory_space<semaphore_mem>>
      %dma_start3A_196 = tpu.memref_slice %arg3[%run_scoped3A_71, %add3A_70] : memref<2x320000xi32, #tpu.memory_space<hbm>> -> memref<1x1000xi32, #tpu.memory_space<hbm>>
      %dma_start3A_197 = tpu.memref_squeeze %dma_start3A_196 : memref<1x1000xi32, #tpu.memory_space<hbm>> -> memref<1000xi32, #tpu.memory_space<hbm>>
      %dma_start3A_198 = tpu.memref_slice %arg3[%run_scoped3A_71, %add3A_70] : memref<2x320000xi32, #tpu.memory_space<hbm>> -> memref<1x1000xi32, #tpu.memory_space<hbm>>
      %dma_start3A_199 = tpu.memref_squeeze %dma_start3A_198 : memref<1x1000xi32, #tpu.memory_space<hbm>> -> memref<1000xi32, #tpu.memory_space<hbm>>
      tpu.enqueue_dma source(%dma_start3A_199 : memref<1000xi32, #tpu.memory_space<hbm>>) target(%arg26 : memref<1000xi32, #tpu.memory_space<vmem>>) target_semaphore(%run_scoped3A_195 : memref<!tpu.dma_semaphore, #tpu.memory_space<semaphore_mem>>)
      %dma_wait3A_200 = tpu.memref_slice %arg3[%run_scoped3A_71, %add3A_70] : memref<2x320000xi32, #tpu.memory_space<hbm>> -> memref<1x1000xi32, #tpu.memory_space<hbm>>
      %dma_wait3A_201 = tpu.memref_squeeze %dma_wait3A_200 : memref<1x1000xi32, #tpu.memory_space<hbm>> -> memref<1000xi32, #tpu.memory_space<hbm>>
      %dma_wait3A_202 = tpu.memref_slice %arg3[%run_scoped3A_71, %add3A_70] : memref<2x320000xi32, #tpu.memory_space<hbm>> -> memref<1x1000xi32, #tpu.memory_space<hbm>>
      %dma_wait3A_203 = tpu.memref_squeeze %dma_wait3A_202 : memref<1x1000xi32, #tpu.memory_space<hbm>> -> memref<1000xi32, #tpu.memory_space<hbm>>
      tpu.wait_dma2 semaphore(%run_scoped3A_195 : memref<!tpu.dma_semaphore, #tpu.memory_space<semaphore_mem>>) src(%dma_wait3A_203 : memref<1000xi32, #tpu.memory_space<hbm>>) dst(%arg26 : memref<1000xi32, #tpu.memory_space<vmem>>)
      tpu.yield
    }) : () -> ()
    %barrier3A = arith.constant 0 : index
    tpu.barrier barrier_id(%barrier3A)
    %dma_start3A = arith.constant 0 : i32
    %dma_start3A_72 = arith.constant 0 : i32
    %dma_start3A_73 = tpu.memref_slice %arg5[%dma_start3A, %dma_start3A_72] : memref<10240x16xf32, #tpu.memory_space<vmem_shared>> -> memref<10240x16xf32, #tpu.memory_space<vmem_shared>>
    tpu.enqueue_indirect_dma source(%dma_start3A_73 : memref<10240x16xf32, #tpu.memory_space<vmem_shared>>) target(%arg27 : memref<1000x16xf32, #tpu.memory_space<vmem>>) offsets(%arg7 : memref<1000xi32, #tpu.memory_space<vmem>>) semaphore(%arg29 : memref<!tpu.dma_semaphore, #tpu.memory_space<semaphore_mem>>)
    %dma_start3A_74 = arith.constant 0 : i32
    %dma_start3A_75 = arith.constant 0 : i32
    %dma_start3A_76 = tpu.memref_slice %arg5[%dma_start3A_74, %dma_start3A_75] : memref<10240x16xf32, #tpu.memory_space<vmem_shared>> -> memref<10240x16xf32, #tpu.memory_space<vmem_shared>>
    tpu.enqueue_indirect_dma source(%dma_start3A_76 : memref<10240x16xf32, #tpu.memory_space<vmem_shared>>) target(%arg28 : memref<1000x16xf32, #tpu.memory_space<vmem>>) offsets(%arg8 : memref<1000xi32, #tpu.memory_space<vmem>>) semaphore(%arg30 : memref<!tpu.dma_semaphore, #tpu.memory_space<semaphore_mem>>)
    %dma_wait3A = arith.constant 0 : i32
    %dma_wait3A_77 = arith.constant 0 : i32
    %dma_wait3A_78 = tpu.memref_slice %arg5[%dma_wait3A, %dma_wait3A_77] : memref<10240x16xf32, #tpu.memory_space<vmem_shared>> -> memref<10240x16xf32, #tpu.memory_space<vmem_shared>>
    tpu.wait_indirect_dma semaphore(%arg29 : memref<!tpu.dma_semaphore, #tpu.memory_space<semaphore_mem>>) src(%dma_wait3A_78 : memref<10240x16xf32, #tpu.memory_space<vmem_shared>>) dst(%arg27 : memref<1000x16xf32, #tpu.memory_space<vmem>>)
    %dma_start3A_79 = arith.constant 0 : i32
    %dma_start3A_80 = arith.constant 0 : i32
    %dma_start3A_81 = tpu.memref_slice %arg6[%dma_start3A_79, %dma_start3A_80] : memref<10240x16xf32, #tpu.memory_space<vmem_shared>> -> memref<10240x16xf32, #tpu.memory_space<vmem_shared>>
    tpu.enqueue_indirect_dma source(%arg27 : memref<1000x16xf32, #tpu.memory_space<vmem>>) target(%dma_start3A_81 : memref<10240x16xf32, #tpu.memory_space<vmem_shared>>) offsets(%arg17 : memref<1000xi32, #tpu.memory_space<vmem>>) semaphore(%arg31 : memref<!tpu.dma_semaphore, #tpu.memory_space<semaphore_mem>>) {add = true}
    %dma_wait3A_82 = arith.constant 0 : i32
    %dma_wait3A_83 = arith.constant 0 : i32
    %dma_wait3A_84 = tpu.memref_slice %arg6[%dma_wait3A_82, %dma_wait3A_83] : memref<10240x16xf32, #tpu.memory_space<vmem_shared>> -> memref<10240x16xf32, #tpu.memory_space<vmem_shared>>
    tpu.wait_indirect_dma semaphore(%arg31 : memref<!tpu.dma_semaphore, #tpu.memory_space<semaphore_mem>>) src(%arg27 : memref<1000x16xf32, #tpu.memory_space<vmem>>) dst(%dma_wait3A_84 : memref<10240x16xf32, #tpu.memory_space<vmem_shared>>)
    %dma_start3A_85 = arith.constant 0 : i32
    %dma_start3A_86 = arith.constant 0 : i32
    %dma_start3A_87 = tpu.memref_slice %arg5[%dma_start3A_85, %dma_start3A_86] : memref<10240x16xf32, #tpu.memory_space<vmem_shared>> -> memref<10240x16xf32, #tpu.memory_space<vmem_shared>>
    tpu.enqueue_indirect_dma source(%dma_start3A_87 : memref<10240x16xf32, #tpu.memory_space<vmem_shared>>) target(%arg27 : memref<1000x16xf32, #tpu.memory_space<vmem>>) offsets(%arg9 : memref<1000xi32, #tpu.memory_space<vmem>>) semaphore(%arg29 : memref<!tpu.dma_semaphore, #tpu.memory_space<semaphore_mem>>)
    %dma_wait3A_88 = arith.constant 0 : i32
    %dma_wait3A_89 = arith.constant 0 : i32
    %dma_wait3A_90 = tpu.memref_slice %arg5[%dma_wait3A_88, %dma_wait3A_89] : memref<10240x16xf32, #tpu.memory_space<vmem_shared>> -> memref<10240x16xf32, #tpu.memory_space<vmem_shared>>
    tpu.wait_indirect_dma semaphore(%arg30 : memref<!tpu.dma_semaphore, #tpu.memory_space<semaphore_mem>>) src(%dma_wait3A_90 : memref<10240x16xf32, #tpu.memory_space<vmem_shared>>) dst(%arg28 : memref<1000x16xf32, #tpu.memory_space<vmem>>)
    %dma_start3A_91 = arith.constant 0 : i32
    %dma_start3A_92 = arith.constant 0 : i32
    %dma_start3A_93 = tpu.memref_slice %arg6[%dma_start3A_91, %dma_start3A_92] : memref<10240x16xf32, #tpu.memory_space<vmem_shared>> -> memref<10240x16xf32, #tpu.memory_space<vmem_shared>>
    tpu.enqueue_indirect_dma source(%arg28 : memref<1000x16xf32, #tpu.memory_space<vmem>>) target(%dma_start3A_93 : memref<10240x16xf32, #tpu.memory_space<vmem_shared>>) offsets(%arg18 : memref<1000xi32, #tpu.memory_space<vmem>>) semaphore(%arg32 : memref<!tpu.dma_semaphore, #tpu.memory_space<semaphore_mem>>) {add = true}
    %dma_wait3A_94 = arith.constant 0 : i32
    %dma_wait3A_95 = arith.constant 0 : i32
    %dma_wait3A_96 = tpu.memref_slice %arg6[%dma_wait3A_94, %dma_wait3A_95] : memref<10240x16xf32, #tpu.memory_space<vmem_shared>> -> memref<10240x16xf32, #tpu.memory_space<vmem_shared>>
    tpu.wait_indirect_dma semaphore(%arg32 : memref<!tpu.dma_semaphore, #tpu.memory_space<semaphore_mem>>) src(%arg28 : memref<1000x16xf32, #tpu.memory_space<vmem>>) dst(%dma_wait3A_96 : memref<10240x16xf32, #tpu.memory_space<vmem_shared>>)
    %dma_start3A_97 = arith.constant 0 : i32
    %dma_start3A_98 = arith.constant 0 : i32
    %dma_start3A_99 = tpu.memref_slice %arg5[%dma_start3A_97, %dma_start3A_98] : memref<10240x16xf32, #tpu.memory_space<vmem_shared>> -> memref<10240x16xf32, #tpu.memory_space<vmem_shared>>
    tpu.enqueue_indirect_dma source(%dma_start3A_99 : memref<10240x16xf32, #tpu.memory_space<vmem_shared>>) target(%arg28 : memref<1000x16xf32, #tpu.memory_space<vmem>>) offsets(%arg10 : memref<1000xi32, #tpu.memory_space<vmem>>) semaphore(%arg30 : memref<!tpu.dma_semaphore, #tpu.memory_space<semaphore_mem>>)
    %dma_wait3A_100 = arith.constant 0 : i32
    %dma_wait3A_101 = arith.constant 0 : i32
    %dma_wait3A_102 = tpu.memref_slice %arg5[%dma_wait3A_100, %dma_wait3A_101] : memref<10240x16xf32, #tpu.memory_space<vmem_shared>> -> memref<10240x16xf32, #tpu.memory_space<vmem_shared>>
    tpu.wait_indirect_dma semaphore(%arg29 : memref<!tpu.dma_semaphore, #tpu.memory_space<semaphore_mem>>) src(%dma_wait3A_102 : memref<10240x16xf32, #tpu.memory_space<vmem_shared>>) dst(%arg27 : memref<1000x16xf32, #tpu.memory_space<vmem>>)
    %dma_start3A_103 = arith.constant 0 : i32
    %dma_start3A_104 = arith.constant 0 : i32
    %dma_start3A_105 = tpu.memref_slice %arg6[%dma_start3A_103, %dma_start3A_104] : memref<10240x16xf32, #tpu.memory_space<vmem_shared>> -> memref<10240x16xf32, #tpu.memory_space<vmem_shared>>
    tpu.enqueue_indirect_dma source(%arg27 : memref<1000x16xf32, #tpu.memory_space<vmem>>) target(%dma_start3A_105 : memref<10240x16xf32, #tpu.memory_space<vmem_shared>>) offsets(%arg19 : memref<1000xi32, #tpu.memory_space<vmem>>) semaphore(%arg31 : memref<!tpu.dma_semaphore, #tpu.memory_space<semaphore_mem>>) {add = true}
    %dma_wait3A_106 = arith.constant 0 : i32
    %dma_wait3A_107 = arith.constant 0 : i32
    %dma_wait3A_108 = tpu.memref_slice %arg6[%dma_wait3A_106, %dma_wait3A_107] : memref<10240x16xf32, #tpu.memory_space<vmem_shared>> -> memref<10240x16xf32, #tpu.memory_space<vmem_shared>>
    tpu.wait_indirect_dma semaphore(%arg31 : memref<!tpu.dma_semaphore, #tpu.memory_space<semaphore_mem>>) src(%arg27 : memref<1000x16xf32, #tpu.memory_space<vmem>>) dst(%dma_wait3A_108 : memref<10240x16xf32, #tpu.memory_space<vmem_shared>>)
    %dma_start3A_109 = arith.constant 0 : i32
    %dma_start3A_110 = arith.constant 0 : i32
    %dma_start3A_111 = tpu.memref_slice %arg5[%dma_start3A_109, %dma_start3A_110] : memref<10240x16xf32, #tpu.memory_space<vmem_shared>> -> memref<10240x16xf32, #tpu.memory_space<vmem_shared>>
    tpu.enqueue_indirect_dma source(%dma_start3A_111 : memref<10240x16xf32, #tpu.memory_space<vmem_shared>>) target(%arg27 : memref<1000x16xf32, #tpu.memory_space<vmem>>) offsets(%arg11 : memref<1000xi32, #tpu.memory_space<vmem>>) semaphore(%arg29 : memref<!tpu.dma_semaphore, #tpu.memory_space<semaphore_mem>>)
    %dma_wait3A_112 = arith.constant 0 : i32
    %dma_wait3A_113 = arith.constant 0 : i32
    %dma_wait3A_114 = tpu.memref_slice %arg5[%dma_wait3A_112, %dma_wait3A_113] : memref<10240x16xf32, #tpu.memory_space<vmem_shared>> -> memref<10240x16xf32, #tpu.memory_space<vmem_shared>>
    tpu.wait_indirect_dma semaphore(%arg30 : memref<!tpu.dma_semaphore, #tpu.memory_space<semaphore_mem>>) src(%dma_wait3A_114 : memref<10240x16xf32, #tpu.memory_space<vmem_shared>>) dst(%arg28 : memref<1000x16xf32, #tpu.memory_space<vmem>>)
    %dma_start3A_115 = arith.constant 0 : i32
    %dma_start3A_116 = arith.constant 0 : i32
    %dma_start3A_117 = tpu.memref_slice %arg6[%dma_start3A_115, %dma_start3A_116] : memref<10240x16xf32, #tpu.memory_space<vmem_shared>> -> memref<10240x16xf32, #tpu.memory_space<vmem_shared>>
    tpu.enqueue_indirect_dma source(%arg28 : memref<1000x16xf32, #tpu.memory_space<vmem>>) target(%dma_start3A_117 : memref<10240x16xf32, #tpu.memory_space<vmem_shared>>) offsets(%arg20 : memref<1000xi32, #tpu.memory_space<vmem>>) semaphore(%arg32 : memref<!tpu.dma_semaphore, #tpu.memory_space<semaphore_mem>>) {add = true}
    %dma_wait3A_118 = arith.constant 0 : i32
    %dma_wait3A_119 = arith.constant 0 : i32
    %dma_wait3A_120 = tpu.memref_slice %arg6[%dma_wait3A_118, %dma_wait3A_119] : memref<10240x16xf32, #tpu.memory_space<vmem_shared>> -> memref<10240x16xf32, #tpu.memory_space<vmem_shared>>
    tpu.wait_indirect_dma semaphore(%arg32 : memref<!tpu.dma_semaphore, #tpu.memory_space<semaphore_mem>>) src(%arg28 : memref<1000x16xf32, #tpu.memory_space<vmem>>) dst(%dma_wait3A_120 : memref<10240x16xf32, #tpu.memory_space<vmem_shared>>)
    %dma_start3A_121 = arith.constant 0 : i32
    %dma_start3A_122 = arith.constant 0 : i32
    %dma_start3A_123 = tpu.memref_slice %arg5[%dma_start3A_121, %dma_start3A_122] : memref<10240x16xf32, #tpu.memory_space<vmem_shared>> -> memref<10240x16xf32, #tpu.memory_space<vmem_shared>>
    tpu.enqueue_indirect_dma source(%dma_start3A_123 : memref<10240x16xf32, #tpu.memory_space<vmem_shared>>) target(%arg28 : memref<1000x16xf32, #tpu.memory_space<vmem>>) offsets(%arg12 : memref<1000xi32, #tpu.memory_space<vmem>>) semaphore(%arg30 : memref<!tpu.dma_semaphore, #tpu.memory_space<semaphore_mem>>)
    %dma_wait3A_124 = arith.constant 0 : i32
    %dma_wait3A_125 = arith.constant 0 : i32
    %dma_wait3A_126 = tpu.memref_slice %arg5[%dma_wait3A_124, %dma_wait3A_125] : memref<10240x16xf32, #tpu.memory_space<vmem_shared>> -> memref<10240x16xf32, #tpu.memory_space<vmem_shared>>
    tpu.wait_indirect_dma semaphore(%arg29 : memref<!tpu.dma_semaphore, #tpu.memory_space<semaphore_mem>>) src(%dma_wait3A_126 : memref<10240x16xf32, #tpu.memory_space<vmem_shared>>) dst(%arg27 : memref<1000x16xf32, #tpu.memory_space<vmem>>)
    %dma_start3A_127 = arith.constant 0 : i32
    %dma_start3A_128 = arith.constant 0 : i32
    %dma_start3A_129 = tpu.memref_slice %arg6[%dma_start3A_127, %dma_start3A_128] : memref<10240x16xf32, #tpu.memory_space<vmem_shared>> -> memref<10240x16xf32, #tpu.memory_space<vmem_shared>>
    tpu.enqueue_indirect_dma source(%arg27 : memref<1000x16xf32, #tpu.memory_space<vmem>>) target(%dma_start3A_129 : memref<10240x16xf32, #tpu.memory_space<vmem_shared>>) offsets(%arg21 : memref<1000xi32, #tpu.memory_space<vmem>>) semaphore(%arg31 : memref<!tpu.dma_semaphore, #tpu.memory_space<semaphore_mem>>) {add = true}
    %dma_wait3A_130 = arith.constant 0 : i32
    %dma_wait3A_131 = arith.constant 0 : i32
    %dma_wait3A_132 = tpu.memref_slice %arg6[%dma_wait3A_130, %dma_wait3A_131] : memref<10240x16xf32, #tpu.memory_space<vmem_shared>> -> memref<10240x16xf32, #tpu.memory_space<vmem_shared>>
    tpu.wait_indirect_dma semaphore(%arg31 : memref<!tpu.dma_semaphore, #tpu.memory_space<semaphore_mem>>) src(%arg27 : memref<1000x16xf32, #tpu.memory_space<vmem>>) dst(%dma_wait3A_132 : memref<10240x16xf32, #tpu.memory_space<vmem_shared>>)
    %dma_start3A_133 = arith.constant 0 : i32
    %dma_start3A_134 = arith.constant 0 : i32
    %dma_start3A_135 = tpu.memref_slice %arg5[%dma_start3A_133, %dma_start3A_134] : memref<10240x16xf32, #tpu.memory_space<vmem_shared>> -> memref<10240x16xf32, #tpu.memory_space<vmem_shared>>
    tpu.enqueue_indirect_dma source(%dma_start3A_135 : memref<10240x16xf32, #tpu.memory_space<vmem_shared>>) target(%arg27 : memref<1000x16xf32, #tpu.memory_space<vmem>>) offsets(%arg13 : memref<1000xi32, #tpu.memory_space<vmem>>) semaphore(%arg29 : memref<!tpu.dma_semaphore, #tpu.memory_space<semaphore_mem>>)
    %dma_wait3A_136 = arith.constant 0 : i32
    %dma_wait3A_137 = arith.constant 0 : i32
    %dma_wait3A_138 = tpu.memref_slice %arg5[%dma_wait3A_136, %dma_wait3A_137] : memref<10240x16xf32, #tpu.memory_space<vmem_shared>> -> memref<10240x16xf32, #tpu.memory_space<vmem_shared>>
    tpu.wait_indirect_dma semaphore(%arg30 : memref<!tpu.dma_semaphore, #tpu.memory_space<semaphore_mem>>) src(%dma_wait3A_138 : memref<10240x16xf32, #tpu.memory_space<vmem_shared>>) dst(%arg28 : memref<1000x16xf32, #tpu.memory_space<vmem>>)
    %dma_start3A_139 = arith.constant 0 : i32
    %dma_start3A_140 = arith.constant 0 : i32
    %dma_start3A_141 = tpu.memref_slice %arg6[%dma_start3A_139, %dma_start3A_140] : memref<10240x16xf32, #tpu.memory_space<vmem_shared>> -> memref<10240x16xf32, #tpu.memory_space<vmem_shared>>
    tpu.enqueue_indirect_dma source(%arg28 : memref<1000x16xf32, #tpu.memory_space<vmem>>) target(%dma_start3A_141 : memref<10240x16xf32, #tpu.memory_space<vmem_shared>>) offsets(%arg22 : memref<1000xi32, #tpu.memory_space<vmem>>) semaphore(%arg32 : memref<!tpu.dma_semaphore, #tpu.memory_space<semaphore_mem>>) {add = true}
    %dma_wait3A_142 = arith.constant 0 : i32
    %dma_wait3A_143 = arith.constant 0 : i32
    %dma_wait3A_144 = tpu.memref_slice %arg6[%dma_wait3A_142, %dma_wait3A_143] : memref<10240x16xf32, #tpu.memory_space<vmem_shared>> -> memref<10240x16xf32, #tpu.memory_space<vmem_shared>>
    tpu.wait_indirect_dma semaphore(%arg32 : memref<!tpu.dma_semaphore, #tpu.memory_space<semaphore_mem>>) src(%arg28 : memref<1000x16xf32, #tpu.memory_space<vmem>>) dst(%dma_wait3A_144 : memref<10240x16xf32, #tpu.memory_space<vmem_shared>>)
    %dma_start3A_145 = arith.constant 0 : i32
    %dma_start3A_146 = arith.constant 0 : i32
    %dma_start3A_147 = tpu.memref_slice %arg5[%dma_start3A_145, %dma_start3A_146] : memref<10240x16xf32, #tpu.memory_space<vmem_shared>> -> memref<10240x16xf32, #tpu.memory_space<vmem_shared>>
    tpu.enqueue_indirect_dma source(%dma_start3A_147 : memref<10240x16xf32, #tpu.memory_space<vmem_shared>>) target(%arg28 : memref<1000x16xf32, #tpu.memory_space<vmem>>) offsets(%arg14 : memref<1000xi32, #tpu.memory_space<vmem>>) semaphore(%arg30 : memref<!tpu.dma_semaphore, #tpu.memory_space<semaphore_mem>>)
    %dma_wait3A_148 = arith.constant 0 : i32
    %dma_wait3A_149 = arith.constant 0 : i32
    %dma_wait3A_150 = tpu.memref_slice %arg5[%dma_wait3A_148, %dma_wait3A_149] : memref<10240x16xf32, #tpu.memory_space<vmem_shared>> -> memref<10240x16xf32, #tpu.memory_space<vmem_shared>>
    tpu.wait_indirect_dma semaphore(%arg29 : memref<!tpu.dma_semaphore, #tpu.memory_space<semaphore_mem>>) src(%dma_wait3A_150 : memref<10240x16xf32, #tpu.memory_space<vmem_shared>>) dst(%arg27 : memref<1000x16xf32, #tpu.memory_space<vmem>>)
    %dma_start3A_151 = arith.constant 0 : i32
    %dma_start3A_152 = arith.constant 0 : i32
    %dma_start3A_153 = tpu.memref_slice %arg6[%dma_start3A_151, %dma_start3A_152] : memref<10240x16xf32, #tpu.memory_space<vmem_shared>> -> memref<10240x16xf32, #tpu.memory_space<vmem_shared>>
    tpu.enqueue_indirect_dma source(%arg27 : memref<1000x16xf32, #tpu.memory_space<vmem>>) target(%dma_start3A_153 : memref<10240x16xf32, #tpu.memory_space<vmem_shared>>) offsets(%arg23 : memref<1000xi32, #tpu.memory_space<vmem>>) semaphore(%arg31 : memref<!tpu.dma_semaphore, #tpu.memory_space<semaphore_mem>>) {add = true}
    %dma_wait3A_154 = arith.constant 0 : i32
    %dma_wait3A_155 = arith.constant 0 : i32
    %dma_wait3A_156 = tpu.memref_slice %arg6[%dma_wait3A_154, %dma_wait3A_155] : memref<10240x16xf32, #tpu.memory_space<vmem_shared>> -> memref<10240x16xf32, #tpu.memory_space<vmem_shared>>
    tpu.wait_indirect_dma semaphore(%arg31 : memref<!tpu.dma_semaphore, #tpu.memory_space<semaphore_mem>>) src(%arg27 : memref<1000x16xf32, #tpu.memory_space<vmem>>) dst(%dma_wait3A_156 : memref<10240x16xf32, #tpu.memory_space<vmem_shared>>)
    %dma_start3A_157 = arith.constant 0 : i32
    %dma_start3A_158 = arith.constant 0 : i32
    %dma_start3A_159 = tpu.memref_slice %arg5[%dma_start3A_157, %dma_start3A_158] : memref<10240x16xf32, #tpu.memory_space<vmem_shared>> -> memref<10240x16xf32, #tpu.memory_space<vmem_shared>>
    tpu.enqueue_indirect_dma source(%dma_start3A_159 : memref<10240x16xf32, #tpu.memory_space<vmem_shared>>) target(%arg27 : memref<1000x16xf32, #tpu.memory_space<vmem>>) offsets(%arg15 : memref<1000xi32, #tpu.memory_space<vmem>>) semaphore(%arg29 : memref<!tpu.dma_semaphore, #tpu.memory_space<semaphore_mem>>)
    %dma_wait3A_160 = arith.constant 0 : i32
    %dma_wait3A_161 = arith.constant 0 : i32
    %dma_wait3A_162 = tpu.memref_slice %arg5[%dma_wait3A_160, %dma_wait3A_161] : memref<10240x16xf32, #tpu.memory_space<vmem_shared>> -> memref<10240x16xf32, #tpu.memory_space<vmem_shared>>
    tpu.wait_indirect_dma semaphore(%arg30 : memref<!tpu.dma_semaphore, #tpu.memory_space<semaphore_mem>>) src(%dma_wait3A_162 : memref<10240x16xf32, #tpu.memory_space<vmem_shared>>) dst(%arg28 : memref<1000x16xf32, #tpu.memory_space<vmem>>)
    %dma_start3A_163 = arith.constant 0 : i32
    %dma_start3A_164 = arith.constant 0 : i32
    %dma_start3A_165 = tpu.memref_slice %arg6[%dma_start3A_163, %dma_start3A_164] : memref<10240x16xf32, #tpu.memory_space<vmem_shared>> -> memref<10240x16xf32, #tpu.memory_space<vmem_shared>>
    tpu.enqueue_indirect_dma source(%arg28 : memref<1000x16xf32, #tpu.memory_space<vmem>>) target(%dma_start3A_165 : memref<10240x16xf32, #tpu.memory_space<vmem_shared>>) offsets(%arg24 : memref<1000xi32, #tpu.memory_space<vmem>>) semaphore(%arg32 : memref<!tpu.dma_semaphore, #tpu.memory_space<semaphore_mem>>) {add = true}
    %dma_wait3A_166 = arith.constant 0 : i32
    %dma_wait3A_167 = arith.constant 0 : i32
    %dma_wait3A_168 = tpu.memref_slice %arg6[%dma_wait3A_166, %dma_wait3A_167] : memref<10240x16xf32, #tpu.memory_space<vmem_shared>> -> memref<10240x16xf32, #tpu.memory_space<vmem_shared>>
    tpu.wait_indirect_dma semaphore(%arg32 : memref<!tpu.dma_semaphore, #tpu.memory_space<semaphore_mem>>) src(%arg28 : memref<1000x16xf32, #tpu.memory_space<vmem>>) dst(%dma_wait3A_168 : memref<10240x16xf32, #tpu.memory_space<vmem_shared>>)
    %dma_start3A_169 = arith.constant 0 : i32
    %dma_start3A_170 = arith.constant 0 : i32
    %dma_start3A_171 = tpu.memref_slice %arg5[%dma_start3A_169, %dma_start3A_170] : memref<10240x16xf32, #tpu.memory_space<vmem_shared>> -> memref<10240x16xf32, #tpu.memory_space<vmem_shared>>
    tpu.enqueue_indirect_dma source(%dma_start3A_171 : memref<10240x16xf32, #tpu.memory_space<vmem_shared>>) target(%arg28 : memref<1000x16xf32, #tpu.memory_space<vmem>>) offsets(%arg16 : memref<1000xi32, #tpu.memory_space<vmem>>) semaphore(%arg30 : memref<!tpu.dma_semaphore, #tpu.memory_space<semaphore_mem>>)
    %dma_wait3A_172 = arith.constant 0 : i32
    %dma_wait3A_173 = arith.constant 0 : i32
    %dma_wait3A_174 = tpu.memref_slice %arg5[%dma_wait3A_172, %dma_wait3A_173] : memref<10240x16xf32, #tpu.memory_space<vmem_shared>> -> memref<10240x16xf32, #tpu.memory_space<vmem_shared>>
    tpu.wait_indirect_dma semaphore(%arg29 : memref<!tpu.dma_semaphore, #tpu.memory_space<semaphore_mem>>) src(%dma_wait3A_174 : memref<10240x16xf32, #tpu.memory_space<vmem_shared>>) dst(%arg27 : memref<1000x16xf32, #tpu.memory_space<vmem>>)
    %dma_start3A_175 = arith.constant 0 : i32
    %dma_start3A_176 = arith.constant 0 : i32
    %dma_start3A_177 = tpu.memref_slice %arg6[%dma_start3A_175, %dma_start3A_176] : memref<10240x16xf32, #tpu.memory_space<vmem_shared>> -> memref<10240x16xf32, #tpu.memory_space<vmem_shared>>
    tpu.enqueue_indirect_dma source(%arg27 : memref<1000x16xf32, #tpu.memory_space<vmem>>) target(%dma_start3A_177 : memref<10240x16xf32, #tpu.memory_space<vmem_shared>>) offsets(%arg25 : memref<1000xi32, #tpu.memory_space<vmem>>) semaphore(%arg31 : memref<!tpu.dma_semaphore, #tpu.memory_space<semaphore_mem>>) {add = true}
    %dma_wait3A_178 = arith.constant 0 : i32
    %dma_wait3A_179 = arith.constant 0 : i32
    %dma_wait3A_180 = tpu.memref_slice %arg5[%dma_wait3A_178, %dma_wait3A_179] : memref<10240x16xf32, #tpu.memory_space<vmem_shared>> -> memref<10240x16xf32, #tpu.memory_space<vmem_shared>>
    tpu.wait_indirect_dma semaphore(%arg30 : memref<!tpu.dma_semaphore, #tpu.memory_space<semaphore_mem>>) src(%dma_wait3A_180 : memref<10240x16xf32, #tpu.memory_space<vmem_shared>>) dst(%arg28 : memref<1000x16xf32, #tpu.memory_space<vmem>>)
    %dma_start3A_181 = arith.constant 0 : i32
    %dma_start3A_182 = arith.constant 0 : i32
    %dma_start3A_183 = tpu.memref_slice %arg6[%dma_start3A_181, %dma_start3A_182] : memref<10240x16xf32, #tpu.memory_space<vmem_shared>> -> memref<10240x16xf32, #tpu.memory_space<vmem_shared>>
    tpu.enqueue_indirect_dma source(%arg28 : memref<1000x16xf32, #tpu.memory_space<vmem>>) target(%dma_start3A_183 : memref<10240x16xf32, #tpu.memory_space<vmem_shared>>) offsets(%arg26 : memref<1000xi32, #tpu.memory_space<vmem>>) semaphore(%arg32 : memref<!tpu.dma_semaphore, #tpu.memory_space<semaphore_mem>>) {add = true}
    %dma_wait3A_184 = arith.constant 0 : i32
    %dma_wait3A_185 = arith.constant 0 : i32
    %dma_wait3A_186 = tpu.memref_slice %arg6[%dma_wait3A_184, %dma_wait3A_185] : memref<10240x16xf32, #tpu.memory_space<vmem_shared>> -> memref<10240x16xf32, #tpu.memory_space<vmem_shared>>
    tpu.wait_indirect_dma semaphore(%arg31 : memref<!tpu.dma_semaphore, #tpu.memory_space<semaphore_mem>>) src(%arg27 : memref<1000x16xf32, #tpu.memory_space<vmem>>) dst(%dma_wait3A_186 : memref<10240x16xf32, #tpu.memory_space<vmem_shared>>)
    %dma_wait3A_187 = arith.constant 0 : i32
    %dma_wait3A_188 = arith.constant 0 : i32
    %dma_wait3A_189 = tpu.memref_slice %arg6[%dma_wait3A_187, %dma_wait3A_188] : memref<10240x16xf32, #tpu.memory_space<vmem_shared>> -> memref<10240x16xf32, #tpu.memory_space<vmem_shared>>
    tpu.wait_indirect_dma semaphore(%arg32 : memref<!tpu.dma_semaphore, #tpu.memory_space<semaphore_mem>>) src(%arg28 : memref<1000x16xf32, #tpu.memory_space<vmem>>) dst(%dma_wait3A_189 : memref<10240x16xf32, #tpu.memory_space<vmem_shared>>)
    %barrier3A_190 = arith.constant 0 : index
    tpu.barrier barrier_id(%barrier3A_190)
    %mul3A_191 = arith.constant 640 : i32
    %mul3A_192 = arith.muli %arg1, %mul3A_191 : i32
    %mul3A_193 = arith.constant 640 : i32
    %mul3A_194 = arith.muli %arg1, %mul3A_193 : i32
    "tpu.region"() ({
      %run_scoped3A_195 = tpu.sem_alloc : memref<!tpu.dma_semaphore, #tpu.memory_space<semaphore_mem>>
      %dma_start3A_196 = arith.constant 0 : i32
      %dma_start3A_197 = tpu.memref_slice %arg4[%arg0, %mul3A_194, %dma_start3A_196] : memref<2x10240x16xf32, #tpu.memory_space<hbm>> -> memref<1x640x16xf32, #tpu.memory_space<hbm>>
      %dma_start3A_198 = tpu.memref_squeeze %dma_start3A_197 : memref<1x640x16xf32, #tpu.memory_space<hbm>> -> memref<640x16xf32, #tpu.memory_space<hbm>>
      %dma_start3A_199 = arith.constant 0 : i32
      %dma_start3A_200 = tpu.memref_slice %arg6[%mul3A_192, %dma_start3A_199] : memref<10240x16xf32, #tpu.memory_space<vmem_shared>> -> memref<640x16xf32, #tpu.memory_space<vmem_shared>>
      tpu.enqueue_dma source(%dma_start3A_200 : memref<640x16xf32, #tpu.memory_space<vmem_shared>>) target(%dma_start3A_198 : memref<640x16xf32, #tpu.memory_space<hbm>>) target_semaphore(%run_scoped3A_195 : memref<!tpu.dma_semaphore, #tpu.memory_space<semaphore_mem>>)
      %dma_wait3A_201 = arith.constant 0 : i32
      %dma_wait3A_202 = tpu.memref_slice %arg4[%arg0, %mul3A_194, %dma_wait3A_201] : memref<2x10240x16xf32, #tpu.memory_space<hbm>> -> memref<1x640x16xf32, #tpu.memory_space<hbm>>
      %dma_wait3A_203 = tpu.memref_squeeze %dma_wait3A_202 : memref<1x640x16xf32, #tpu.memory_space<hbm>> -> memref<640x16xf32, #tpu.memory_space<hbm>>
      %dma_wait3A_204 = arith.constant 0 : i32
      %dma_wait3A_205 = tpu.memref_slice %arg6[%mul3A_192, %dma_wait3A_204] : memref<10240x16xf32, #tpu.memory_space<vmem_shared>> -> memref<640x16xf32, #tpu.memory_space<vmem_shared>>
      tpu.wait_dma2 semaphore(%run_scoped3A_195 : memref<!tpu.dma_semaphore, #tpu.memory_space<semaphore_mem>>) src(%dma_wait3A_205 : memref<640x16xf32, #tpu.memory_space<vmem_shared>>) dst(%dma_wait3A_203 : memref<640x16xf32, #tpu.memory_space<hbm>>)
      tpu.yield
    }) : () -> ()
    return
  }
}

#map = affine_map<(d0, d1) -> (0, 0)>
#map1 = affine_map<(d0, d1) -> (0, 0, 0)>
module attributes {stable_mosaic.version = 14 : i64} {
  func.func @_sc_messages(%arg0: i32, %arg1: i32, %arg2: memref<10240x16xf32, #tpu.memory_space<hbm>>, %arg3: memref<2x320000xi32, #tpu.memory_space<hbm>>, %arg4: memref<2x10240x16xf32, #tpu.memory_space<hbm>>, %arg5: memref<10240x16xf32, #tpu.memory_space<vmem_shared>>, %arg6: memref<10240x16xf32, #tpu.memory_space<vmem_shared>>, %arg7: memref<1000xi32, #tpu.memory_space<vmem>>, %arg8: memref<1000xi32, #tpu.memory_space<vmem>>, %arg9: memref<1000xi32, #tpu.memory_space<vmem>>, %arg10: memref<1000xi32, #tpu.memory_space<vmem>>, %arg11: memref<1000xi32, #tpu.memory_space<vmem>>, %arg12: memref<1000xi32, #tpu.memory_space<vmem>>, %arg13: memref<1000xi32, #tpu.memory_space<vmem>>, %arg14: memref<1000xi32, #tpu.memory_space<vmem>>, %arg15: memref<1000xi32, #tpu.memory_space<vmem>>, %arg16: memref<1000xi32, #tpu.memory_space<vmem>>, %arg17: memref<1000xi32, #tpu.memory_space<vmem>>, %arg18: memref<1000xi32, #tpu.memory_space<vmem>>, %arg19: memref<1000xi32, #tpu.memory_space<vmem>>, %arg20: memref<1000xi32, #tpu.memory_space<vmem>>, %arg21: memref<1000xi32, #tpu.memory_space<vmem>>, %arg22: memref<1000xi32, #tpu.memory_space<vmem>>, %arg23: memref<1000xi32, #tpu.memory_space<vmem>>, %arg24: memref<1000xi32, #tpu.memory_space<vmem>>, %arg25: memref<1000xi32, #tpu.memory_space<vmem>>, %arg26: memref<1000xi32, #tpu.memory_space<vmem>>, %arg27: memref<1000x16xf32, #tpu.memory_space<vmem>>, %arg28: memref<1000x16xf32, #tpu.memory_space<vmem>>, %arg29: memref<!tpu.dma_semaphore, #tpu.memory_space<semaphore_mem>>, %arg30: memref<!tpu.dma_semaphore, #tpu.memory_space<semaphore_mem>>, %arg31: memref<!tpu.dma_semaphore, #tpu.memory_space<semaphore_mem>>, %arg32: memref<!tpu.dma_semaphore, #tpu.memory_space<semaphore_mem>>) attributes {dimension_semantics = [#tpu.dimension_semantics<core_parallel>, #tpu.dimension_semantics<subcore_parallel>], iteration_bounds = array<i64: 2, 16>, scalar_prefetch = 0 : i64, scratch_operands = 28 : i64, tpu.core_type = #tpu.core_type<sc_vector_subcore>, window_params = [{transform_indices = #map}, {transform_indices = #map}, {transform_indices = #map1}]} {
    %scan3A = arith.constant 0 : i32
    %scan3A_0 = arith.constant 640 : i32
    %scan3A_1 = arith.addi %scan3A, %scan3A_0 : i32
    %scan3A_2 = arith.constant 1 : i32
    scf.for %scan3A_195 = %scan3A to %scan3A_1 step %scan3A_2  : i32 {
      %mul3A_196 = arith.constant 1 : i32
      %mul3A_197 = arith.muli %scan3A_195, %mul3A_196 : i32
      %add3A_198 = arith.constant 0 : i32
      %add3A_199 = arith.addi %add3A_198, %mul3A_197 : i32
      %broadcast_in_dim3A = arith.constant 0.000000e+00 : f32
      %broadcast_in_dim3A_200 = vector.broadcast %broadcast_in_dim3A : f32 to vector<16xf32>
      %swap3A = arith.index_cast %add3A_199 : i32 to index
      %swap3A_201 = arith.constant 0 : index
      %swap3A_202 = tpu.vector_load %arg27[%swap3A, %swap3A_201] {strides = array<i32>} : memref<1000x16xf32, #tpu.memory_space<vmem>>, vector<1x16xf32>,
      %swap3A_203 = vector.shape_cast %swap3A_202 : vector<1x16xf32> to vector<16xf32>
      %swap3A_204 = vector.shape_cast %broadcast_in_dim3A_200 : vector<16xf32> to vector<1x16xf32>
      tpu.vector_store %arg27[%swap3A, %swap3A_201], %swap3A_204 {strides = array<i32>} : memref<1000x16xf32, #tpu.memory_space<vmem>>, vector<1x16xf32>,
    }
    %scan3A_3 = arith.constant 640 : i32
    %mul3A = arith.constant 640 : i32
    %mul3A_4 = arith.muli %arg1, %mul3A : i32
    %mul3A_5 = arith.constant 640 : i32
    %mul3A_6 = arith.muli %arg1, %mul3A_5 : i32
    "tpu.region"() ({
      %run_scoped3A_195 = tpu.sem_alloc : memref<!tpu.dma_semaphore, #tpu.memory_space<semaphore_mem>>
      %dma_start3A_196 = arith.constant 0 : i32
      %dma_start3A_197 = tpu.memref_slice %arg5[%mul3A_6, %dma_start3A_196] : memref<10240x16xf32, #tpu.memory_space<vmem_shared>> -> memref<640x16xf32, #tpu.memory_space<vmem_shared>>
      %dma_start3A_198 = arith.constant 0 : i32
      %dma_start3A_199 = tpu.memref_slice %arg2[%mul3A_4, %dma_start3A_198] : memref<10240x16xf32, #tpu.memory_space<hbm>> -> memref<640x16xf32, #tpu.memory_space<hbm>>
      tpu.enqueue_dma source(%dma_start3A_199 : memref<640x16xf32, #tpu.memory_space<hbm>>) target(%dma_start3A_197 : memref<640x16xf32, #tpu.memory_space<vmem_shared>>) target_semaphore(%run_scoped3A_195 : memref<!tpu.dma_semaphore, #tpu.memory_space<semaphore_mem>>)
      %dma_wait3A_200 = arith.constant 0 : i32
      %dma_wait3A_201 = tpu.memref_slice %arg5[%mul3A_6, %dma_wait3A_200] : memref<10240x16xf32, #tpu.memory_space<vmem_shared>> -> memref<640x16xf32, #tpu.memory_space<vmem_shared>>
      %dma_wait3A_202 = arith.constant 0 : i32
      %dma_wait3A_203 = tpu.memref_slice %arg2[%mul3A_4, %dma_wait3A_202] : memref<10240x16xf32, #tpu.memory_space<hbm>> -> memref<640x16xf32, #tpu.memory_space<hbm>>
      tpu.wait_dma2 semaphore(%run_scoped3A_195 : memref<!tpu.dma_semaphore, #tpu.memory_space<semaphore_mem>>) src(%dma_wait3A_203 : memref<640x16xf32, #tpu.memory_space<hbm>>) dst(%dma_wait3A_201 : memref<640x16xf32, #tpu.memory_space<vmem_shared>>)
      tpu.yield
    }) : () -> ()
    %mul3A_7 = arith.constant 640 : i32
    %mul3A_8 = arith.muli %arg1, %mul3A_7 : i32
    "tpu.region"() ({
      %run_scoped3A_195 = tpu.sem_alloc : memref<!tpu.dma_semaphore, #tpu.memory_space<semaphore_mem>>
      %dma_start3A_196 = arith.constant 0 : i32
      %dma_start3A_197 = arith.constant 0 : i32
      %dma_start3A_198 = tpu.memref_slice %arg27[%dma_start3A_196, %dma_start3A_197] : memref<1000x16xf32, #tpu.memory_space<vmem>> -> memref<640x16xf32, #tpu.memory_space<vmem>>
      %dma_start3A_199 = arith.constant 0 : i32
      %dma_start3A_200 = tpu.memref_slice %arg6[%mul3A_8, %dma_start3A_199] : memref<10240x16xf32, #tpu.memory_space<vmem_shared>> -> memref<640x16xf32, #tpu.memory_space<vmem_shared>>
      %dma_start3A_201 = arith.constant 0 : i32
      %dma_start3A_202 = tpu.memref_slice %arg6[%mul3A_8, %dma_start3A_201] : memref<10240x16xf32, #tpu.memory_space<vmem_shared>> -> memref<640x16xf32, #tpu.memory_space<vmem_shared>>
      %dma_start3A_203 = arith.constant 0 : i32
      %dma_start3A_204 = arith.constant 0 : i32
      %dma_start3A_205 = tpu.memref_slice %arg27[%dma_start3A_203, %dma_start3A_204] : memref<1000x16xf32, #tpu.memory_space<vmem>> -> memref<640x16xf32, #tpu.memory_space<vmem>>
      tpu.enqueue_dma source(%dma_start3A_205 : memref<640x16xf32, #tpu.memory_space<vmem>>) target(%dma_start3A_202 : memref<640x16xf32, #tpu.memory_space<vmem_shared>>) target_semaphore(%run_scoped3A_195 : memref<!tpu.dma_semaphore, #tpu.memory_space<semaphore_mem>>)
      %dma_wait3A_206 = arith.constant 0 : i32
      %dma_wait3A_207 = arith.constant 0 : i32
      %dma_wait3A_208 = tpu.memref_slice %arg27[%dma_wait3A_206, %dma_wait3A_207] : memref<1000x16xf32, #tpu.memory_space<vmem>> -> memref<640x16xf32, #tpu.memory_space<vmem>>
      %dma_wait3A_209 = arith.constant 0 : i32
      %dma_wait3A_210 = tpu.memref_slice %arg6[%mul3A_8, %dma_wait3A_209] : memref<10240x16xf32, #tpu.memory_space<vmem_shared>> -> memref<640x16xf32, #tpu.memory_space<vmem_shared>>
      %dma_wait3A_211 = arith.constant 0 : i32
      %dma_wait3A_212 = tpu.memref_slice %arg6[%mul3A_8, %dma_wait3A_211] : memref<10240x16xf32, #tpu.memory_space<vmem_shared>> -> memref<640x16xf32, #tpu.memory_space<vmem_shared>>
      %dma_wait3A_213 = arith.constant 0 : i32
      %dma_wait3A_214 = arith.constant 0 : i32
      %dma_wait3A_215 = tpu.memref_slice %arg27[%dma_wait3A_213, %dma_wait3A_214] : memref<1000x16xf32, #tpu.memory_space<vmem>> -> memref<640x16xf32, #tpu.memory_space<vmem>>
      tpu.wait_dma2 semaphore(%run_scoped3A_195 : memref<!tpu.dma_semaphore, #tpu.memory_space<semaphore_mem>>) src(%dma_wait3A_215 : memref<640x16xf32, #tpu.memory_space<vmem>>) dst(%dma_wait3A_212 : memref<640x16xf32, #tpu.memory_space<vmem_shared>>)
      tpu.yield
    }) : () -> ()
    %mul3A_9 = arith.constant 16 : i32
    %mul3A_10 = arith.muli %arg0, %mul3A_9 : i32
    %add3A = arith.addi %mul3A_10, %arg1 : i32
    %mul3A_11 = arith.constant 10000 : i32
    %mul3A_12 = arith.muli %add3A, %mul3A_11 : i32
    %add3A_13 = arith.constant 0 : i32
    %add3A_14 = arith.addi %mul3A_12, %add3A_13 : i32
    %run_scoped3A = arith.constant 0 : i32
    "tpu.region"() ({
      %run_scoped3A_195 = tpu.sem_alloc : memref<!tpu.dma_semaphore, #tpu.memory_space<semaphore_mem>>
      %dma_start3A_196 = tpu.memref_slice %arg3[%run_scoped3A, %add3A_14] : memref<2x320000xi32, #tpu.memory_space<hbm>> -> memref<1x1000xi32, #tpu.memory_space<hbm>>
      %dma_start3A_197 = tpu.memref_squeeze %dma_start3A_196 : memref<1x1000xi32, #tpu.memory_space<hbm>> -> memref<1000xi32, #tpu.memory_space<hbm>>
      %dma_start3A_198 = tpu.memref_slice %arg3[%run_scoped3A, %add3A_14] : memref<2x320000xi32, #tpu.memory_space<hbm>> -> memref<1x1000xi32, #tpu.memory_space<hbm>>
      %dma_start3A_199 = tpu.memref_squeeze %dma_start3A_198 : memref<1x1000xi32, #tpu.memory_space<hbm>> -> memref<1000xi32, #tpu.memory_space<hbm>>
      tpu.enqueue_dma source(%dma_start3A_199 : memref<1000xi32, #tpu.memory_space<hbm>>) target(%arg7 : memref<1000xi32, #tpu.memory_space<vmem>>) target_semaphore(%run_scoped3A_195 : memref<!tpu.dma_semaphore, #tpu.memory_space<semaphore_mem>>)
      %dma_wait3A_200 = tpu.memref_slice %arg3[%run_scoped3A, %add3A_14] : memref<2x320000xi32, #tpu.memory_space<hbm>> -> memref<1x1000xi32, #tpu.memory_space<hbm>>
      %dma_wait3A_201 = tpu.memref_squeeze %dma_wait3A_200 : memref<1x1000xi32, #tpu.memory_space<hbm>> -> memref<1000xi32, #tpu.memory_space<hbm>>
      %dma_wait3A_202 = tpu.memref_slice %arg3[%run_scoped3A, %add3A_14] : memref<2x320000xi32, #tpu.memory_space<hbm>> -> memref<1x1000xi32, #tpu.memory_space<hbm>>
      %dma_wait3A_203 = tpu.memref_squeeze %dma_wait3A_202 : memref<1x1000xi32, #tpu.memory_space<hbm>> -> memref<1000xi32, #tpu.memory_space<hbm>>
      tpu.wait_dma2 semaphore(%run_scoped3A_195 : memref<!tpu.dma_semaphore, #tpu.memory_space<semaphore_mem>>) src(%dma_wait3A_203 : memref<1000xi32, #tpu.memory_space<hbm>>) dst(%arg7 : memref<1000xi32, #tpu.memory_space<vmem>>)
      tpu.yield
    }) : () -> ()
    %add3A_15 = arith.constant 0 : i32
    %add3A_16 = arith.addi %mul3A_12, %add3A_15 : i32
    %run_scoped3A_17 = arith.constant 1 : i32
    "tpu.region"() ({
      %run_scoped3A_195 = tpu.sem_alloc : memref<!tpu.dma_semaphore, #tpu.memory_space<semaphore_mem>>
      %dma_start3A_196 = tpu.memref_slice %arg3[%run_scoped3A_17, %add3A_16] : memref<2x320000xi32, #tpu.memory_space<hbm>> -> memref<1x1000xi32, #tpu.memory_space<hbm>>
      %dma_start3A_197 = tpu.memref_squeeze %dma_start3A_196 : memref<1x1000xi32, #tpu.memory_space<hbm>> -> memref<1000xi32, #tpu.memory_space<hbm>>
      %dma_start3A_198 = tpu.memref_slice %arg3[%run_scoped3A_17, %add3A_16] : memref<2x320000xi32, #tpu.memory_space<hbm>> -> memref<1x1000xi32, #tpu.memory_space<hbm>>
      %dma_start3A_199 = tpu.memref_squeeze %dma_start3A_198 : memref<1x1000xi32, #tpu.memory_space<hbm>> -> memref<1000xi32, #tpu.memory_space<hbm>>
      tpu.enqueue_dma source(%dma_start3A_199 : memref<1000xi32, #tpu.memory_space<hbm>>) target(%arg17 : memref<1000xi32, #tpu.memory_space<vmem>>) target_semaphore(%run_scoped3A_195 : memref<!tpu.dma_semaphore, #tpu.memory_space<semaphore_mem>>)
      %dma_wait3A_200 = tpu.memref_slice %arg3[%run_scoped3A_17, %add3A_16] : memref<2x320000xi32, #tpu.memory_space<hbm>> -> memref<1x1000xi32, #tpu.memory_space<hbm>>
      %dma_wait3A_201 = tpu.memref_squeeze %dma_wait3A_200 : memref<1x1000xi32, #tpu.memory_space<hbm>> -> memref<1000xi32, #tpu.memory_space<hbm>>
      %dma_wait3A_202 = tpu.memref_slice %arg3[%run_scoped3A_17, %add3A_16] : memref<2x320000xi32, #tpu.memory_space<hbm>> -> memref<1x1000xi32, #tpu.memory_space<hbm>>
      %dma_wait3A_203 = tpu.memref_squeeze %dma_wait3A_202 : memref<1x1000xi32, #tpu.memory_space<hbm>> -> memref<1000xi32, #tpu.memory_space<hbm>>
      tpu.wait_dma2 semaphore(%run_scoped3A_195 : memref<!tpu.dma_semaphore, #tpu.memory_space<semaphore_mem>>) src(%dma_wait3A_203 : memref<1000xi32, #tpu.memory_space<hbm>>) dst(%arg17 : memref<1000xi32, #tpu.memory_space<vmem>>)
      tpu.yield
    }) : () -> ()
    %add3A_18 = arith.constant 1000 : i32
    %add3A_19 = arith.addi %mul3A_12, %add3A_18 : i32
    %run_scoped3A_20 = arith.constant 0 : i32
    "tpu.region"() ({
      %run_scoped3A_195 = tpu.sem_alloc : memref<!tpu.dma_semaphore, #tpu.memory_space<semaphore_mem>>
      %dma_start3A_196 = tpu.memref_slice %arg3[%run_scoped3A_20, %add3A_19] : memref<2x320000xi32, #tpu.memory_space<hbm>> -> memref<1x1000xi32, #tpu.memory_space<hbm>>
      %dma_start3A_197 = tpu.memref_squeeze %dma_start3A_196 : memref<1x1000xi32, #tpu.memory_space<hbm>> -> memref<1000xi32, #tpu.memory_space<hbm>>
      %dma_start3A_198 = tpu.memref_slice %arg3[%run_scoped3A_20, %add3A_19] : memref<2x320000xi32, #tpu.memory_space<hbm>> -> memref<1x1000xi32, #tpu.memory_space<hbm>>
      %dma_start3A_199 = tpu.memref_squeeze %dma_start3A_198 : memref<1x1000xi32, #tpu.memory_space<hbm>> -> memref<1000xi32, #tpu.memory_space<hbm>>
      tpu.enqueue_dma source(%dma_start3A_199 : memref<1000xi32, #tpu.memory_space<hbm>>) target(%arg8 : memref<1000xi32, #tpu.memory_space<vmem>>) target_semaphore(%run_scoped3A_195 : memref<!tpu.dma_semaphore, #tpu.memory_space<semaphore_mem>>)
      %dma_wait3A_200 = tpu.memref_slice %arg3[%run_scoped3A_20, %add3A_19] : memref<2x320000xi32, #tpu.memory_space<hbm>> -> memref<1x1000xi32, #tpu.memory_space<hbm>>
      %dma_wait3A_201 = tpu.memref_squeeze %dma_wait3A_200 : memref<1x1000xi32, #tpu.memory_space<hbm>> -> memref<1000xi32, #tpu.memory_space<hbm>>
      %dma_wait3A_202 = tpu.memref_slice %arg3[%run_scoped3A_20, %add3A_19] : memref<2x320000xi32, #tpu.memory_space<hbm>> -> memref<1x1000xi32, #tpu.memory_space<hbm>>
      %dma_wait3A_203 = tpu.memref_squeeze %dma_wait3A_202 : memref<1x1000xi32, #tpu.memory_space<hbm>> -> memref<1000xi32, #tpu.memory_space<hbm>>
      tpu.wait_dma2 semaphore(%run_scoped3A_195 : memref<!tpu.dma_semaphore, #tpu.memory_space<semaphore_mem>>) src(%dma_wait3A_203 : memref<1000xi32, #tpu.memory_space<hbm>>) dst(%arg8 : memref<1000xi32, #tpu.memory_space<vmem>>)
      tpu.yield
    }) : () -> ()
    %add3A_21 = arith.constant 1000 : i32
    %add3A_22 = arith.addi %mul3A_12, %add3A_21 : i32
    %run_scoped3A_23 = arith.constant 1 : i32
    "tpu.region"() ({
      %run_scoped3A_195 = tpu.sem_alloc : memref<!tpu.dma_semaphore, #tpu.memory_space<semaphore_mem>>
      %dma_start3A_196 = tpu.memref_slice %arg3[%run_scoped3A_23, %add3A_22] : memref<2x320000xi32, #tpu.memory_space<hbm>> -> memref<1x1000xi32, #tpu.memory_space<hbm>>
      %dma_start3A_197 = tpu.memref_squeeze %dma_start3A_196 : memref<1x1000xi32, #tpu.memory_space<hbm>> -> memref<1000xi32, #tpu.memory_space<hbm>>
      %dma_start3A_198 = tpu.memref_slice %arg3[%run_scoped3A_23, %add3A_22] : memref<2x320000xi32, #tpu.memory_space<hbm>> -> memref<1x1000xi32, #tpu.memory_space<hbm>>
      %dma_start3A_199 = tpu.memref_squeeze %dma_start3A_198 : memref<1x1000xi32, #tpu.memory_space<hbm>> -> memref<1000xi32, #tpu.memory_space<hbm>>
      tpu.enqueue_dma source(%dma_start3A_199 : memref<1000xi32, #tpu.memory_space<hbm>>) target(%arg18 : memref<1000xi32, #tpu.memory_space<vmem>>) target_semaphore(%run_scoped3A_195 : memref<!tpu.dma_semaphore, #tpu.memory_space<semaphore_mem>>)
      %dma_wait3A_200 = tpu.memref_slice %arg3[%run_scoped3A_23, %add3A_22] : memref<2x320000xi32, #tpu.memory_space<hbm>> -> memref<1x1000xi32, #tpu.memory_space<hbm>>
      %dma_wait3A_201 = tpu.memref_squeeze %dma_wait3A_200 : memref<1x1000xi32, #tpu.memory_space<hbm>> -> memref<1000xi32, #tpu.memory_space<hbm>>
      %dma_wait3A_202 = tpu.memref_slice %arg3[%run_scoped3A_23, %add3A_22] : memref<2x320000xi32, #tpu.memory_space<hbm>> -> memref<1x1000xi32, #tpu.memory_space<hbm>>
      %dma_wait3A_203 = tpu.memref_squeeze %dma_wait3A_202 : memref<1x1000xi32, #tpu.memory_space<hbm>> -> memref<1000xi32, #tpu.memory_space<hbm>>
      tpu.wait_dma2 semaphore(%run_scoped3A_195 : memref<!tpu.dma_semaphore, #tpu.memory_space<semaphore_mem>>) src(%dma_wait3A_203 : memref<1000xi32, #tpu.memory_space<hbm>>) dst(%arg18 : memref<1000xi32, #tpu.memory_space<vmem>>)
      tpu.yield
    }) : () -> ()
    %add3A_24 = arith.constant 2000 : i32
    %add3A_25 = arith.addi %mul3A_12, %add3A_24 : i32
    %run_scoped3A_26 = arith.constant 0 : i32
    "tpu.region"() ({
      %run_scoped3A_195 = tpu.sem_alloc : memref<!tpu.dma_semaphore, #tpu.memory_space<semaphore_mem>>
      %dma_start3A_196 = tpu.memref_slice %arg3[%run_scoped3A_26, %add3A_25] : memref<2x320000xi32, #tpu.memory_space<hbm>> -> memref<1x1000xi32, #tpu.memory_space<hbm>>
      %dma_start3A_197 = tpu.memref_squeeze %dma_start3A_196 : memref<1x1000xi32, #tpu.memory_space<hbm>> -> memref<1000xi32, #tpu.memory_space<hbm>>
      %dma_start3A_198 = tpu.memref_slice %arg3[%run_scoped3A_26, %add3A_25] : memref<2x320000xi32, #tpu.memory_space<hbm>> -> memref<1x1000xi32, #tpu.memory_space<hbm>>
      %dma_start3A_199 = tpu.memref_squeeze %dma_start3A_198 : memref<1x1000xi32, #tpu.memory_space<hbm>> -> memref<1000xi32, #tpu.memory_space<hbm>>
      tpu.enqueue_dma source(%dma_start3A_199 : memref<1000xi32, #tpu.memory_space<hbm>>) target(%arg9 : memref<1000xi32, #tpu.memory_space<vmem>>) target_semaphore(%run_scoped3A_195 : memref<!tpu.dma_semaphore, #tpu.memory_space<semaphore_mem>>)
      %dma_wait3A_200 = tpu.memref_slice %arg3[%run_scoped3A_26, %add3A_25] : memref<2x320000xi32, #tpu.memory_space<hbm>> -> memref<1x1000xi32, #tpu.memory_space<hbm>>
      %dma_wait3A_201 = tpu.memref_squeeze %dma_wait3A_200 : memref<1x1000xi32, #tpu.memory_space<hbm>> -> memref<1000xi32, #tpu.memory_space<hbm>>
      %dma_wait3A_202 = tpu.memref_slice %arg3[%run_scoped3A_26, %add3A_25] : memref<2x320000xi32, #tpu.memory_space<hbm>> -> memref<1x1000xi32, #tpu.memory_space<hbm>>
      %dma_wait3A_203 = tpu.memref_squeeze %dma_wait3A_202 : memref<1x1000xi32, #tpu.memory_space<hbm>> -> memref<1000xi32, #tpu.memory_space<hbm>>
      tpu.wait_dma2 semaphore(%run_scoped3A_195 : memref<!tpu.dma_semaphore, #tpu.memory_space<semaphore_mem>>) src(%dma_wait3A_203 : memref<1000xi32, #tpu.memory_space<hbm>>) dst(%arg9 : memref<1000xi32, #tpu.memory_space<vmem>>)
      tpu.yield
    }) : () -> ()
    %add3A_27 = arith.constant 2000 : i32
    %add3A_28 = arith.addi %mul3A_12, %add3A_27 : i32
    %run_scoped3A_29 = arith.constant 1 : i32
    "tpu.region"() ({
      %run_scoped3A_195 = tpu.sem_alloc : memref<!tpu.dma_semaphore, #tpu.memory_space<semaphore_mem>>
      %dma_start3A_196 = tpu.memref_slice %arg3[%run_scoped3A_29, %add3A_28] : memref<2x320000xi32, #tpu.memory_space<hbm>> -> memref<1x1000xi32, #tpu.memory_space<hbm>>
      %dma_start3A_197 = tpu.memref_squeeze %dma_start3A_196 : memref<1x1000xi32, #tpu.memory_space<hbm>> -> memref<1000xi32, #tpu.memory_space<hbm>>
      %dma_start3A_198 = tpu.memref_slice %arg3[%run_scoped3A_29, %add3A_28] : memref<2x320000xi32, #tpu.memory_space<hbm>> -> memref<1x1000xi32, #tpu.memory_space<hbm>>
      %dma_start3A_199 = tpu.memref_squeeze %dma_start3A_198 : memref<1x1000xi32, #tpu.memory_space<hbm>> -> memref<1000xi32, #tpu.memory_space<hbm>>
      tpu.enqueue_dma source(%dma_start3A_199 : memref<1000xi32, #tpu.memory_space<hbm>>) target(%arg19 : memref<1000xi32, #tpu.memory_space<vmem>>) target_semaphore(%run_scoped3A_195 : memref<!tpu.dma_semaphore, #tpu.memory_space<semaphore_mem>>)
      %dma_wait3A_200 = tpu.memref_slice %arg3[%run_scoped3A_29, %add3A_28] : memref<2x320000xi32, #tpu.memory_space<hbm>> -> memref<1x1000xi32, #tpu.memory_space<hbm>>
      %dma_wait3A_201 = tpu.memref_squeeze %dma_wait3A_200 : memref<1x1000xi32, #tpu.memory_space<hbm>> -> memref<1000xi32, #tpu.memory_space<hbm>>
      %dma_wait3A_202 = tpu.memref_slice %arg3[%run_scoped3A_29, %add3A_28] : memref<2x320000xi32, #tpu.memory_space<hbm>> -> memref<1x1000xi32, #tpu.memory_space<hbm>>
      %dma_wait3A_203 = tpu.memref_squeeze %dma_wait3A_202 : memref<1x1000xi32, #tpu.memory_space<hbm>> -> memref<1000xi32, #tpu.memory_space<hbm>>
      tpu.wait_dma2 semaphore(%run_scoped3A_195 : memref<!tpu.dma_semaphore, #tpu.memory_space<semaphore_mem>>) src(%dma_wait3A_203 : memref<1000xi32, #tpu.memory_space<hbm>>) dst(%arg19 : memref<1000xi32, #tpu.memory_space<vmem>>)
      tpu.yield
    }) : () -> ()
    %add3A_30 = arith.constant 3000 : i32
    %add3A_31 = arith.addi %mul3A_12, %add3A_30 : i32
    %run_scoped3A_32 = arith.constant 0 : i32
    "tpu.region"() ({
      %run_scoped3A_195 = tpu.sem_alloc : memref<!tpu.dma_semaphore, #tpu.memory_space<semaphore_mem>>
      %dma_start3A_196 = tpu.memref_slice %arg3[%run_scoped3A_32, %add3A_31] : memref<2x320000xi32, #tpu.memory_space<hbm>> -> memref<1x1000xi32, #tpu.memory_space<hbm>>
      %dma_start3A_197 = tpu.memref_squeeze %dma_start3A_196 : memref<1x1000xi32, #tpu.memory_space<hbm>> -> memref<1000xi32, #tpu.memory_space<hbm>>
      %dma_start3A_198 = tpu.memref_slice %arg3[%run_scoped3A_32, %add3A_31] : memref<2x320000xi32, #tpu.memory_space<hbm>> -> memref<1x1000xi32, #tpu.memory_space<hbm>>
      %dma_start3A_199 = tpu.memref_squeeze %dma_start3A_198 : memref<1x1000xi32, #tpu.memory_space<hbm>> -> memref<1000xi32, #tpu.memory_space<hbm>>
      tpu.enqueue_dma source(%dma_start3A_199 : memref<1000xi32, #tpu.memory_space<hbm>>) target(%arg10 : memref<1000xi32, #tpu.memory_space<vmem>>) target_semaphore(%run_scoped3A_195 : memref<!tpu.dma_semaphore, #tpu.memory_space<semaphore_mem>>)
      %dma_wait3A_200 = tpu.memref_slice %arg3[%run_scoped3A_32, %add3A_31] : memref<2x320000xi32, #tpu.memory_space<hbm>> -> memref<1x1000xi32, #tpu.memory_space<hbm>>
      %dma_wait3A_201 = tpu.memref_squeeze %dma_wait3A_200 : memref<1x1000xi32, #tpu.memory_space<hbm>> -> memref<1000xi32, #tpu.memory_space<hbm>>
      %dma_wait3A_202 = tpu.memref_slice %arg3[%run_scoped3A_32, %add3A_31] : memref<2x320000xi32, #tpu.memory_space<hbm>> -> memref<1x1000xi32, #tpu.memory_space<hbm>>
      %dma_wait3A_203 = tpu.memref_squeeze %dma_wait3A_202 : memref<1x1000xi32, #tpu.memory_space<hbm>> -> memref<1000xi32, #tpu.memory_space<hbm>>
      tpu.wait_dma2 semaphore(%run_scoped3A_195 : memref<!tpu.dma_semaphore, #tpu.memory_space<semaphore_mem>>) src(%dma_wait3A_203 : memref<1000xi32, #tpu.memory_space<hbm>>) dst(%arg10 : memref<1000xi32, #tpu.memory_space<vmem>>)
      tpu.yield
    }) : () -> ()
    %add3A_33 = arith.constant 3000 : i32
    %add3A_34 = arith.addi %mul3A_12, %add3A_33 : i32
    %run_scoped3A_35 = arith.constant 1 : i32
    "tpu.region"() ({
      %run_scoped3A_195 = tpu.sem_alloc : memref<!tpu.dma_semaphore, #tpu.memory_space<semaphore_mem>>
      %dma_start3A_196 = tpu.memref_slice %arg3[%run_scoped3A_35, %add3A_34] : memref<2x320000xi32, #tpu.memory_space<hbm>> -> memref<1x1000xi32, #tpu.memory_space<hbm>>
      %dma_start3A_197 = tpu.memref_squeeze %dma_start3A_196 : memref<1x1000xi32, #tpu.memory_space<hbm>> -> memref<1000xi32, #tpu.memory_space<hbm>>
      %dma_start3A_198 = tpu.memref_slice %arg3[%run_scoped3A_35, %add3A_34] : memref<2x320000xi32, #tpu.memory_space<hbm>> -> memref<1x1000xi32, #tpu.memory_space<hbm>>
      %dma_start3A_199 = tpu.memref_squeeze %dma_start3A_198 : memref<1x1000xi32, #tpu.memory_space<hbm>> -> memref<1000xi32, #tpu.memory_space<hbm>>
      tpu.enqueue_dma source(%dma_start3A_199 : memref<1000xi32, #tpu.memory_space<hbm>>) target(%arg20 : memref<1000xi32, #tpu.memory_space<vmem>>) target_semaphore(%run_scoped3A_195 : memref<!tpu.dma_semaphore, #tpu.memory_space<semaphore_mem>>)
      %dma_wait3A_200 = tpu.memref_slice %arg3[%run_scoped3A_35, %add3A_34] : memref<2x320000xi32, #tpu.memory_space<hbm>> -> memref<1x1000xi32, #tpu.memory_space<hbm>>
      %dma_wait3A_201 = tpu.memref_squeeze %dma_wait3A_200 : memref<1x1000xi32, #tpu.memory_space<hbm>> -> memref<1000xi32, #tpu.memory_space<hbm>>
      %dma_wait3A_202 = tpu.memref_slice %arg3[%run_scoped3A_35, %add3A_34] : memref<2x320000xi32, #tpu.memory_space<hbm>> -> memref<1x1000xi32, #tpu.memory_space<hbm>>
      %dma_wait3A_203 = tpu.memref_squeeze %dma_wait3A_202 : memref<1x1000xi32, #tpu.memory_space<hbm>> -> memref<1000xi32, #tpu.memory_space<hbm>>
      tpu.wait_dma2 semaphore(%run_scoped3A_195 : memref<!tpu.dma_semaphore, #tpu.memory_space<semaphore_mem>>) src(%dma_wait3A_203 : memref<1000xi32, #tpu.memory_space<hbm>>) dst(%arg20 : memref<1000xi32, #tpu.memory_space<vmem>>)
      tpu.yield
    }) : () -> ()
    %add3A_36 = arith.constant 4000 : i32
    %add3A_37 = arith.addi %mul3A_12, %add3A_36 : i32
    %run_scoped3A_38 = arith.constant 0 : i32
    "tpu.region"() ({
      %run_scoped3A_195 = tpu.sem_alloc : memref<!tpu.dma_semaphore, #tpu.memory_space<semaphore_mem>>
      %dma_start3A_196 = tpu.memref_slice %arg3[%run_scoped3A_38, %add3A_37] : memref<2x320000xi32, #tpu.memory_space<hbm>> -> memref<1x1000xi32, #tpu.memory_space<hbm>>
      %dma_start3A_197 = tpu.memref_squeeze %dma_start3A_196 : memref<1x1000xi32, #tpu.memory_space<hbm>> -> memref<1000xi32, #tpu.memory_space<hbm>>
      %dma_start3A_198 = tpu.memref_slice %arg3[%run_scoped3A_38, %add3A_37] : memref<2x320000xi32, #tpu.memory_space<hbm>> -> memref<1x1000xi32, #tpu.memory_space<hbm>>
      %dma_start3A_199 = tpu.memref_squeeze %dma_start3A_198 : memref<1x1000xi32, #tpu.memory_space<hbm>> -> memref<1000xi32, #tpu.memory_space<hbm>>
      tpu.enqueue_dma source(%dma_start3A_199 : memref<1000xi32, #tpu.memory_space<hbm>>) target(%arg11 : memref<1000xi32, #tpu.memory_space<vmem>>) target_semaphore(%run_scoped3A_195 : memref<!tpu.dma_semaphore, #tpu.memory_space<semaphore_mem>>)
      %dma_wait3A_200 = tpu.memref_slice %arg3[%run_scoped3A_38, %add3A_37] : memref<2x320000xi32, #tpu.memory_space<hbm>> -> memref<1x1000xi32, #tpu.memory_space<hbm>>
      %dma_wait3A_201 = tpu.memref_squeeze %dma_wait3A_200 : memref<1x1000xi32, #tpu.memory_space<hbm>> -> memref<1000xi32, #tpu.memory_space<hbm>>
      %dma_wait3A_202 = tpu.memref_slice %arg3[%run_scoped3A_38, %add3A_37] : memref<2x320000xi32, #tpu.memory_space<hbm>> -> memref<1x1000xi32, #tpu.memory_space<hbm>>
      %dma_wait3A_203 = tpu.memref_squeeze %dma_wait3A_202 : memref<1x1000xi32, #tpu.memory_space<hbm>> -> memref<1000xi32, #tpu.memory_space<hbm>>
      tpu.wait_dma2 semaphore(%run_scoped3A_195 : memref<!tpu.dma_semaphore, #tpu.memory_space<semaphore_mem>>) src(%dma_wait3A_203 : memref<1000xi32, #tpu.memory_space<hbm>>) dst(%arg11 : memref<1000xi32, #tpu.memory_space<vmem>>)
      tpu.yield
    }) : () -> ()
    %add3A_39 = arith.constant 4000 : i32
    %add3A_40 = arith.addi %mul3A_12, %add3A_39 : i32
    %run_scoped3A_41 = arith.constant 1 : i32
    "tpu.region"() ({
      %run_scoped3A_195 = tpu.sem_alloc : memref<!tpu.dma_semaphore, #tpu.memory_space<semaphore_mem>>
      %dma_start3A_196 = tpu.memref_slice %arg3[%run_scoped3A_41, %add3A_40] : memref<2x320000xi32, #tpu.memory_space<hbm>> -> memref<1x1000xi32, #tpu.memory_space<hbm>>
      %dma_start3A_197 = tpu.memref_squeeze %dma_start3A_196 : memref<1x1000xi32, #tpu.memory_space<hbm>> -> memref<1000xi32, #tpu.memory_space<hbm>>
      %dma_start3A_198 = tpu.memref_slice %arg3[%run_scoped3A_41, %add3A_40] : memref<2x320000xi32, #tpu.memory_space<hbm>> -> memref<1x1000xi32, #tpu.memory_space<hbm>>
      %dma_start3A_199 = tpu.memref_squeeze %dma_start3A_198 : memref<1x1000xi32, #tpu.memory_space<hbm>> -> memref<1000xi32, #tpu.memory_space<hbm>>
      tpu.enqueue_dma source(%dma_start3A_199 : memref<1000xi32, #tpu.memory_space<hbm>>) target(%arg21 : memref<1000xi32, #tpu.memory_space<vmem>>) target_semaphore(%run_scoped3A_195 : memref<!tpu.dma_semaphore, #tpu.memory_space<semaphore_mem>>)
      %dma_wait3A_200 = tpu.memref_slice %arg3[%run_scoped3A_41, %add3A_40] : memref<2x320000xi32, #tpu.memory_space<hbm>> -> memref<1x1000xi32, #tpu.memory_space<hbm>>
      %dma_wait3A_201 = tpu.memref_squeeze %dma_wait3A_200 : memref<1x1000xi32, #tpu.memory_space<hbm>> -> memref<1000xi32, #tpu.memory_space<hbm>>
      %dma_wait3A_202 = tpu.memref_slice %arg3[%run_scoped3A_41, %add3A_40] : memref<2x320000xi32, #tpu.memory_space<hbm>> -> memref<1x1000xi32, #tpu.memory_space<hbm>>
      %dma_wait3A_203 = tpu.memref_squeeze %dma_wait3A_202 : memref<1x1000xi32, #tpu.memory_space<hbm>> -> memref<1000xi32, #tpu.memory_space<hbm>>
      tpu.wait_dma2 semaphore(%run_scoped3A_195 : memref<!tpu.dma_semaphore, #tpu.memory_space<semaphore_mem>>) src(%dma_wait3A_203 : memref<1000xi32, #tpu.memory_space<hbm>>) dst(%arg21 : memref<1000xi32, #tpu.memory_space<vmem>>)
      tpu.yield
    }) : () -> ()
    %add3A_42 = arith.constant 5000 : i32
    %add3A_43 = arith.addi %mul3A_12, %add3A_42 : i32
    %run_scoped3A_44 = arith.constant 0 : i32
    "tpu.region"() ({
      %run_scoped3A_195 = tpu.sem_alloc : memref<!tpu.dma_semaphore, #tpu.memory_space<semaphore_mem>>
      %dma_start3A_196 = tpu.memref_slice %arg3[%run_scoped3A_44, %add3A_43] : memref<2x320000xi32, #tpu.memory_space<hbm>> -> memref<1x1000xi32, #tpu.memory_space<hbm>>
      %dma_start3A_197 = tpu.memref_squeeze %dma_start3A_196 : memref<1x1000xi32, #tpu.memory_space<hbm>> -> memref<1000xi32, #tpu.memory_space<hbm>>
      %dma_start3A_198 = tpu.memref_slice %arg3[%run_scoped3A_44, %add3A_43] : memref<2x320000xi32, #tpu.memory_space<hbm>> -> memref<1x1000xi32, #tpu.memory_space<hbm>>
      %dma_start3A_199 = tpu.memref_squeeze %dma_start3A_198 : memref<1x1000xi32, #tpu.memory_space<hbm>> -> memref<1000xi32, #tpu.memory_space<hbm>>
      tpu.enqueue_dma source(%dma_start3A_199 : memref<1000xi32, #tpu.memory_space<hbm>>) target(%arg12 : memref<1000xi32, #tpu.memory_space<vmem>>) target_semaphore(%run_scoped3A_195 : memref<!tpu.dma_semaphore, #tpu.memory_space<semaphore_mem>>)
      %dma_wait3A_200 = tpu.memref_slice %arg3[%run_scoped3A_44, %add3A_43] : memref<2x320000xi32, #tpu.memory_space<hbm>> -> memref<1x1000xi32, #tpu.memory_space<hbm>>
      %dma_wait3A_201 = tpu.memref_squeeze %dma_wait3A_200 : memref<1x1000xi32, #tpu.memory_space<hbm>> -> memref<1000xi32, #tpu.memory_space<hbm>>
      %dma_wait3A_202 = tpu.memref_slice %arg3[%run_scoped3A_44, %add3A_43] : memref<2x320000xi32, #tpu.memory_space<hbm>> -> memref<1x1000xi32, #tpu.memory_space<hbm>>
      %dma_wait3A_203 = tpu.memref_squeeze %dma_wait3A_202 : memref<1x1000xi32, #tpu.memory_space<hbm>> -> memref<1000xi32, #tpu.memory_space<hbm>>
      tpu.wait_dma2 semaphore(%run_scoped3A_195 : memref<!tpu.dma_semaphore, #tpu.memory_space<semaphore_mem>>) src(%dma_wait3A_203 : memref<1000xi32, #tpu.memory_space<hbm>>) dst(%arg12 : memref<1000xi32, #tpu.memory_space<vmem>>)
      tpu.yield
    }) : () -> ()
    %add3A_45 = arith.constant 5000 : i32
    %add3A_46 = arith.addi %mul3A_12, %add3A_45 : i32
    %run_scoped3A_47 = arith.constant 1 : i32
    "tpu.region"() ({
      %run_scoped3A_195 = tpu.sem_alloc : memref<!tpu.dma_semaphore, #tpu.memory_space<semaphore_mem>>
      %dma_start3A_196 = tpu.memref_slice %arg3[%run_scoped3A_47, %add3A_46] : memref<2x320000xi32, #tpu.memory_space<hbm>> -> memref<1x1000xi32, #tpu.memory_space<hbm>>
      %dma_start3A_197 = tpu.memref_squeeze %dma_start3A_196 : memref<1x1000xi32, #tpu.memory_space<hbm>> -> memref<1000xi32, #tpu.memory_space<hbm>>
      %dma_start3A_198 = tpu.memref_slice %arg3[%run_scoped3A_47, %add3A_46] : memref<2x320000xi32, #tpu.memory_space<hbm>> -> memref<1x1000xi32, #tpu.memory_space<hbm>>
      %dma_start3A_199 = tpu.memref_squeeze %dma_start3A_198 : memref<1x1000xi32, #tpu.memory_space<hbm>> -> memref<1000xi32, #tpu.memory_space<hbm>>
      tpu.enqueue_dma source(%dma_start3A_199 : memref<1000xi32, #tpu.memory_space<hbm>>) target(%arg22 : memref<1000xi32, #tpu.memory_space<vmem>>) target_semaphore(%run_scoped3A_195 : memref<!tpu.dma_semaphore, #tpu.memory_space<semaphore_mem>>)
      %dma_wait3A_200 = tpu.memref_slice %arg3[%run_scoped3A_47, %add3A_46] : memref<2x320000xi32, #tpu.memory_space<hbm>> -> memref<1x1000xi32, #tpu.memory_space<hbm>>
      %dma_wait3A_201 = tpu.memref_squeeze %dma_wait3A_200 : memref<1x1000xi32, #tpu.memory_space<hbm>> -> memref<1000xi32, #tpu.memory_space<hbm>>
      %dma_wait3A_202 = tpu.memref_slice %arg3[%run_scoped3A_47, %add3A_46] : memref<2x320000xi32, #tpu.memory_space<hbm>> -> memref<1x1000xi32, #tpu.memory_space<hbm>>
      %dma_wait3A_203 = tpu.memref_squeeze %dma_wait3A_202 : memref<1x1000xi32, #tpu.memory_space<hbm>> -> memref<1000xi32, #tpu.memory_space<hbm>>
      tpu.wait_dma2 semaphore(%run_scoped3A_195 : memref<!tpu.dma_semaphore, #tpu.memory_space<semaphore_mem>>) src(%dma_wait3A_203 : memref<1000xi32, #tpu.memory_space<hbm>>) dst(%arg22 : memref<1000xi32, #tpu.memory_space<vmem>>)
      tpu.yield
    }) : () -> ()
    %add3A_48 = arith.constant 6000 : i32
    %add3A_49 = arith.addi %mul3A_12, %add3A_48 : i32
    %run_scoped3A_50 = arith.constant 0 : i32
    "tpu.region"() ({
      %run_scoped3A_195 = tpu.sem_alloc : memref<!tpu.dma_semaphore, #tpu.memory_space<semaphore_mem>>
      %dma_start3A_196 = tpu.memref_slice %arg3[%run_scoped3A_50, %add3A_49] : memref<2x320000xi32, #tpu.memory_space<hbm>> -> memref<1x1000xi32, #tpu.memory_space<hbm>>
      %dma_start3A_197 = tpu.memref_squeeze %dma_start3A_196 : memref<1x1000xi32, #tpu.memory_space<hbm>> -> memref<1000xi32, #tpu.memory_space<hbm>>
      %dma_start3A_198 = tpu.memref_slice %arg3[%run_scoped3A_50, %add3A_49] : memref<2x320000xi32, #tpu.memory_space<hbm>> -> memref<1x1000xi32, #tpu.memory_space<hbm>>
      %dma_start3A_199 = tpu.memref_squeeze %dma_start3A_198 : memref<1x1000xi32, #tpu.memory_space<hbm>> -> memref<1000xi32, #tpu.memory_space<hbm>>
      tpu.enqueue_dma source(%dma_start3A_199 : memref<1000xi32, #tpu.memory_space<hbm>>) target(%arg13 : memref<1000xi32, #tpu.memory_space<vmem>>) target_semaphore(%run_scoped3A_195 : memref<!tpu.dma_semaphore, #tpu.memory_space<semaphore_mem>>)
      %dma_wait3A_200 = tpu.memref_slice %arg3[%run_scoped3A_50, %add3A_49] : memref<2x320000xi32, #tpu.memory_space<hbm>> -> memref<1x1000xi32, #tpu.memory_space<hbm>>
      %dma_wait3A_201 = tpu.memref_squeeze %dma_wait3A_200 : memref<1x1000xi32, #tpu.memory_space<hbm>> -> memref<1000xi32, #tpu.memory_space<hbm>>
      %dma_wait3A_202 = tpu.memref_slice %arg3[%run_scoped3A_50, %add3A_49] : memref<2x320000xi32, #tpu.memory_space<hbm>> -> memref<1x1000xi32, #tpu.memory_space<hbm>>
      %dma_wait3A_203 = tpu.memref_squeeze %dma_wait3A_202 : memref<1x1000xi32, #tpu.memory_space<hbm>> -> memref<1000xi32, #tpu.memory_space<hbm>>
      tpu.wait_dma2 semaphore(%run_scoped3A_195 : memref<!tpu.dma_semaphore, #tpu.memory_space<semaphore_mem>>) src(%dma_wait3A_203 : memref<1000xi32, #tpu.memory_space<hbm>>) dst(%arg13 : memref<1000xi32, #tpu.memory_space<vmem>>)
      tpu.yield
    }) : () -> ()
    %add3A_51 = arith.constant 6000 : i32
    %add3A_52 = arith.addi %mul3A_12, %add3A_51 : i32
    %run_scoped3A_53 = arith.constant 1 : i32
    "tpu.region"() ({
      %run_scoped3A_195 = tpu.sem_alloc : memref<!tpu.dma_semaphore, #tpu.memory_space<semaphore_mem>>
      %dma_start3A_196 = tpu.memref_slice %arg3[%run_scoped3A_53, %add3A_52] : memref<2x320000xi32, #tpu.memory_space<hbm>> -> memref<1x1000xi32, #tpu.memory_space<hbm>>
      %dma_start3A_197 = tpu.memref_squeeze %dma_start3A_196 : memref<1x1000xi32, #tpu.memory_space<hbm>> -> memref<1000xi32, #tpu.memory_space<hbm>>
      %dma_start3A_198 = tpu.memref_slice %arg3[%run_scoped3A_53, %add3A_52] : memref<2x320000xi32, #tpu.memory_space<hbm>> -> memref<1x1000xi32, #tpu.memory_space<hbm>>
      %dma_start3A_199 = tpu.memref_squeeze %dma_start3A_198 : memref<1x1000xi32, #tpu.memory_space<hbm>> -> memref<1000xi32, #tpu.memory_space<hbm>>
      tpu.enqueue_dma source(%dma_start3A_199 : memref<1000xi32, #tpu.memory_space<hbm>>) target(%arg23 : memref<1000xi32, #tpu.memory_space<vmem>>) target_semaphore(%run_scoped3A_195 : memref<!tpu.dma_semaphore, #tpu.memory_space<semaphore_mem>>)
      %dma_wait3A_200 = tpu.memref_slice %arg3[%run_scoped3A_53, %add3A_52] : memref<2x320000xi32, #tpu.memory_space<hbm>> -> memref<1x1000xi32, #tpu.memory_space<hbm>>
      %dma_wait3A_201 = tpu.memref_squeeze %dma_wait3A_200 : memref<1x1000xi32, #tpu.memory_space<hbm>> -> memref<1000xi32, #tpu.memory_space<hbm>>
      %dma_wait3A_202 = tpu.memref_slice %arg3[%run_scoped3A_53, %add3A_52] : memref<2x320000xi32, #tpu.memory_space<hbm>> -> memref<1x1000xi32, #tpu.memory_space<hbm>>
      %dma_wait3A_203 = tpu.memref_squeeze %dma_wait3A_202 : memref<1x1000xi32, #tpu.memory_space<hbm>> -> memref<1000xi32, #tpu.memory_space<hbm>>
      tpu.wait_dma2 semaphore(%run_scoped3A_195 : memref<!tpu.dma_semaphore, #tpu.memory_space<semaphore_mem>>) src(%dma_wait3A_203 : memref<1000xi32, #tpu.memory_space<hbm>>) dst(%arg23 : memref<1000xi32, #tpu.memory_space<vmem>>)
      tpu.yield
    }) : () -> ()
    %add3A_54 = arith.constant 7000 : i32
    %add3A_55 = arith.addi %mul3A_12, %add3A_54 : i32
    %run_scoped3A_56 = arith.constant 0 : i32
    "tpu.region"() ({
      %run_scoped3A_195 = tpu.sem_alloc : memref<!tpu.dma_semaphore, #tpu.memory_space<semaphore_mem>>
      %dma_start3A_196 = tpu.memref_slice %arg3[%run_scoped3A_56, %add3A_55] : memref<2x320000xi32, #tpu.memory_space<hbm>> -> memref<1x1000xi32, #tpu.memory_space<hbm>>
      %dma_start3A_197 = tpu.memref_squeeze %dma_start3A_196 : memref<1x1000xi32, #tpu.memory_space<hbm>> -> memref<1000xi32, #tpu.memory_space<hbm>>
      %dma_start3A_198 = tpu.memref_slice %arg3[%run_scoped3A_56, %add3A_55] : memref<2x320000xi32, #tpu.memory_space<hbm>> -> memref<1x1000xi32, #tpu.memory_space<hbm>>
      %dma_start3A_199 = tpu.memref_squeeze %dma_start3A_198 : memref<1x1000xi32, #tpu.memory_space<hbm>> -> memref<1000xi32, #tpu.memory_space<hbm>>
      tpu.enqueue_dma source(%dma_start3A_199 : memref<1000xi32, #tpu.memory_space<hbm>>) target(%arg14 : memref<1000xi32, #tpu.memory_space<vmem>>) target_semaphore(%run_scoped3A_195 : memref<!tpu.dma_semaphore, #tpu.memory_space<semaphore_mem>>)
      %dma_wait3A_200 = tpu.memref_slice %arg3[%run_scoped3A_56, %add3A_55] : memref<2x320000xi32, #tpu.memory_space<hbm>> -> memref<1x1000xi32, #tpu.memory_space<hbm>>
      %dma_wait3A_201 = tpu.memref_squeeze %dma_wait3A_200 : memref<1x1000xi32, #tpu.memory_space<hbm>> -> memref<1000xi32, #tpu.memory_space<hbm>>
      %dma_wait3A_202 = tpu.memref_slice %arg3[%run_scoped3A_56, %add3A_55] : memref<2x320000xi32, #tpu.memory_space<hbm>> -> memref<1x1000xi32, #tpu.memory_space<hbm>>
      %dma_wait3A_203 = tpu.memref_squeeze %dma_wait3A_202 : memref<1x1000xi32, #tpu.memory_space<hbm>> -> memref<1000xi32, #tpu.memory_space<hbm>>
      tpu.wait_dma2 semaphore(%run_scoped3A_195 : memref<!tpu.dma_semaphore, #tpu.memory_space<semaphore_mem>>) src(%dma_wait3A_203 : memref<1000xi32, #tpu.memory_space<hbm>>) dst(%arg14 : memref<1000xi32, #tpu.memory_space<vmem>>)
      tpu.yield
    }) : () -> ()
    %add3A_57 = arith.constant 7000 : i32
    %add3A_58 = arith.addi %mul3A_12, %add3A_57 : i32
    %run_scoped3A_59 = arith.constant 1 : i32
    "tpu.region"() ({
      %run_scoped3A_195 = tpu.sem_alloc : memref<!tpu.dma_semaphore, #tpu.memory_space<semaphore_mem>>
      %dma_start3A_196 = tpu.memref_slice %arg3[%run_scoped3A_59, %add3A_58] : memref<2x320000xi32, #tpu.memory_space<hbm>> -> memref<1x1000xi32, #tpu.memory_space<hbm>>
      %dma_start3A_197 = tpu.memref_squeeze %dma_start3A_196 : memref<1x1000xi32, #tpu.memory_space<hbm>> -> memref<1000xi32, #tpu.memory_space<hbm>>
      %dma_start3A_198 = tpu.memref_slice %arg3[%run_scoped3A_59, %add3A_58] : memref<2x320000xi32, #tpu.memory_space<hbm>> -> memref<1x1000xi32, #tpu.memory_space<hbm>>
      %dma_start3A_199 = tpu.memref_squeeze %dma_start3A_198 : memref<1x1000xi32, #tpu.memory_space<hbm>> -> memref<1000xi32, #tpu.memory_space<hbm>>
      tpu.enqueue_dma source(%dma_start3A_199 : memref<1000xi32, #tpu.memory_space<hbm>>) target(%arg24 : memref<1000xi32, #tpu.memory_space<vmem>>) target_semaphore(%run_scoped3A_195 : memref<!tpu.dma_semaphore, #tpu.memory_space<semaphore_mem>>)
      %dma_wait3A_200 = tpu.memref_slice %arg3[%run_scoped3A_59, %add3A_58] : memref<2x320000xi32, #tpu.memory_space<hbm>> -> memref<1x1000xi32, #tpu.memory_space<hbm>>
      %dma_wait3A_201 = tpu.memref_squeeze %dma_wait3A_200 : memref<1x1000xi32, #tpu.memory_space<hbm>> -> memref<1000xi32, #tpu.memory_space<hbm>>
      %dma_wait3A_202 = tpu.memref_slice %arg3[%run_scoped3A_59, %add3A_58] : memref<2x320000xi32, #tpu.memory_space<hbm>> -> memref<1x1000xi32, #tpu.memory_space<hbm>>
      %dma_wait3A_203 = tpu.memref_squeeze %dma_wait3A_202 : memref<1x1000xi32, #tpu.memory_space<hbm>> -> memref<1000xi32, #tpu.memory_space<hbm>>
      tpu.wait_dma2 semaphore(%run_scoped3A_195 : memref<!tpu.dma_semaphore, #tpu.memory_space<semaphore_mem>>) src(%dma_wait3A_203 : memref<1000xi32, #tpu.memory_space<hbm>>) dst(%arg24 : memref<1000xi32, #tpu.memory_space<vmem>>)
      tpu.yield
    }) : () -> ()
    %add3A_60 = arith.constant 8000 : i32
    %add3A_61 = arith.addi %mul3A_12, %add3A_60 : i32
    %run_scoped3A_62 = arith.constant 0 : i32
    "tpu.region"() ({
      %run_scoped3A_195 = tpu.sem_alloc : memref<!tpu.dma_semaphore, #tpu.memory_space<semaphore_mem>>
      %dma_start3A_196 = tpu.memref_slice %arg3[%run_scoped3A_62, %add3A_61] : memref<2x320000xi32, #tpu.memory_space<hbm>> -> memref<1x1000xi32, #tpu.memory_space<hbm>>
      %dma_start3A_197 = tpu.memref_squeeze %dma_start3A_196 : memref<1x1000xi32, #tpu.memory_space<hbm>> -> memref<1000xi32, #tpu.memory_space<hbm>>
      %dma_start3A_198 = tpu.memref_slice %arg3[%run_scoped3A_62, %add3A_61] : memref<2x320000xi32, #tpu.memory_space<hbm>> -> memref<1x1000xi32, #tpu.memory_space<hbm>>
      %dma_start3A_199 = tpu.memref_squeeze %dma_start3A_198 : memref<1x1000xi32, #tpu.memory_space<hbm>> -> memref<1000xi32, #tpu.memory_space<hbm>>
      tpu.enqueue_dma source(%dma_start3A_199 : memref<1000xi32, #tpu.memory_space<hbm>>) target(%arg15 : memref<1000xi32, #tpu.memory_space<vmem>>) target_semaphore(%run_scoped3A_195 : memref<!tpu.dma_semaphore, #tpu.memory_space<semaphore_mem>>)
      %dma_wait3A_200 = tpu.memref_slice %arg3[%run_scoped3A_62, %add3A_61] : memref<2x320000xi32, #tpu.memory_space<hbm>> -> memref<1x1000xi32, #tpu.memory_space<hbm>>
      %dma_wait3A_201 = tpu.memref_squeeze %dma_wait3A_200 : memref<1x1000xi32, #tpu.memory_space<hbm>> -> memref<1000xi32, #tpu.memory_space<hbm>>
      %dma_wait3A_202 = tpu.memref_slice %arg3[%run_scoped3A_62, %add3A_61] : memref<2x320000xi32, #tpu.memory_space<hbm>> -> memref<1x1000xi32, #tpu.memory_space<hbm>>
      %dma_wait3A_203 = tpu.memref_squeeze %dma_wait3A_202 : memref<1x1000xi32, #tpu.memory_space<hbm>> -> memref<1000xi32, #tpu.memory_space<hbm>>
      tpu.wait_dma2 semaphore(%run_scoped3A_195 : memref<!tpu.dma_semaphore, #tpu.memory_space<semaphore_mem>>) src(%dma_wait3A_203 : memref<1000xi32, #tpu.memory_space<hbm>>) dst(%arg15 : memref<1000xi32, #tpu.memory_space<vmem>>)
      tpu.yield
    }) : () -> ()
    %add3A_63 = arith.constant 8000 : i32
    %add3A_64 = arith.addi %mul3A_12, %add3A_63 : i32
    %run_scoped3A_65 = arith.constant 1 : i32
    "tpu.region"() ({
      %run_scoped3A_195 = tpu.sem_alloc : memref<!tpu.dma_semaphore, #tpu.memory_space<semaphore_mem>>
      %dma_start3A_196 = tpu.memref_slice %arg3[%run_scoped3A_65, %add3A_64] : memref<2x320000xi32, #tpu.memory_space<hbm>> -> memref<1x1000xi32, #tpu.memory_space<hbm>>
      %dma_start3A_197 = tpu.memref_squeeze %dma_start3A_196 : memref<1x1000xi32, #tpu.memory_space<hbm>> -> memref<1000xi32, #tpu.memory_space<hbm>>
      %dma_start3A_198 = tpu.memref_slice %arg3[%run_scoped3A_65, %add3A_64] : memref<2x320000xi32, #tpu.memory_space<hbm>> -> memref<1x1000xi32, #tpu.memory_space<hbm>>
      %dma_start3A_199 = tpu.memref_squeeze %dma_start3A_198 : memref<1x1000xi32, #tpu.memory_space<hbm>> -> memref<1000xi32, #tpu.memory_space<hbm>>
      tpu.enqueue_dma source(%dma_start3A_199 : memref<1000xi32, #tpu.memory_space<hbm>>) target(%arg25 : memref<1000xi32, #tpu.memory_space<vmem>>) target_semaphore(%run_scoped3A_195 : memref<!tpu.dma_semaphore, #tpu.memory_space<semaphore_mem>>)
      %dma_wait3A_200 = tpu.memref_slice %arg3[%run_scoped3A_65, %add3A_64] : memref<2x320000xi32, #tpu.memory_space<hbm>> -> memref<1x1000xi32, #tpu.memory_space<hbm>>
      %dma_wait3A_201 = tpu.memref_squeeze %dma_wait3A_200 : memref<1x1000xi32, #tpu.memory_space<hbm>> -> memref<1000xi32, #tpu.memory_space<hbm>>
      %dma_wait3A_202 = tpu.memref_slice %arg3[%run_scoped3A_65, %add3A_64] : memref<2x320000xi32, #tpu.memory_space<hbm>> -> memref<1x1000xi32, #tpu.memory_space<hbm>>
      %dma_wait3A_203 = tpu.memref_squeeze %dma_wait3A_202 : memref<1x1000xi32, #tpu.memory_space<hbm>> -> memref<1000xi32, #tpu.memory_space<hbm>>
      tpu.wait_dma2 semaphore(%run_scoped3A_195 : memref<!tpu.dma_semaphore, #tpu.memory_space<semaphore_mem>>) src(%dma_wait3A_203 : memref<1000xi32, #tpu.memory_space<hbm>>) dst(%arg25 : memref<1000xi32, #tpu.memory_space<vmem>>)
      tpu.yield
    }) : () -> ()
    %add3A_66 = arith.constant 9000 : i32
    %add3A_67 = arith.addi %mul3A_12, %add3A_66 : i32
    %run_scoped3A_68 = arith.constant 0 : i32
    "tpu.region"() ({
      %run_scoped3A_195 = tpu.sem_alloc : memref<!tpu.dma_semaphore, #tpu.memory_space<semaphore_mem>>
      %dma_start3A_196 = tpu.memref_slice %arg3[%run_scoped3A_68, %add3A_67] : memref<2x320000xi32, #tpu.memory_space<hbm>> -> memref<1x1000xi32, #tpu.memory_space<hbm>>
      %dma_start3A_197 = tpu.memref_squeeze %dma_start3A_196 : memref<1x1000xi32, #tpu.memory_space<hbm>> -> memref<1000xi32, #tpu.memory_space<hbm>>
      %dma_start3A_198 = tpu.memref_slice %arg3[%run_scoped3A_68, %add3A_67] : memref<2x320000xi32, #tpu.memory_space<hbm>> -> memref<1x1000xi32, #tpu.memory_space<hbm>>
      %dma_start3A_199 = tpu.memref_squeeze %dma_start3A_198 : memref<1x1000xi32, #tpu.memory_space<hbm>> -> memref<1000xi32, #tpu.memory_space<hbm>>
      tpu.enqueue_dma source(%dma_start3A_199 : memref<1000xi32, #tpu.memory_space<hbm>>) target(%arg16 : memref<1000xi32, #tpu.memory_space<vmem>>) target_semaphore(%run_scoped3A_195 : memref<!tpu.dma_semaphore, #tpu.memory_space<semaphore_mem>>)
      %dma_wait3A_200 = tpu.memref_slice %arg3[%run_scoped3A_68, %add3A_67] : memref<2x320000xi32, #tpu.memory_space<hbm>> -> memref<1x1000xi32, #tpu.memory_space<hbm>>
      %dma_wait3A_201 = tpu.memref_squeeze %dma_wait3A_200 : memref<1x1000xi32, #tpu.memory_space<hbm>> -> memref<1000xi32, #tpu.memory_space<hbm>>
      %dma_wait3A_202 = tpu.memref_slice %arg3[%run_scoped3A_68, %add3A_67] : memref<2x320000xi32, #tpu.memory_space<hbm>> -> memref<1x1000xi32, #tpu.memory_space<hbm>>
      %dma_wait3A_203 = tpu.memref_squeeze %dma_wait3A_202 : memref<1x1000xi32, #tpu.memory_space<hbm>> -> memref<1000xi32, #tpu.memory_space<hbm>>
      tpu.wait_dma2 semaphore(%run_scoped3A_195 : memref<!tpu.dma_semaphore, #tpu.memory_space<semaphore_mem>>) src(%dma_wait3A_203 : memref<1000xi32, #tpu.memory_space<hbm>>) dst(%arg16 : memref<1000xi32, #tpu.memory_space<vmem>>)
      tpu.yield
    }) : () -> ()
    %add3A_69 = arith.constant 9000 : i32
    %add3A_70 = arith.addi %mul3A_12, %add3A_69 : i32
    %run_scoped3A_71 = arith.constant 1 : i32
    "tpu.region"() ({
      %run_scoped3A_195 = tpu.sem_alloc : memref<!tpu.dma_semaphore, #tpu.memory_space<semaphore_mem>>
      %dma_start3A_196 = tpu.memref_slice %arg3[%run_scoped3A_71, %add3A_70] : memref<2x320000xi32, #tpu.memory_space<hbm>> -> memref<1x1000xi32, #tpu.memory_space<hbm>>
      %dma_start3A_197 = tpu.memref_squeeze %dma_start3A_196 : memref<1x1000xi32, #tpu.memory_space<hbm>> -> memref<1000xi32, #tpu.memory_space<hbm>>
      %dma_start3A_198 = tpu.memref_slice %arg3[%run_scoped3A_71, %add3A_70] : memref<2x320000xi32, #tpu.memory_space<hbm>> -> memref<1x1000xi32, #tpu.memory_space<hbm>>
      %dma_start3A_199 = tpu.memref_squeeze %dma_start3A_198 : memref<1x1000xi32, #tpu.memory_space<hbm>> -> memref<1000xi32, #tpu.memory_space<hbm>>
      tpu.enqueue_dma source(%dma_start3A_199 : memref<1000xi32, #tpu.memory_space<hbm>>) target(%arg26 : memref<1000xi32, #tpu.memory_space<vmem>>) target_semaphore(%run_scoped3A_195 : memref<!tpu.dma_semaphore, #tpu.memory_space<semaphore_mem>>)
      %dma_wait3A_200 = tpu.memref_slice %arg3[%run_scoped3A_71, %add3A_70] : memref<2x320000xi32, #tpu.memory_space<hbm>> -> memref<1x1000xi32, #tpu.memory_space<hbm>>
      %dma_wait3A_201 = tpu.memref_squeeze %dma_wait3A_200 : memref<1x1000xi32, #tpu.memory_space<hbm>> -> memref<1000xi32, #tpu.memory_space<hbm>>
      %dma_wait3A_202 = tpu.memref_slice %arg3[%run_scoped3A_71, %add3A_70] : memref<2x320000xi32, #tpu.memory_space<hbm>> -> memref<1x1000xi32, #tpu.memory_space<hbm>>
      %dma_wait3A_203 = tpu.memref_squeeze %dma_wait3A_202 : memref<1x1000xi32, #tpu.memory_space<hbm>> -> memref<1000xi32, #tpu.memory_space<hbm>>
      tpu.wait_dma2 semaphore(%run_scoped3A_195 : memref<!tpu.dma_semaphore, #tpu.memory_space<semaphore_mem>>) src(%dma_wait3A_203 : memref<1000xi32, #tpu.memory_space<hbm>>) dst(%arg26 : memref<1000xi32, #tpu.memory_space<vmem>>)
      tpu.yield
    }) : () -> ()
    %barrier3A = arith.constant 0 : index
    tpu.barrier barrier_id(%barrier3A)
    %dma_start3A = arith.constant 0 : i32
    %dma_start3A_72 = arith.constant 0 : i32
    %dma_start3A_73 = tpu.memref_slice %arg5[%dma_start3A, %dma_start3A_72] : memref<10240x16xf32, #tpu.memory_space<vmem_shared>> -> memref<10240x16xf32, #tpu.memory_space<vmem_shared>>
    tpu.enqueue_indirect_dma source(%dma_start3A_73 : memref<10240x16xf32, #tpu.memory_space<vmem_shared>>) target(%arg27 : memref<1000x16xf32, #tpu.memory_space<vmem>>) offsets(%arg7 : memref<1000xi32, #tpu.memory_space<vmem>>) semaphore(%arg29 : memref<!tpu.dma_semaphore, #tpu.memory_space<semaphore_mem>>)
    %dma_start3A_74 = arith.constant 0 : i32
    %dma_start3A_75 = arith.constant 0 : i32
    %dma_start3A_76 = tpu.memref_slice %arg5[%dma_start3A_74, %dma_start3A_75] : memref<10240x16xf32, #tpu.memory_space<vmem_shared>> -> memref<10240x16xf32, #tpu.memory_space<vmem_shared>>
    tpu.enqueue_indirect_dma source(%dma_start3A_76 : memref<10240x16xf32, #tpu.memory_space<vmem_shared>>) target(%arg28 : memref<1000x16xf32, #tpu.memory_space<vmem>>) offsets(%arg8 : memref<1000xi32, #tpu.memory_space<vmem>>) semaphore(%arg30 : memref<!tpu.dma_semaphore, #tpu.memory_space<semaphore_mem>>)
    %dma_wait3A = arith.constant 0 : i32
    %dma_wait3A_77 = arith.constant 0 : i32
    %dma_wait3A_78 = tpu.memref_slice %arg5[%dma_wait3A, %dma_wait3A_77] : memref<10240x16xf32, #tpu.memory_space<vmem_shared>> -> memref<10240x16xf32, #tpu.memory_space<vmem_shared>>
    tpu.wait_indirect_dma semaphore(%arg29 : memref<!tpu.dma_semaphore, #tpu.memory_space<semaphore_mem>>) src(%dma_wait3A_78 : memref<10240x16xf32, #tpu.memory_space<vmem_shared>>) dst(%arg27 : memref<1000x16xf32, #tpu.memory_space<vmem>>)
    %dma_start3A_79 = arith.constant 0 : i32
    %dma_start3A_80 = arith.constant 0 : i32
    %dma_start3A_81 = tpu.memref_slice %arg6[%dma_start3A_79, %dma_start3A_80] : memref<10240x16xf32, #tpu.memory_space<vmem_shared>> -> memref<10240x16xf32, #tpu.memory_space<vmem_shared>>
    tpu.enqueue_indirect_dma source(%arg27 : memref<1000x16xf32, #tpu.memory_space<vmem>>) target(%dma_start3A_81 : memref<10240x16xf32, #tpu.memory_space<vmem_shared>>) offsets(%arg17 : memref<1000xi32, #tpu.memory_space<vmem>>) semaphore(%arg31 : memref<!tpu.dma_semaphore, #tpu.memory_space<semaphore_mem>>) {add = true}
    %dma_wait3A_82 = arith.constant 0 : i32
    %dma_wait3A_83 = arith.constant 0 : i32
    %dma_wait3A_84 = tpu.memref_slice %arg6[%dma_wait3A_82, %dma_wait3A_83] : memref<10240x16xf32, #tpu.memory_space<vmem_shared>> -> memref<10240x16xf32, #tpu.memory_space<vmem_shared>>
    tpu.wait_indirect_dma semaphore(%arg31 : memref<!tpu.dma_semaphore, #tpu.memory_space<semaphore_mem>>) src(%arg27 : memref<1000x16xf32, #tpu.memory_space<vmem>>) dst(%dma_wait3A_84 : memref<10240x16xf32, #tpu.memory_space<vmem_shared>>)
    %dma_start3A_85 = arith.constant 0 : i32
    %dma_start3A_86 = arith.constant 0 : i32
    %dma_start3A_87 = tpu.memref_slice %arg5[%dma_start3A_85, %dma_start3A_86] : memref<10240x16xf32, #tpu.memory_space<vmem_shared>> -> memref<10240x16xf32, #tpu.memory_space<vmem_shared>>
    tpu.enqueue_indirect_dma source(%dma_start3A_87 : memref<10240x16xf32, #tpu.memory_space<vmem_shared>>) target(%arg27 : memref<1000x16xf32, #tpu.memory_space<vmem>>) offsets(%arg9 : memref<1000xi32, #tpu.memory_space<vmem>>) semaphore(%arg29 : memref<!tpu.dma_semaphore, #tpu.memory_space<semaphore_mem>>)
    %dma_wait3A_88 = arith.constant 0 : i32
    %dma_wait3A_89 = arith.constant 0 : i32
    %dma_wait3A_90 = tpu.memref_slice %arg5[%dma_wait3A_88, %dma_wait3A_89] : memref<10240x16xf32, #tpu.memory_space<vmem_shared>> -> memref<10240x16xf32, #tpu.memory_space<vmem_shared>>
    tpu.wait_indirect_dma semaphore(%arg30 : memref<!tpu.dma_semaphore, #tpu.memory_space<semaphore_mem>>) src(%dma_wait3A_90 : memref<10240x16xf32, #tpu.memory_space<vmem_shared>>) dst(%arg28 : memref<1000x16xf32, #tpu.memory_space<vmem>>)
    %dma_start3A_91 = arith.constant 0 : i32
    %dma_start3A_92 = arith.constant 0 : i32
    %dma_start3A_93 = tpu.memref_slice %arg6[%dma_start3A_91, %dma_start3A_92] : memref<10240x16xf32, #tpu.memory_space<vmem_shared>> -> memref<10240x16xf32, #tpu.memory_space<vmem_shared>>
    tpu.enqueue_indirect_dma source(%arg28 : memref<1000x16xf32, #tpu.memory_space<vmem>>) target(%dma_start3A_93 : memref<10240x16xf32, #tpu.memory_space<vmem_shared>>) offsets(%arg18 : memref<1000xi32, #tpu.memory_space<vmem>>) semaphore(%arg32 : memref<!tpu.dma_semaphore, #tpu.memory_space<semaphore_mem>>) {add = true}
    %dma_wait3A_94 = arith.constant 0 : i32
    %dma_wait3A_95 = arith.constant 0 : i32
    %dma_wait3A_96 = tpu.memref_slice %arg6[%dma_wait3A_94, %dma_wait3A_95] : memref<10240x16xf32, #tpu.memory_space<vmem_shared>> -> memref<10240x16xf32, #tpu.memory_space<vmem_shared>>
    tpu.wait_indirect_dma semaphore(%arg32 : memref<!tpu.dma_semaphore, #tpu.memory_space<semaphore_mem>>) src(%arg28 : memref<1000x16xf32, #tpu.memory_space<vmem>>) dst(%dma_wait3A_96 : memref<10240x16xf32, #tpu.memory_space<vmem_shared>>)
    %dma_start3A_97 = arith.constant 0 : i32
    %dma_start3A_98 = arith.constant 0 : i32
    %dma_start3A_99 = tpu.memref_slice %arg5[%dma_start3A_97, %dma_start3A_98] : memref<10240x16xf32, #tpu.memory_space<vmem_shared>> -> memref<10240x16xf32, #tpu.memory_space<vmem_shared>>
    tpu.enqueue_indirect_dma source(%dma_start3A_99 : memref<10240x16xf32, #tpu.memory_space<vmem_shared>>) target(%arg28 : memref<1000x16xf32, #tpu.memory_space<vmem>>) offsets(%arg10 : memref<1000xi32, #tpu.memory_space<vmem>>) semaphore(%arg30 : memref<!tpu.dma_semaphore, #tpu.memory_space<semaphore_mem>>)
    %dma_wait3A_100 = arith.constant 0 : i32
    %dma_wait3A_101 = arith.constant 0 : i32
    %dma_wait3A_102 = tpu.memref_slice %arg5[%dma_wait3A_100, %dma_wait3A_101] : memref<10240x16xf32, #tpu.memory_space<vmem_shared>> -> memref<10240x16xf32, #tpu.memory_space<vmem_shared>>
    tpu.wait_indirect_dma semaphore(%arg29 : memref<!tpu.dma_semaphore, #tpu.memory_space<semaphore_mem>>) src(%dma_wait3A_102 : memref<10240x16xf32, #tpu.memory_space<vmem_shared>>) dst(%arg27 : memref<1000x16xf32, #tpu.memory_space<vmem>>)
    %dma_start3A_103 = arith.constant 0 : i32
    %dma_start3A_104 = arith.constant 0 : i32
    %dma_start3A_105 = tpu.memref_slice %arg6[%dma_start3A_103, %dma_start3A_104] : memref<10240x16xf32, #tpu.memory_space<vmem_shared>> -> memref<10240x16xf32, #tpu.memory_space<vmem_shared>>
    tpu.enqueue_indirect_dma source(%arg27 : memref<1000x16xf32, #tpu.memory_space<vmem>>) target(%dma_start3A_105 : memref<10240x16xf32, #tpu.memory_space<vmem_shared>>) offsets(%arg19 : memref<1000xi32, #tpu.memory_space<vmem>>) semaphore(%arg31 : memref<!tpu.dma_semaphore, #tpu.memory_space<semaphore_mem>>) {add = true}
    %dma_wait3A_106 = arith.constant 0 : i32
    %dma_wait3A_107 = arith.constant 0 : i32
    %dma_wait3A_108 = tpu.memref_slice %arg6[%dma_wait3A_106, %dma_wait3A_107] : memref<10240x16xf32, #tpu.memory_space<vmem_shared>> -> memref<10240x16xf32, #tpu.memory_space<vmem_shared>>
    tpu.wait_indirect_dma semaphore(%arg31 : memref<!tpu.dma_semaphore, #tpu.memory_space<semaphore_mem>>) src(%arg27 : memref<1000x16xf32, #tpu.memory_space<vmem>>) dst(%dma_wait3A_108 : memref<10240x16xf32, #tpu.memory_space<vmem_shared>>)
    %dma_start3A_109 = arith.constant 0 : i32
    %dma_start3A_110 = arith.constant 0 : i32
    %dma_start3A_111 = tpu.memref_slice %arg5[%dma_start3A_109, %dma_start3A_110] : memref<10240x16xf32, #tpu.memory_space<vmem_shared>> -> memref<10240x16xf32, #tpu.memory_space<vmem_shared>>
    tpu.enqueue_indirect_dma source(%dma_start3A_111 : memref<10240x16xf32, #tpu.memory_space<vmem_shared>>) target(%arg27 : memref<1000x16xf32, #tpu.memory_space<vmem>>) offsets(%arg11 : memref<1000xi32, #tpu.memory_space<vmem>>) semaphore(%arg29 : memref<!tpu.dma_semaphore, #tpu.memory_space<semaphore_mem>>)
    %dma_wait3A_112 = arith.constant 0 : i32
    %dma_wait3A_113 = arith.constant 0 : i32
    %dma_wait3A_114 = tpu.memref_slice %arg5[%dma_wait3A_112, %dma_wait3A_113] : memref<10240x16xf32, #tpu.memory_space<vmem_shared>> -> memref<10240x16xf32, #tpu.memory_space<vmem_shared>>
    tpu.wait_indirect_dma semaphore(%arg30 : memref<!tpu.dma_semaphore, #tpu.memory_space<semaphore_mem>>) src(%dma_wait3A_114 : memref<10240x16xf32, #tpu.memory_space<vmem_shared>>) dst(%arg28 : memref<1000x16xf32, #tpu.memory_space<vmem>>)
    %dma_start3A_115 = arith.constant 0 : i32
    %dma_start3A_116 = arith.constant 0 : i32
    %dma_start3A_117 = tpu.memref_slice %arg6[%dma_start3A_115, %dma_start3A_116] : memref<10240x16xf32, #tpu.memory_space<vmem_shared>> -> memref<10240x16xf32, #tpu.memory_space<vmem_shared>>
    tpu.enqueue_indirect_dma source(%arg28 : memref<1000x16xf32, #tpu.memory_space<vmem>>) target(%dma_start3A_117 : memref<10240x16xf32, #tpu.memory_space<vmem_shared>>) offsets(%arg20 : memref<1000xi32, #tpu.memory_space<vmem>>) semaphore(%arg32 : memref<!tpu.dma_semaphore, #tpu.memory_space<semaphore_mem>>) {add = true}
    %dma_wait3A_118 = arith.constant 0 : i32
    %dma_wait3A_119 = arith.constant 0 : i32
    %dma_wait3A_120 = tpu.memref_slice %arg6[%dma_wait3A_118, %dma_wait3A_119] : memref<10240x16xf32, #tpu.memory_space<vmem_shared>> -> memref<10240x16xf32, #tpu.memory_space<vmem_shared>>
    tpu.wait_indirect_dma semaphore(%arg32 : memref<!tpu.dma_semaphore, #tpu.memory_space<semaphore_mem>>) src(%arg28 : memref<1000x16xf32, #tpu.memory_space<vmem>>) dst(%dma_wait3A_120 : memref<10240x16xf32, #tpu.memory_space<vmem_shared>>)
    %dma_start3A_121 = arith.constant 0 : i32
    %dma_start3A_122 = arith.constant 0 : i32
    %dma_start3A_123 = tpu.memref_slice %arg5[%dma_start3A_121, %dma_start3A_122] : memref<10240x16xf32, #tpu.memory_space<vmem_shared>> -> memref<10240x16xf32, #tpu.memory_space<vmem_shared>>
    tpu.enqueue_indirect_dma source(%dma_start3A_123 : memref<10240x16xf32, #tpu.memory_space<vmem_shared>>) target(%arg28 : memref<1000x16xf32, #tpu.memory_space<vmem>>) offsets(%arg12 : memref<1000xi32, #tpu.memory_space<vmem>>) semaphore(%arg30 : memref<!tpu.dma_semaphore, #tpu.memory_space<semaphore_mem>>)
    %dma_wait3A_124 = arith.constant 0 : i32
    %dma_wait3A_125 = arith.constant 0 : i32
    %dma_wait3A_126 = tpu.memref_slice %arg5[%dma_wait3A_124, %dma_wait3A_125] : memref<10240x16xf32, #tpu.memory_space<vmem_shared>> -> memref<10240x16xf32, #tpu.memory_space<vmem_shared>>
    tpu.wait_indirect_dma semaphore(%arg29 : memref<!tpu.dma_semaphore, #tpu.memory_space<semaphore_mem>>) src(%dma_wait3A_126 : memref<10240x16xf32, #tpu.memory_space<vmem_shared>>) dst(%arg27 : memref<1000x16xf32, #tpu.memory_space<vmem>>)
    %dma_start3A_127 = arith.constant 0 : i32
    %dma_start3A_128 = arith.constant 0 : i32
    %dma_start3A_129 = tpu.memref_slice %arg6[%dma_start3A_127, %dma_start3A_128] : memref<10240x16xf32, #tpu.memory_space<vmem_shared>> -> memref<10240x16xf32, #tpu.memory_space<vmem_shared>>
    tpu.enqueue_indirect_dma source(%arg27 : memref<1000x16xf32, #tpu.memory_space<vmem>>) target(%dma_start3A_129 : memref<10240x16xf32, #tpu.memory_space<vmem_shared>>) offsets(%arg21 : memref<1000xi32, #tpu.memory_space<vmem>>) semaphore(%arg31 : memref<!tpu.dma_semaphore, #tpu.memory_space<semaphore_mem>>) {add = true}
    %dma_wait3A_130 = arith.constant 0 : i32
    %dma_wait3A_131 = arith.constant 0 : i32
    %dma_wait3A_132 = tpu.memref_slice %arg6[%dma_wait3A_130, %dma_wait3A_131] : memref<10240x16xf32, #tpu.memory_space<vmem_shared>> -> memref<10240x16xf32, #tpu.memory_space<vmem_shared>>
    tpu.wait_indirect_dma semaphore(%arg31 : memref<!tpu.dma_semaphore, #tpu.memory_space<semaphore_mem>>) src(%arg27 : memref<1000x16xf32, #tpu.memory_space<vmem>>) dst(%dma_wait3A_132 : memref<10240x16xf32, #tpu.memory_space<vmem_shared>>)
    %dma_start3A_133 = arith.constant 0 : i32
    %dma_start3A_134 = arith.constant 0 : i32
    %dma_start3A_135 = tpu.memref_slice %arg5[%dma_start3A_133, %dma_start3A_134] : memref<10240x16xf32, #tpu.memory_space<vmem_shared>> -> memref<10240x16xf32, #tpu.memory_space<vmem_shared>>
    tpu.enqueue_indirect_dma source(%dma_start3A_135 : memref<10240x16xf32, #tpu.memory_space<vmem_shared>>) target(%arg27 : memref<1000x16xf32, #tpu.memory_space<vmem>>) offsets(%arg13 : memref<1000xi32, #tpu.memory_space<vmem>>) semaphore(%arg29 : memref<!tpu.dma_semaphore, #tpu.memory_space<semaphore_mem>>)
    %dma_wait3A_136 = arith.constant 0 : i32
    %dma_wait3A_137 = arith.constant 0 : i32
    %dma_wait3A_138 = tpu.memref_slice %arg5[%dma_wait3A_136, %dma_wait3A_137] : memref<10240x16xf32, #tpu.memory_space<vmem_shared>> -> memref<10240x16xf32, #tpu.memory_space<vmem_shared>>
    tpu.wait_indirect_dma semaphore(%arg30 : memref<!tpu.dma_semaphore, #tpu.memory_space<semaphore_mem>>) src(%dma_wait3A_138 : memref<10240x16xf32, #tpu.memory_space<vmem_shared>>) dst(%arg28 : memref<1000x16xf32, #tpu.memory_space<vmem>>)
    %dma_start3A_139 = arith.constant 0 : i32
    %dma_start3A_140 = arith.constant 0 : i32
    %dma_start3A_141 = tpu.memref_slice %arg6[%dma_start3A_139, %dma_start3A_140] : memref<10240x16xf32, #tpu.memory_space<vmem_shared>> -> memref<10240x16xf32, #tpu.memory_space<vmem_shared>>
    tpu.enqueue_indirect_dma source(%arg28 : memref<1000x16xf32, #tpu.memory_space<vmem>>) target(%dma_start3A_141 : memref<10240x16xf32, #tpu.memory_space<vmem_shared>>) offsets(%arg22 : memref<1000xi32, #tpu.memory_space<vmem>>) semaphore(%arg32 : memref<!tpu.dma_semaphore, #tpu.memory_space<semaphore_mem>>) {add = true}
    %dma_wait3A_142 = arith.constant 0 : i32
    %dma_wait3A_143 = arith.constant 0 : i32
    %dma_wait3A_144 = tpu.memref_slice %arg6[%dma_wait3A_142, %dma_wait3A_143] : memref<10240x16xf32, #tpu.memory_space<vmem_shared>> -> memref<10240x16xf32, #tpu.memory_space<vmem_shared>>
    tpu.wait_indirect_dma semaphore(%arg32 : memref<!tpu.dma_semaphore, #tpu.memory_space<semaphore_mem>>) src(%arg28 : memref<1000x16xf32, #tpu.memory_space<vmem>>) dst(%dma_wait3A_144 : memref<10240x16xf32, #tpu.memory_space<vmem_shared>>)
    %dma_start3A_145 = arith.constant 0 : i32
    %dma_start3A_146 = arith.constant 0 : i32
    %dma_start3A_147 = tpu.memref_slice %arg5[%dma_start3A_145, %dma_start3A_146] : memref<10240x16xf32, #tpu.memory_space<vmem_shared>> -> memref<10240x16xf32, #tpu.memory_space<vmem_shared>>
    tpu.enqueue_indirect_dma source(%dma_start3A_147 : memref<10240x16xf32, #tpu.memory_space<vmem_shared>>) target(%arg28 : memref<1000x16xf32, #tpu.memory_space<vmem>>) offsets(%arg14 : memref<1000xi32, #tpu.memory_space<vmem>>) semaphore(%arg30 : memref<!tpu.dma_semaphore, #tpu.memory_space<semaphore_mem>>)
    %dma_wait3A_148 = arith.constant 0 : i32
    %dma_wait3A_149 = arith.constant 0 : i32
    %dma_wait3A_150 = tpu.memref_slice %arg5[%dma_wait3A_148, %dma_wait3A_149] : memref<10240x16xf32, #tpu.memory_space<vmem_shared>> -> memref<10240x16xf32, #tpu.memory_space<vmem_shared>>
    tpu.wait_indirect_dma semaphore(%arg29 : memref<!tpu.dma_semaphore, #tpu.memory_space<semaphore_mem>>) src(%dma_wait3A_150 : memref<10240x16xf32, #tpu.memory_space<vmem_shared>>) dst(%arg27 : memref<1000x16xf32, #tpu.memory_space<vmem>>)
    %dma_start3A_151 = arith.constant 0 : i32
    %dma_start3A_152 = arith.constant 0 : i32
    %dma_start3A_153 = tpu.memref_slice %arg6[%dma_start3A_151, %dma_start3A_152] : memref<10240x16xf32, #tpu.memory_space<vmem_shared>> -> memref<10240x16xf32, #tpu.memory_space<vmem_shared>>
    tpu.enqueue_indirect_dma source(%arg27 : memref<1000x16xf32, #tpu.memory_space<vmem>>) target(%dma_start3A_153 : memref<10240x16xf32, #tpu.memory_space<vmem_shared>>) offsets(%arg23 : memref<1000xi32, #tpu.memory_space<vmem>>) semaphore(%arg31 : memref<!tpu.dma_semaphore, #tpu.memory_space<semaphore_mem>>) {add = true}
    %dma_wait3A_154 = arith.constant 0 : i32
    %dma_wait3A_155 = arith.constant 0 : i32
    %dma_wait3A_156 = tpu.memref_slice %arg6[%dma_wait3A_154, %dma_wait3A_155] : memref<10240x16xf32, #tpu.memory_space<vmem_shared>> -> memref<10240x16xf32, #tpu.memory_space<vmem_shared>>
    tpu.wait_indirect_dma semaphore(%arg31 : memref<!tpu.dma_semaphore, #tpu.memory_space<semaphore_mem>>) src(%arg27 : memref<1000x16xf32, #tpu.memory_space<vmem>>) dst(%dma_wait3A_156 : memref<10240x16xf32, #tpu.memory_space<vmem_shared>>)
    %dma_start3A_157 = arith.constant 0 : i32
    %dma_start3A_158 = arith.constant 0 : i32
    %dma_start3A_159 = tpu.memref_slice %arg5[%dma_start3A_157, %dma_start3A_158] : memref<10240x16xf32, #tpu.memory_space<vmem_shared>> -> memref<10240x16xf32, #tpu.memory_space<vmem_shared>>
    tpu.enqueue_indirect_dma source(%dma_start3A_159 : memref<10240x16xf32, #tpu.memory_space<vmem_shared>>) target(%arg27 : memref<1000x16xf32, #tpu.memory_space<vmem>>) offsets(%arg15 : memref<1000xi32, #tpu.memory_space<vmem>>) semaphore(%arg29 : memref<!tpu.dma_semaphore, #tpu.memory_space<semaphore_mem>>)
    %dma_wait3A_160 = arith.constant 0 : i32
    %dma_wait3A_161 = arith.constant 0 : i32
    %dma_wait3A_162 = tpu.memref_slice %arg5[%dma_wait3A_160, %dma_wait3A_161] : memref<10240x16xf32, #tpu.memory_space<vmem_shared>> -> memref<10240x16xf32, #tpu.memory_space<vmem_shared>>
    tpu.wait_indirect_dma semaphore(%arg30 : memref<!tpu.dma_semaphore, #tpu.memory_space<semaphore_mem>>) src(%dma_wait3A_162 : memref<10240x16xf32, #tpu.memory_space<vmem_shared>>) dst(%arg28 : memref<1000x16xf32, #tpu.memory_space<vmem>>)
    %dma_start3A_163 = arith.constant 0 : i32
    %dma_start3A_164 = arith.constant 0 : i32
    %dma_start3A_165 = tpu.memref_slice %arg6[%dma_start3A_163, %dma_start3A_164] : memref<10240x16xf32, #tpu.memory_space<vmem_shared>> -> memref<10240x16xf32, #tpu.memory_space<vmem_shared>>
    tpu.enqueue_indirect_dma source(%arg28 : memref<1000x16xf32, #tpu.memory_space<vmem>>) target(%dma_start3A_165 : memref<10240x16xf32, #tpu.memory_space<vmem_shared>>) offsets(%arg24 : memref<1000xi32, #tpu.memory_space<vmem>>) semaphore(%arg32 : memref<!tpu.dma_semaphore, #tpu.memory_space<semaphore_mem>>) {add = true}
    %dma_wait3A_166 = arith.constant 0 : i32
    %dma_wait3A_167 = arith.constant 0 : i32
    %dma_wait3A_168 = tpu.memref_slice %arg6[%dma_wait3A_166, %dma_wait3A_167] : memref<10240x16xf32, #tpu.memory_space<vmem_shared>> -> memref<10240x16xf32, #tpu.memory_space<vmem_shared>>
    tpu.wait_indirect_dma semaphore(%arg32 : memref<!tpu.dma_semaphore, #tpu.memory_space<semaphore_mem>>) src(%arg28 : memref<1000x16xf32, #tpu.memory_space<vmem>>) dst(%dma_wait3A_168 : memref<10240x16xf32, #tpu.memory_space<vmem_shared>>)
    %dma_start3A_169 = arith.constant 0 : i32
    %dma_start3A_170 = arith.constant 0 : i32
    %dma_start3A_171 = tpu.memref_slice %arg5[%dma_start3A_169, %dma_start3A_170] : memref<10240x16xf32, #tpu.memory_space<vmem_shared>> -> memref<10240x16xf32, #tpu.memory_space<vmem_shared>>
    tpu.enqueue_indirect_dma source(%dma_start3A_171 : memref<10240x16xf32, #tpu.memory_space<vmem_shared>>) target(%arg28 : memref<1000x16xf32, #tpu.memory_space<vmem>>) offsets(%arg16 : memref<1000xi32, #tpu.memory_space<vmem>>) semaphore(%arg30 : memref<!tpu.dma_semaphore, #tpu.memory_space<semaphore_mem>>)
    %dma_wait3A_172 = arith.constant 0 : i32
    %dma_wait3A_173 = arith.constant 0 : i32
    %dma_wait3A_174 = tpu.memref_slice %arg5[%dma_wait3A_172, %dma_wait3A_173] : memref<10240x16xf32, #tpu.memory_space<vmem_shared>> -> memref<10240x16xf32, #tpu.memory_space<vmem_shared>>
    tpu.wait_indirect_dma semaphore(%arg29 : memref<!tpu.dma_semaphore, #tpu.memory_space<semaphore_mem>>) src(%dma_wait3A_174 : memref<10240x16xf32, #tpu.memory_space<vmem_shared>>) dst(%arg27 : memref<1000x16xf32, #tpu.memory_space<vmem>>)
    %dma_start3A_175 = arith.constant 0 : i32
    %dma_start3A_176 = arith.constant 0 : i32
    %dma_start3A_177 = tpu.memref_slice %arg6[%dma_start3A_175, %dma_start3A_176] : memref<10240x16xf32, #tpu.memory_space<vmem_shared>> -> memref<10240x16xf32, #tpu.memory_space<vmem_shared>>
    tpu.enqueue_indirect_dma source(%arg27 : memref<1000x16xf32, #tpu.memory_space<vmem>>) target(%dma_start3A_177 : memref<10240x16xf32, #tpu.memory_space<vmem_shared>>) offsets(%arg25 : memref<1000xi32, #tpu.memory_space<vmem>>) semaphore(%arg31 : memref<!tpu.dma_semaphore, #tpu.memory_space<semaphore_mem>>) {add = true}
    %dma_wait3A_178 = arith.constant 0 : i32
    %dma_wait3A_179 = arith.constant 0 : i32
    %dma_wait3A_180 = tpu.memref_slice %arg5[%dma_wait3A_178, %dma_wait3A_179] : memref<10240x16xf32, #tpu.memory_space<vmem_shared>> -> memref<10240x16xf32, #tpu.memory_space<vmem_shared>>
    tpu.wait_indirect_dma semaphore(%arg30 : memref<!tpu.dma_semaphore, #tpu.memory_space<semaphore_mem>>) src(%dma_wait3A_180 : memref<10240x16xf32, #tpu.memory_space<vmem_shared>>) dst(%arg28 : memref<1000x16xf32, #tpu.memory_space<vmem>>)
    %dma_start3A_181 = arith.constant 0 : i32
    %dma_start3A_182 = arith.constant 0 : i32
    %dma_start3A_183 = tpu.memref_slice %arg6[%dma_start3A_181, %dma_start3A_182] : memref<10240x16xf32, #tpu.memory_space<vmem_shared>> -> memref<10240x16xf32, #tpu.memory_space<vmem_shared>>
    tpu.enqueue_indirect_dma source(%arg28 : memref<1000x16xf32, #tpu.memory_space<vmem>>) target(%dma_start3A_183 : memref<10240x16xf32, #tpu.memory_space<vmem_shared>>) offsets(%arg26 : memref<1000xi32, #tpu.memory_space<vmem>>) semaphore(%arg32 : memref<!tpu.dma_semaphore, #tpu.memory_space<semaphore_mem>>) {add = true}
    %dma_wait3A_184 = arith.constant 0 : i32
    %dma_wait3A_185 = arith.constant 0 : i32
    %dma_wait3A_186 = tpu.memref_slice %arg6[%dma_wait3A_184, %dma_wait3A_185] : memref<10240x16xf32, #tpu.memory_space<vmem_shared>> -> memref<10240x16xf32, #tpu.memory_space<vmem_shared>>
    tpu.wait_indirect_dma semaphore(%arg31 : memref<!tpu.dma_semaphore, #tpu.memory_space<semaphore_mem>>) src(%arg27 : memref<1000x16xf32, #tpu.memory_space<vmem>>) dst(%dma_wait3A_186 : memref<10240x16xf32, #tpu.memory_space<vmem_shared>>)
    %dma_wait3A_187 = arith.constant 0 : i32
    %dma_wait3A_188 = arith.constant 0 : i32
    %dma_wait3A_189 = tpu.memref_slice %arg6[%dma_wait3A_187, %dma_wait3A_188] : memref<10240x16xf32, #tpu.memory_space<vmem_shared>> -> memref<10240x16xf32, #tpu.memory_space<vmem_shared>>
    tpu.wait_indirect_dma semaphore(%arg32 : memref<!tpu.dma_semaphore, #tpu.memory_space<semaphore_mem>>) src(%arg28 : memref<1000x16xf32, #tpu.memory_space<vmem>>) dst(%dma_wait3A_189 : memref<10240x16xf32, #tpu.memory_space<vmem_shared>>)
    %barrier3A_190 = arith.constant 0 : index
    tpu.barrier barrier_id(%barrier3A_190)
    %mul3A_191 = arith.constant 640 : i32
    %mul3A_192 = arith.muli %arg1, %mul3A_191 : i32
    %mul3A_193 = arith.constant 640 : i32
    %mul3A_194 = arith.muli %arg1, %mul3A_193 : i32
    "tpu.region"() ({
      %run_scoped3A_195 = tpu.sem_alloc : memref<!tpu.dma_semaphore, #tpu.memory_space<semaphore_mem>>
      %dma_start3A_196 = arith.constant 0 : i32
      %dma_start3A_197 = tpu.memref_slice %arg4[%arg0, %mul3A_194, %dma_start3A_196] : memref<2x10240x16xf32, #tpu.memory_space<hbm>> -> memref<1x640x16xf32, #tpu.memory_space<hbm>>
      %dma_start3A_198 = tpu.memref_squeeze %dma_start3A_197 : memref<1x640x16xf32, #tpu.memory_space<hbm>> -> memref<640x16xf32, #tpu.memory_space<hbm>>
      %dma_start3A_199 = arith.constant 0 : i32
      %dma_start3A_200 = tpu.memref_slice %arg6[%mul3A_192, %dma_start3A_199] : memref<10240x16xf32, #tpu.memory_space<vmem_shared>> -> memref<640x16xf32, #tpu.memory_space<vmem_shared>>
      tpu.enqueue_dma source(%dma_start3A_200 : memref<640x16xf32, #tpu.memory_space<vmem_shared>>) target(%dma_start3A_198 : memref<640x16xf32, #tpu.memory_space<hbm>>) target_semaphore(%run_scoped3A_195 : memref<!tpu.dma_semaphore, #tpu.memory_space<semaphore_mem>>)
      %dma_wait3A_201 = arith.constant 0 : i32
      %dma_wait3A_202 = tpu.memref_slice %arg4[%arg0, %mul3A_194, %dma_wait3A_201] : memref<2x10240x16xf32, #tpu.memory_space<hbm>> -> memref<1x640x16xf32, #tpu.memory_space<hbm>>
      %dma_wait3A_203 = tpu.memref_squeeze %dma_wait3A_202 : memref<1x640x16xf32, #tpu.memory_space<hbm>> -> memref<640x16xf32, #tpu.memory_space<hbm>>
      %dma_wait3A_204 = arith.constant 0 : i32
      %dma_wait3A_205 = tpu.memref_slice %arg6[%mul3A_192, %dma_wait3A_204] : memref<10240x16xf32, #tpu.memory_space<vmem_shared>> -> memref<640x16xf32, #tpu.memory_space<vmem_shared>>
      tpu.wait_dma2 semaphore(%run_scoped3A_195 : memref<!tpu.dma_semaphore, #tpu.memory_space<semaphore_mem>>) src(%dma_wait3A_205 : memref<640x16xf32, #tpu.memory_space<vmem_shared>>) dst(%dma_wait3A_203 : memref<640x16xf32, #tpu.memory_space<hbm>>)
      tpu.yield
    }) : () -> ()
    return
  }
}

module attributes {stable_mosaic.version = 14 : i64} {
  func.func @_tc_prep1_body(%arg0: memref<10000x128xf32, #tpu.memory_space<vmem>>, %arg1: memref<128x16xf32, #tpu.memory_space<vmem>>, %arg2: memref<2x10240xf32, #tpu.memory_space<vmem>>, %arg3: memref<10240x16xf32, #tpu.memory_space<vmem>>, %arg4: memref<10240x1xf32, #tpu.memory_space<vmem>>, %arg5: memref<10240x1xf32, #tpu.memory_space<vmem>>) attributes {dimension_semantics = [], scalar_prefetch = 0 : i64, scratch_operands = 0 : i64, tpu.core_type = #tpu.core_type<tc>} {
    %get3A = arith.constant 0 : index
    %get3A_0 = arith.constant 0 : index
    %get3A_1 = vector.load %arg2[%get3A, %get3A_0] : memref<2x10240xf32, #tpu.memory_space<vmem>>, vector<1x10240xf32>
    %get3A_2 = vector.shape_cast %get3A_1 : vector<1x10240xf32> to vector<10240xf32>
    %max3A = arith.constant 1.000000e+00 : f32
    %max3A_3 = vector.broadcast %max3A : f32 to vector<10240xf32>
    %max3A_4 = arith.maximumf %get3A_2, %max3A_3 : vector<10240xf32>
    %rsqrt3A = math.rsqrt %max3A_4 : vector<10240xf32>
    %reshape3A = vector.shape_cast %rsqrt3A : vector<10240xf32> to vector<10240x1xf32>
    %get3A_5 = arith.constant 1 : index
    %get3A_6 = arith.constant 0 : index
    %get3A_7 = vector.load %arg2[%get3A_5, %get3A_6] : memref<2x10240xf32, #tpu.memory_space<vmem>>, vector<1x10240xf32>
    %get3A_8 = vector.shape_cast %get3A_7 : vector<1x10240xf32> to vector<10240xf32>
    %max3A_9 = arith.constant 1.000000e+00 : f32
    %max3A_10 = vector.broadcast %max3A_9 : f32 to vector<10240xf32>
    %max3A_11 = arith.maximumf %get3A_8, %max3A_10 : vector<10240xf32>
    %rsqrt3A_12 = math.rsqrt %max3A_11 : vector<10240xf32>
    %reshape3A_13 = vector.shape_cast %rsqrt3A_12 : vector<10240xf32> to vector<10240x1xf32>
    %get3A_14 = arith.constant 0 : index
    %get3A_15 = arith.constant 0 : index
    %get3A_16 = vector.load %arg0[%get3A_14, %get3A_15] : memref<10000x128xf32, #tpu.memory_space<vmem>>, vector<10000x128xf32>
    %get3A_17 = arith.constant 0 : index
    %get3A_18 = arith.constant 0 : index
    %get3A_19 = vector.load %arg1[%get3A_17, %get3A_18] : memref<128x16xf32, #tpu.memory_space<vmem>>, vector<128x16xf32>
    %dot_general3A = arith.constant dense<0.000000e+00> : vector<10000x16xf32>
    %dot_general3A_20 = tpu.matmul %get3A_16, %get3A_19, %dot_general3A {dimension_numbers = #tpu.dot_dimension_numbers<[1], [0], [0], [1], [0, 0, 1, 1], [], []>, transpose_lhs_hint = false} : vector<10000x128xf32>, vector<128x16xf32>, vector<10000x16xf32> -> vector<10000x16xf32>
    %slice3A = vector.extract_strided_slice %reshape3A {offsets = [0, 0], sizes = [10000, 1], strides = [1, 1]} : vector<10240x1xf32> to vector<10000x1xf32>
    %mul3A = vector.broadcast %slice3A : vector<10000x1xf32> to vector<10000x16xf32>
    %mul3A_21 = arith.mulf %dot_general3A_20, %mul3A : vector<10000x16xf32>
    %broadcast_in_dim3A = arith.constant 0.000000e+00 : f32
    %broadcast_in_dim3A_22 = vector.broadcast %broadcast_in_dim3A : f32 to vector<240x16xf32>
    %concatenate3A = tpu.concatenate %mul3A_21, %broadcast_in_dim3A_22 in 0 : vector<10000x16xf32>, vector<240x16xf32> -> vector<10240x16xf32>
    %swap3A = arith.constant 0 : index
    %swap3A_23 = arith.constant 0 : index
    %swap3A_24 = vector.load %arg3[%swap3A, %swap3A_23] : memref<10240x16xf32, #tpu.memory_space<vmem>>, vector<10240x16xf32>
    tpu.vector_store %arg3[%swap3A, %swap3A_23], %concatenate3A {strides = array<i32>} : memref<10240x16xf32, #tpu.memory_space<vmem>>, vector<10240x16xf32>,
    %swap3A_25 = arith.constant 0 : index
    %swap3A_26 = arith.constant 0 : index
    %swap3A_27 = vector.load %arg4[%swap3A_25, %swap3A_26] : memref<10240x1xf32, #tpu.memory_space<vmem>>, vector<10240x1xf32>
    tpu.vector_store %arg4[%swap3A_25, %swap3A_26], %reshape3A {strides = array<i32>} : memref<10240x1xf32, #tpu.memory_space<vmem>>, vector<10240x1xf32>,
    %swap3A_28 = arith.constant 0 : index
    %swap3A_29 = arith.constant 0 : index
    %swap3A_30 = vector.load %arg5[%swap3A_28, %swap3A_29] : memref<10240x1xf32, #tpu.memory_space<vmem>>, vector<10240x1xf32>
    tpu.vector_store %arg5[%swap3A_28, %swap3A_29], %reshape3A_13 {strides = array<i32>} : memref<10240x1xf32, #tpu.memory_space<vmem>>, vector<10240x1xf32>,
    return
  }
}

module attributes {stable_mosaic.version = 14 : i64} {
  func.func @_tc_mid_body(%arg0: memref<2x10240x16xf32, #tpu.memory_space<vmem>>, %arg1: memref<10240x1xf32, #tpu.memory_space<vmem>>, %arg2: memref<1x16xf32, #tpu.memory_space<vmem>>, %arg3: memref<16x16xf32, #tpu.memory_space<vmem>>, %arg4: memref<10240x1xf32, #tpu.memory_space<vmem>>, %arg5: memref<10240x16xf32, #tpu.memory_space<vmem>>) attributes {dimension_semantics = [], scalar_prefetch = 0 : i64, scratch_operands = 0 : i64, tpu.core_type = #tpu.core_type<tc>} {
    %get3A = arith.constant 0 : index
    %get3A_0 = arith.constant 0 : index
    %get3A_1 = arith.constant 0 : index
    %get3A_2 = vector.load %arg0[%get3A, %get3A_0, %get3A_1] : memref<2x10240x16xf32, #tpu.memory_space<vmem>>, vector<1x10240x16xf32>
    %get3A_3 = vector.shape_cast %get3A_2 : vector<1x10240x16xf32> to vector<10240x16xf32>
    %get3A_4 = arith.constant 1 : index
    %get3A_5 = arith.constant 0 : index
    %get3A_6 = arith.constant 0 : index
    %get3A_7 = vector.load %arg0[%get3A_4, %get3A_5, %get3A_6] : memref<2x10240x16xf32, #tpu.memory_space<vmem>>, vector<1x10240x16xf32>
    %get3A_8 = vector.shape_cast %get3A_7 : vector<1x10240x16xf32> to vector<10240x16xf32>
    %add3A = arith.addf %get3A_3, %get3A_8 : vector<10240x16xf32>
    %get3A_9 = arith.constant 0 : index
    %get3A_10 = arith.constant 0 : index
    %get3A_11 = vector.load %arg1[%get3A_9, %get3A_10] : memref<10240x1xf32, #tpu.memory_space<vmem>>, vector<10240x1xf32>
    %mul3A = vector.broadcast %get3A_11 : vector<10240x1xf32> to vector<10240x16xf32>
    %mul3A_12 = arith.mulf %add3A, %mul3A : vector<10240x16xf32>
    %get3A_13 = arith.constant 0 : index
    %get3A_14 = arith.constant 0 : index
    %get3A_15 = vector.load %arg2[%get3A_13, %get3A_14] : memref<1x16xf32, #tpu.memory_space<vmem>>, vector<1x16xf32>
    %add3A_16 = vector.broadcast %get3A_15 : vector<1x16xf32> to vector<10240x16xf32>
    %add3A_17 = arith.addf %mul3A_12, %add3A_16 : vector<10240x16xf32>
    %max3A = arith.constant 0.000000e+00 : f32
    %max3A_18 = vector.broadcast %max3A : f32 to vector<10240x16xf32>
    %max3A_19 = arith.maximumf %add3A_17, %max3A_18 : vector<10240x16xf32>
    %get3A_20 = arith.constant 0 : index
    %get3A_21 = arith.constant 0 : index
    %get3A_22 = vector.load %arg3[%get3A_20, %get3A_21] : memref<16x16xf32, #tpu.memory_space<vmem>>, vector<16x16xf32>
    %dot_general3A = arith.constant dense<0.000000e+00> : vector<10240x16xf32>
    %dot_general3A_23 = tpu.matmul %max3A_19, %get3A_22, %dot_general3A {dimension_numbers = #tpu.dot_dimension_numbers<[1], [0], [0], [1], [0, 0, 1, 1], [], []>, transpose_lhs_hint = false} : vector<10240x16xf32>, vector<16x16xf32>, vector<10240x16xf32> -> vector<10240x16xf32>
    %get3A_24 = arith.constant 0 : index
    %get3A_25 = arith.constant 0 : index
    %get3A_26 = vector.load %arg4[%get3A_24, %get3A_25] : memref<10240x1xf32, #tpu.memory_space<vmem>>, vector<10240x1xf32>
    %mul3A_27 = vector.broadcast %get3A_26 : vector<10240x1xf32> to vector<10240x16xf32>
    %mul3A_28 = arith.mulf %dot_general3A_23, %mul3A_27 : vector<10240x16xf32>
    %swap3A = arith.constant 0 : index
    %swap3A_29 = arith.constant 0 : index
    %swap3A_30 = vector.load %arg5[%swap3A, %swap3A_29] : memref<10240x16xf32, #tpu.memory_space<vmem>>, vector<10240x16xf32>
    tpu.vector_store %arg5[%swap3A, %swap3A_29], %mul3A_28 {strides = array<i32>} : memref<10240x16xf32, #tpu.memory_space<vmem>>, vector<10240x16xf32>,
    return
  }
}

module attributes {stable_mosaic.version = 14 : i64} {
  func.func @_tc_final_body(%arg0: memref<2x10240x16xf32, #tpu.memory_space<vmem>>, %arg1: memref<10240x1xf32, #tpu.memory_space<vmem>>, %arg2: memref<1x16xf32, #tpu.memory_space<vmem>>, %arg3: memref<10000x16xf32, #tpu.memory_space<vmem>>) attributes {dimension_semantics = [], scalar_prefetch = 0 : i64, scratch_operands = 0 : i64, tpu.core_type = #tpu.core_type<tc>} {
    %get3A = arith.constant 0 : index
    %get3A_0 = arith.constant 0 : index
    %get3A_1 = arith.constant 0 : index
    %get3A_2 = vector.load %arg0[%get3A, %get3A_0, %get3A_1] : memref<2x10240x16xf32, #tpu.memory_space<vmem>>, vector<1x10000x16xf32>
    %get3A_3 = vector.shape_cast %get3A_2 : vector<1x10000x16xf32> to vector<10000x16xf32>
    %get3A_4 = arith.constant 1 : index
    %get3A_5 = arith.constant 0 : index
    %get3A_6 = arith.constant 0 : index
    %get3A_7 = vector.load %arg0[%get3A_4, %get3A_5, %get3A_6] : memref<2x10240x16xf32, #tpu.memory_space<vmem>>, vector<1x10000x16xf32>
    %get3A_8 = vector.shape_cast %get3A_7 : vector<1x10000x16xf32> to vector<10000x16xf32>
    %add3A = arith.addf %get3A_3, %get3A_8 : vector<10000x16xf32>
    %get3A_9 = arith.constant 0 : index
    %get3A_10 = arith.constant 0 : index
    %get3A_11 = vector.load %arg1[%get3A_9, %get3A_10] : memref<10240x1xf32, #tpu.memory_space<vmem>>, vector<10000x1xf32>
    %mul3A = vector.broadcast %get3A_11 : vector<10000x1xf32> to vector<10000x16xf32>
    %mul3A_12 = arith.mulf %add3A, %mul3A : vector<10000x16xf32>
    %get3A_13 = arith.constant 0 : index
    %get3A_14 = arith.constant 0 : index
    %get3A_15 = vector.load %arg2[%get3A_13, %get3A_14] : memref<1x16xf32, #tpu.memory_space<vmem>>, vector<1x16xf32>
    %add3A_16 = vector.broadcast %get3A_15 : vector<1x16xf32> to vector<10000x16xf32>
    %add3A_17 = arith.addf %mul3A_12, %add3A_16 : vector<10000x16xf32>
    %swap3A = arith.constant 0 : index
    %swap3A_18 = arith.constant 0 : index
    %swap3A_19 = vector.load %arg3[%swap3A, %swap3A_18] : memref<10000x16xf32, #tpu.memory_space<vmem>>, vector<10000x16xf32>
    tpu.vector_store %arg3[%swap3A, %swap3A_18], %add3A_17 {strides = array<i32>} : memref<10000x16xf32, #tpu.memory_space<vmem>>, vector<10000x16xf32>,
    return
  }
}

</mosaic_0001>

<sc_bundles>
// kernel: kernel.11.cloned.1.call-start
scs
__scs_entry_jumppad:
0x0: {  	(pc) =	sbr.rel $0x88, $3  }
0x1: {  	(tag) =	ssettag $0x0;
	lr =	simm.s32 $0x1  }
0x2: {  	[smem:$0x3F9B] =	sst lr;
	_ =	strace $0xD0000000  }
0x3: {  	_ = 	snop  }
0x4: {  	_ = 	snop  }
0x5: {  	_ = 	snop  }
0x6: {  	_ = 	snop  }
0x7: {  	_ = 	snop  }
__scs_overlays_trampoline_lowered:
0x8: {  	[smem:$0x3FAA] =	sst s0  }
0x9: {  	[smem:$0x3FAB] =	sst s1  }
0xa: {  	[smem:$0x3FAC] =	sst s2  }
0xb: {  	[smem:$0x3FAD] =	sst s3  }
0xc: {  	[smem:$0x3FAE] =	sst s4  }
0xd: {  	[smem:$0x3FAF] =	sst s5  }
0xe: {  	[smem:$0x3FB0] =	sst s6  }
0xf: {  	[smem:$0x3FB1] =	sst s7  }
0x10: {  	[smem:$0x3FB2] =	sst s8  }
0x11: {  	[smem:$0x3FB3] =	sst s9;
	s0 =	simm.s32 @!p0 $0x0  }
0x12: {  	s1 =	sld [smem:$0x3F99];
	s0 =	simm.s32 @p0 $0x1  }
0x13: {  	[smem:$0x3FB4] =	sst s0;
	s0 =	simm.s32 @!p1 $0x0  }
0x14: {  	s2 =	sld [smem:$0x3F98];
	s0 =	simm.s32 @p1 $0x1  }
0x15: {  	[smem:$0x3FB5] =	sst s0;
	s0 =	simm.s32 @!p2 $0x0  }
0x16: {  	s3 =	sld [smem:$0x3FDB];
	s0 =	simm.s32 @p2 $0x1  }
0x17: {  	s4 =	simm.s32 $0x1BF5;
	[smem:$0x3FB7] =	sst s0  }
0x18: {  	s0 =	sld [smem:$0x3F9A];
	_ =	swait.ge [sflag:s4], $0x0  }
0x19: {  	s7 =	sld [smem:$0x3F9B]  }
0x1a: {  	s8 =	sadd.s32 $0xFFFFE003, lr  }
0x1b: {  	s9 =	sadd.s32 $0xFFFFFEF7, lr;
	s5 =	simm.s32 $0xFFFFFFFF;
	p2 =	slt.u32 s8, $0xFFFFF086  }
0x1c: {  	p1 =	slt.u32 s9, $0xF7A;
	s5 =	simm.s32 @!p2 $0x0  }
0x1d: {  	s5 =	simm.s32 @p1 $0x1;
	p0 =	seq.s32 s7, s2  }
0x1e: {  	s7 =	smul.u32 @!p0 $0xF7A, s2;
	p2 =	seq.s32 @!p0 s5, $0x0  }
0x1f: {  	s9 =	smul.u32 $0xF7A, s1;
	s8 =	simm.s32 @!p0 $0x1BF5;
	p2 =	por !p2, p0  }
0x20: {  	[sflag:s8] =	ssyncset.s32 @!p0 $0xFFFFF086;
	s6 =	sadd.s32 @!p0 s3, s7;
	s7 =	simm.s32 @!p0 $0x108  }
0x21: {  	s3 =	sadd.s32 s3, s9;
	s6 =	sadd.s32 @!p0 $0x88, s6;
	s7 =	simm.s32 @p2 $0x1082  }
0x22: {  	[simem:s7], [sflag:s8] =	dma.local @!p0 [hbm:s6], $0xF7A  }
0x23: {  	s9 =	sor.u32 $0xD0000000, s2;
	s6 =	simm.s32 $0x108;
	_ =	swait.ge @!p0 [sflag:s8], $0x0  }
0x24: {  	s3 =	sadd.s32 $0x88, s3;
	s6 =	simm.s32 @!p1 $0x1082;
	[sflag:s4] =	ssyncset.s32 $0xFFFFF086  }
0x25: {  	[simem:s6], [sflag:s4] =	dma.local [hbm:s3], $0xF7A  }
0x26: {  	[smem:$0x3F9B] =	sst s1;
	(tag) =	ssettag s2;
	_ =	strace s9  }
0x27: {  	s1 =	sld [smem:$0x3FAB]  }
0x28: {  	s2 =	sld [smem:$0x3FAC]  }
0x29: {  	s4 =	sld [smem:$0x3FAE]  }
0x2a: {  	p0 =	seq.s32 s5, $0x0;
	s5 =	sld [smem:$0x3FAF]  }
0x2b: {  	s6 =	sld [smem:$0x3FB0]  }
0x2c: {  	s7 =	sld [smem:$0x3FB1]  }
0x2d: {  	s3 =	simm.s32 $0x108;
	s8 =	sld [smem:$0x3FB2]  }
0x2e: {  	s3 =	simm.s32 @!p0 $0x1082;
	s9 =	sld [smem:$0x3FB3]  }
0x2f: {  	lr =	sadd.s32 s0, s3;
	s0 =	sld [smem:$0x3FAA]  }
0x30: {  	s3 =	sld [smem:$0x3FAD]  }
0x31: {  	[smem:$0x3FB6] =	sst s10  }
0x32: {  	s10 =	sld [smem:$0x3FB4];
	_ =	sdelay $0x3  }
0x33: {  	p0 =	seq.s32 s10, $0x1;
	s10 =	sld [smem:$0x3FB6];
	_ =	sdelay $0x3  }
0x34: {  	[smem:$0x3FB6] =	sst s10  }
0x35: {  	s10 =	sld [smem:$0x3FB5];
	_ =	sdelay $0x3  }
0x36: {  	p1 =	seq.s32 s10, $0x1;
	s10 =	sld [smem:$0x3FB6];
	_ =	sdelay $0x3  }
0x37: {  	[smem:$0x3FB6] =	sst s10  }
0x38: {  	s10 =	sld [smem:$0x3FB7]  }
0x39: {  	_ = 	snop;
	(pc) =	sbr.ind lr, $3  }
0x3a: {  	_ = 	snop  }
0x3b: {  	_ = 	snop  }
0x3c: {  	p2 =	seq.s32 s10, $0x1;
	s10 =	sld [smem:$0x3FB6]  }
0x3d: {  	_ =	shalt  }
0x3e: {  	_ =	shalt  }
0x3f: {  	_ =	shalt  }
0x40: {  	_ =	shalt  }
0x41: {  	_ =	shalt  }
0x42: {  	_ =	shalt  }
0x43: {  	_ =	shalt  }
0x44: {  	_ =	shalt  }
0x45: {  	_ =	shalt  }
0x46: {  	_ =	shalt  }
0x47: {  	_ =	shalt  }
0x48: {  	_ =	shalt  }
0x49: {  	_ =	shalt  }
0x4a: {  	_ =	shalt  }
0x4b: {  	_ =	shalt  }
0x4c: {  	_ =	shalt  }
0x4d: {  	_ =	shalt  }
0x4e: {  	_ =	shalt  }
0x4f: {  	_ =	shalt  }
0x50: {  	_ =	shalt  }
0x51: {  	_ =	shalt  }
0x52: {  	_ =	shalt  }
0x53: {  	_ =	shalt  }
0x54: {  	_ =	shalt  }
0x55: {  	_ =	shalt  }
0x56: {  	_ =	shalt  }
0x57: {  	_ =	shalt  }
0x58: {  	_ =	shalt  }
0x59: {  	_ =	shalt  }
0x5a: {  	_ =	shalt  }
0x5b: {  	_ =	shalt  }
0x5c: {  	_ =	shalt  }
0x5d: {  	_ =	shalt  }
0x5e: {  	_ =	shalt  }
0x5f: {  	_ =	shalt  }
0x60: {  	_ =	shalt  }
0x61: {  	_ =	shalt  }
0x62: {  	_ =	shalt  }
0x63: {  	_ =	shalt  }
0x64: {  	_ =	shalt  }
0x65: {  	_ =	shalt  }
0x66: {  	_ =	shalt  }
0x67: {  	_ =	shalt  }
0x68: {  	_ =	shalt  }
0x69: {  	_ =	shalt  }
0x6a: {  	_ =	shalt  }
0x6b: {  	_ =	shalt  }
0x6c: {  	_ =	shalt  }
0x6d: {  	_ =	shalt  }
0x6e: {  	_ =	shalt  }
0x6f: {  	_ =	shalt  }
0x70: {  	_ =	shalt  }
0x71: {  	_ =	shalt  }
0x72: {  	_ =	shalt  }
0x73: {  	_ =	shalt  }
0x74: {  	_ =	shalt  }
0x75: {  	_ =	shalt  }
0x76: {  	_ =	shalt  }
0x77: {  	_ =	shalt  }
0x78: {  	_ =	shalt  }
0x79: {  	_ =	shalt  }
0x7a: {  	_ =	shalt  }
0x7b: {  	_ =	shalt  }
0x7c: {  	_ =	shalt  }
0x7d: {  	_ =	shalt  }
0x7e: {  	_ =	shalt  }
0x7f: {  	_ =	shalt  }
0x80: {  	_ =	shalt  }
0x81: {  	_ =	shalt  }
0x82: {  	_ =	shalt  }
0x83: {  	_ =	shalt  }
0x84: {  	_ =	shalt  }
0x85: {  	_ =	shalt  }
0x86: {  	_ =	shalt  }
0x87: {  	_ =	shalt  }
.Lfunc_end0:
.L_simem_size_0:
called_computation.1_lowered:
.L_overlay_start_0:
0x88: {  	s2 =	sld [smem:$0x3FD9]  }
0x89: {  	s3 =	sld [smem:$0x3FFE];
	_ =	sdelay $0x1  }
0x8a: {  	s1 =	srdreg.scid  }
0x8b: {  	s0 =	sand.u32 $0x1, s1  }
0x8c: {  	s16 =	sshll.u32 s0, $0xA;
	s2 =	sadd.s32 s3, s2  }
0x8d: {  	s2 =	sadd.s32 s2, s16  }
0x8e: {  	[smem:$0x3FC2] =	sst s2  }
0x8f: {  	_ = 	snop  }
0x90: {  	(tm) =	ssettm $0x1  }
0x91: {  	s17 =	sld [smem:$0x3FFB];
	_ =	sdelay $0x3  }
0x92: {  	_ =	strace s17  }
0x93: {  	s2 =	sld [smem:$0x3FFC];
	_ =	sdelay $0x3  }
0x94: {  	_ =	strace s2  }
0x95: {  	s2 =	sld [smem:$0x3FFD];
	_ =	sdelay $0x3  }
0x96: {  	_ =	strace s2  }
0x97: {  	_ =	strace $0x8FFFFFFF  }
0x98: {  	s18 =	sld [smem:$0x3FDB];
	_ =	sdelay $0x1  }
0x99: {  	s19 =	simm.s32 $_scs_section_size  }
0x9a: {  	s4 =	simm.s32 $_size__tile_overlayer_lowered;
	s5 =	simm.s32 $_tile_overlayer_lowered  }
0x9b: {  	s22 =	simm.s32 $0x1BFF;
	s21 =	sshll.u32 s5, $0x1;
	s2 =	sadd.s32 s19, s18  }
0x9c: {  	s6 =	simm.s32 $0x0;
	s20 =	sshll.u32 s4, $0x1;
	s4 =	sadd.s32 s21, s2  }
0x9d: {  	[timem:s6], [sflag:s22] =	dma.local [hbm:s4], s20  }
0x9e: {  	_ =	swait.ge [sflag:s22], s20  }
0x9f: {  	s3 =	ssub.s32 $0x0, s20;
	[sflag:s22] =	ssyncset.done $0x0  }
0xa0: {  	[sflag:s22] =	ssyncadd.s32 s3;
	_ =	sdelay $0x1  }
0xa1: {  	s23 =	simm.s32 $0x1B8B  }
0xa2: {  	_ =	swait.ge [sflag:s23], $0x1  }
0xa3: {  	[sflag:s23] =	ssyncset.done $0x0  }
0xa4: {  	s25 =	simm.s32 $0x1B8E;
	s24 =	sld [smem:$0x3FFE];
	[sflag:s23] =	ssyncadd.s32 $0xFFFFFFFF  }
0xa5: {  	s26 =	simm.s32 $execute0_lowered;
	[smem:$0x3FD2] =	sst s25  }
0xa6: {  	s4 =	sshll.u32 s26, $0x1;
	_ =	strace $0x80000049;
	[dreg:$0x1] =	wrdreg $0xFFFFFFFF  }
0xa7: {  	s28 =	simm.s32 $_size_execute0_lowered;
	s2 =	sadd.s32 s2, s4;
	[dreg:$0x0] =	wrdreg $0x0  }
0xa8: {  	s4 =	sshll.u32 s28, $0x1;
	[dreg:$0x2] =	wrdreg s2  }
0xa9: {  	[dreg:$0x3] =	wrdreg s4  }
0xaa: {  	[dreg:$0x4] =	wrdreg $0xC0  }
0xab: {  	_ =	task [dreg:s6], $0x5FFFF  }
0xac: {  	[dreg:$0x1] =	wrdreg $0xFFFFFFFF  }
0xad: {  	[dreg:$0x0] =	wrdreg $0x60  }
0xae: {  	[dreg:$0x2] =	wrdreg s24  }
0xaf: {  	[dreg:$0x3] =	wrdreg $0x0  }
0xb0: {  	[dreg:$0x4] =	wrdreg $0x28000  }
0xb1: {  	[dreg:$0x5] =	wrdreg $0x9  }
0xb2: {  	_ =	task.clear_ibuf [dreg:s6], $0x6FFFF;
	_ =	strace $0x90000049  }
0xb3: {  	s29 =	simm.s32 $0x9;
	_ =	strace $0x8000004B  }
0xb4: {  	_ =	swait.ge [sflag:s29], $0x1  }
0xb5: {  	[sflag:s29] =	ssyncadd.s32 $0xFFFFFFFF  }
0xb6: {  	_ =	strace $0x9000004B  }
0xb7: {  	_ =	sfence  }
0xb8: {  	s30 =	sld [smem:$0x0];
	_ =	sdelay $0x2  }
0xb9: {  	s31 =	sshll.u32 s1, $0xD;
	s1 =	sshrl.u32 s1, $0x2  }
0xba: {  	s3 =	sand.u32 $0x4000, s31;
	s1 =	sadd.s32 s1, s30  }
0xbb: {  	s0 =	sor.u32 s3, s0;
	s1 =	sshll.u32 s1, $0x11  }
0xbc: {  	s0 =	sor.u32 s1, s0  }
0xbd: {  	s0 =	sadd.s32 $0x8F2B, s0  }
0xbe: {  	[sflag:s0] =	ssyncadd.remote.s32 $0x1  }
0xbf: {  	_ =	sfence.sel $0xFFFF  }
0xc0: {  	[dreg:$0x0] =	wrdreg $0xFFFFFFFF;
	(pc) =	sbr.abs _section_cstart, $3  }
0xc1: {  	[dreg:$0x1] =	wrdreg $0xFFFFFFFF  }
0xc2: {  	_ =	task.clear_ibuf [dreg:s6], $0x2FFFF;
	_ =	strace $0x9FFFFFFF  }
0xc3: {  	(tm) =	ssettm $0x7FFFFFFF  }
tec
execute0_lowered:
.L_overlay_start_1:
0x0: {  	(tag) =	ssettag $0x1  }
0x1: {  	s0 =	rddreg [dreg:$0x0]  }
0x2: {  	s14 =	rddreg [dreg:$0x1]  }
0x3: {  	s3 =	rddreg [dreg:$0x2]  }
0x4: {  	s12 =	stileid.u32;
	s5 =	srdreg.scid;
	s4 =	simm.s32 $0x0  }
0x5: {  	s29 =	simm.s32 $0x3E8;
	s30 =	simm.s32 $0xDCA0;
	s31 =	simm.s32 $0x3  }
0x6: {  	s28 =	simm.s32 $0x6B58;
	s1 =	smul.u32 $0x2800, s12;
	s5 =	sand.u32 $0x1, s5  }
0x7: {  	[smem:$0x7FF] =	sst s4;
	s9 =	sadd.s32 $0x1E00, s0;
	s17 =	sshll.u32 s12, $0x6  }
0x8: {  	s7 =	smul.u32 $0x28000, s5;
	_ =	strace $0x8000004A;
	s8 =	ssub.s32 $0x2, s5  }
0x9: {  	s5 =	sshll.u32 s5, $0x4;
	s6 =	sshrl.u32 s1, $0x3;
	s10 =	sshrl.u32 s8, $0x1  }
0xa: {  	s5 =	sor.u32 s12, s5;
	s11 =	sadd.s32 s1, s14;
	s6 =	sadd.s32 s6, s0  }
0xb: {  	s7 =	sadd.s32 s1, s7;
	s5 =	smul.u32 $0x2710, s5;
	s1 =	sadd.s32 s1, s3  }
0xc: {  	s7 =	sshrl.u32 s7, $0x3;
	s6 =	sadd.s32 $0x15800, s6;
	[dreg:$0x1d] =	wrdreg s1  }
0xd: {  	s10 =	ssub.s32 s8, s10;
	s0 =	sadd.s32 s7, s0;
	[dreg:$0x4] =	wrdreg s6  }
0xe: {  	s6 =	sor.u32 $0x1C05, s17;
	s18 =	sshrl.u32 s5, $0x3;
	s19 =	sadd.s32 $0x3E8, s5  }
0xf: {  	s20 =	sadd.s32 $0x4E5E8, s5;
	s22 =	sadd.s32 $0xBB8, s5;
	s24 =	sadd.s32 $0x4EDB8, s5  }
0x10: {  	s2 =	sadd.s32 $0x1388, s5;
	s7 =	sadd.s32 $0x1B58, s5;
	s15 =	sadd.s32 $0x4FD58, s5  }
0x11: {  	s16 =	sadd.s32 $0x2328, s5;
	[dreg:$0x1c] =	wrdreg s6;
	s8 =	sadd.s32 s9, s18  }
0x12: {  	s1 =	sshrl.u32 s19, $0x3;
	s12 =	sshrl.u32 s20, $0x3;
	s0 =	sadd.s32 $0x1A800, s0  }
0x13: {  	s26 =	sshrl.u32 s24, $0x3;
	s20 =	smax.u32 s10, $0x1;
	[dreg:$0x13] =	wrdreg s0  }
0x14: {  	s6 =	sadd.s32 $0x4F588, s5;
	s5 =	sadd.s32 $0x50528, s5;
	[dreg:$0x14] =	wrdreg s20  }
0x15: {  	s10 =	simm.s32 $0x4;
	s13 =	sadd.s32 $0x9C40, s8;
	[dreg:$0x1b] =	wrdreg s8  }
0x16: {  	s1 =	sadd.s32 s9, s1;
	s21 =	sadd.s32 s9, s12;
	[dreg:$0x5] =	wrdreg s13  }
0x17: {  	s23 =	sadd.s32 $0xFA, s8;
	s25 =	sadd.s32 $0x9D3A, s8;
	[dreg:$0x6] =	wrdreg s1  }
0x18: {  	s12 =	sshrl.u32 s6, $0x3;
	s18 =	sshrl.u32 s5, $0x3;
	[dreg:$0x7] =	wrdreg s21  }
0x19: {  	s19 =	sadd.s32 $0x1F4, s8;
	s24 =	sadd.s32 $0x9F2E, s8;
	[dreg:$0x8] =	wrdreg s23  }
0x1a: {  	s0 =	simm.s32 $0x9E20;
	s5 =	simm.s32 $0x1;
	[dreg:$0x9] =	wrdreg s25  }
0x1b: {  	s20 =	simm.s32 $0x82C8;
	s1 =	sshrl.u32 s22, $0x3;
	[dreg:$0x12] =	wrdreg s19  }
0x1c: {  	s12 =	sadd.s32 s9, s12;
	s13 =	sshrl.u32 s7, $0x3;
	[dreg:$0x18] =	wrdreg s24  }
0x1d: {  	s21 =	sshrl.u32 s11, $0x3;
	s22 =	sadd.s32 $0x9E34, s8;
	[dreg:$0xd] =	wrdreg s12  }
0x1e: {  	s23 =	sadd.s32 $0x2EE, s8;
	s25 =	sadd.s32 $0x3E8, s8;
	[dreg:$0x15] =	wrdreg s21  }
0x1f: {  	s11 =	simm.s32 $0x0;
	s19 =	simm.s32 $0x5BB8;
	[dreg:$0x16] =	wrdreg s22  }
0x20: {  	s24 =	simm.s32 $0x8A98;
	s1 =	sadd.s32 s9, s1;
	[dreg:$0x17] =	wrdreg s23  }
0x21: {  	s12 =	sshrl.u32 s16, $0x3;
	[dreg:$0x19] =	wrdreg s25;
	s16 =	simm.s32 $0x5000  }
0x22: {  	s21 =	simm.s32 $0x5FA0;
	[dreg:$0xa] =	wrdreg s1;
	s1 =	sadd.s32 s9, s26  }
0x23: {  	s22 =	simm.s32 $0x86B0;
	s17 =	sadd.s32 s9, s12;
	[dreg:$0xb] =	wrdreg s1  }
0x24: {  	s26 =	sadd.s32 $0xA028, s8;
	s1 =	sshrl.u32 s2, $0x3;
	[dreg:$0x10] =	wrdreg s17  }
0x25: {  	s23 =	simm.s32 $0x6388;
	[dreg:$0x1a] =	wrdreg s26;
	s1 =	sadd.s32 s9, s1  }
0x26: {  	s25 =	simm.s32 $0x6770;
	[dreg:$0xc] =	wrdreg s1;
	s1 =	sadd.s32 s9, s13  }
0x27: {  	s17 =	simm.s32 $0x57D0;
	[dreg:$0xe] =	wrdreg s1;
	s1 =	sshrl.u32 s15, $0x3  }
0x28: {  	s26 =	simm.s32 $0x8E80;
	s15 =	simm.s32 $0x53E8;
	s1 =	sadd.s32 s9, s1  }
0x29: {  	[dreg:$0xf] =	wrdreg s1;
	s1 =	sadd.s32 s9, s18;
	s9 =	simm.s32 $0x2  }
0x2a: {  	v0 =	vimm.f32 $0.0e+00;
	s18 =	simm.s32 $0x7EE0;
	[dreg:$0x11] =	wrdreg s1;
	s1 =	simm.s32 $0x5  }
.LBB2_1:
0x2b: {  	s12 =	simm.s32 $0x40;
	s13 =	simm.s32 $0x0  }
.LBB2_2:
0x2c: {  	p0 =	sne.s32 s12, $0x9FC0;
	[tilespmem:s13+$0x9E20] =	vst v0;
	s13 =	smov.u32 s12;
	s12 =	sadd.s32 $0x40, s12  }
.Ltmp0:
0x2d: {  	(pc) =	sbr.rel @p0 .LBB2_2-.Ltmp0, $2  }
0x2e: {  	_ =	sdelay $0x2  }
0x2f: {  	s13 =	sshra.s32 s13, $0x2  }
0x30: {  	s12 =	rddreg [dreg:$0x4]  }
0x31: {  	s8 =	rddreg [dreg:$0x15]  }
0x32: {  	[tilespmem:s13+$0x9E20] =	vst v0;
	s7 =	rddreg [dreg:$0x1c]  }
0x33: {  	[spmem:s8], [sflag:s7] =	dma.local [hbm:s12], $0x500  }
0x34: {  	_ =	swait.ge [sflag:s1], $0x500  }
0x35: {  	[sflag:s1] =	ssyncset.done $0x0  }
0x36: {  	s2 =	rddreg [dreg:$0x1d];
	[sflag:s1] =	ssyncadd.s32 $0xFFFFFB00  }
0x37: {  	[spmem:s2] =	stream.linear.scatter [tilespmem:s0], [sflag:$0x5], $0x2800, $0x38;
	[tilespmem:$0x11B20] =	vst v63  }
0x38: {  	_ =	swait.ge [sflag:s1], $0x2800  }
0x39: {  	[sflag:s1] =	ssyncset.done $0x0  }
0x3a: {  	s8 =	rddreg [dreg:$0x1b];
	[sflag:s1] =	ssyncadd.s32 $0xFFFFD800  }
0x3b: {  	[tilespmem:s16], [sflag:$0x5] =	stream.linear.gather [hbm4b:s8+s4], $0x3E8, $0x38;
	[tilespmem:$0x11B20] =	vst v63  }
0x3c: {  	_ =	swait.ge [sflag:s1], $0x3E8  }
0x3d: {  	[sflag:s1] =	ssyncset.done $0x0  }
0x3e: {  	s6 =	simm.s32 $0x7710;
	s13 =	rddreg [dreg:$0x5];
	[sflag:s1] =	ssyncadd.s32 $0xFFFFFC18  }
0x3f: {  	[tilespmem:s6], [sflag:$0x5] =	stream.linear.gather [hbm4b:s13+s4], $0x3E8, $0x38;
	[tilespmem:$0x11B20] =	vst v63  }
0x40: {  	_ =	swait.ge [sflag:s1], $0x3E8  }
0x41: {  	[sflag:s1] =	ssyncset.done $0x0  }
0x42: {  	s6 =	rddreg [dreg:$0x6];
	[sflag:s1] =	ssyncadd.s32 $0xFFFFFC18  }
0x43: {  	[tilespmem:s15], [sflag:$0x5] =	stream.linear.gather [hbm4b:s6+s4], $0x3E8, $0x38;
	[tilespmem:$0x11B20] =	vst v63  }
0x44: {  	_ =	swait.ge [sflag:s1], $0x3E8  }
0x45: {  	[sflag:s1] =	ssyncset.done $0x0  }
0x46: {  	s13 =	simm.s32 $0x7AF8;
	s8 =	rddreg [dreg:$0x7];
	[sflag:s1] =	ssyncadd.s32 $0xFFFFFC18  }
0x47: {  	[tilespmem:s13], [sflag:$0x5] =	stream.linear.gather [hbm4b:s8+s4], $0x3E8, $0x38;
	[tilespmem:$0x11B20] =	vst v63  }
0x48: {  	_ =	swait.ge [sflag:s1], $0x3E8  }
0x49: {  	[sflag:s1] =	ssyncset.done $0x0  }
0x4a: {  	s8 =	rddreg [dreg:$0x8];
	[sflag:s1] =	ssyncadd.s32 $0xFFFFFC18  }
0x4b: {  	[tilespmem:s17], [sflag:$0x5] =	stream.linear.gather [hbm4b:s8+s4], $0x3E8, $0x38;
	[tilespmem:$0x11B20] =	vst v63  }
0x4c: {  	_ =	swait.ge [sflag:s1], $0x3E8  }
0x4d: {  	[sflag:s1] =	ssyncset.done $0x0  }
0x4e: {  	s13 =	rddreg [dreg:$0x9];
	[sflag:s1] =	ssyncadd.s32 $0xFFFFFC18  }
0x4f: {  	[tilespmem:s18], [sflag:$0x5] =	stream.linear.gather [hbm4b:s13+s4], $0x3E8, $0x38;
	[tilespmem:$0x11B20] =	vst v63  }
0x50: {  	_ =	swait.ge [sflag:s1], $0x3E8  }
0x51: {  	[sflag:s1] =	ssyncset.done $0x0  }
0x52: {  	s6 =	rddreg [dreg:$0xa];
	[sflag:s1] =	ssyncadd.s32 $0xFFFFFC18  }
0x53: {  	[tilespmem:s19], [sflag:$0x5] =	stream.linear.gather [hbm4b:s6+s4], $0x3E8, $0x38;
	[tilespmem:$0x11B20] =	vst v63  }
0x54: {  	_ =	swait.ge [sflag:s1], $0x3E8  }
0x55: {  	[sflag:s1] =	ssyncset.done $0x0  }
0x56: {  	s8 =	rddreg [dreg:$0xb];
	[sflag:s1] =	ssyncadd.s32 $0xFFFFFC18  }
0x57: {  	[tilespmem:s20], [sflag:$0x5] =	stream.linear.gather [hbm4b:s8+s4], $0x3E8, $0x38;
	[tilespmem:$0x11B20] =	vst v63  }
0x58: {  	_ =	swait.ge [sflag:s1], $0x3E8  }
0x59: {  	[sflag:s1] =	ssyncset.done $0x0  }
0x5a: {  	s13 =	rddreg [dreg:$0x12];
	[sflag:s1] =	ssyncadd.s32 $0xFFFFFC18  }
0x5b: {  	[tilespmem:s21], [sflag:$0x5] =	stream.linear.gather [hbm4b:s13+s4], $0x3E8, $0x38;
	[tilespmem:$0x11B20] =	vst v63  }
0x5c: {  	_ =	swait.ge [sflag:s1], $0x3E8  }
0x5d: {  	[sflag:s1] =	ssyncset.done $0x0  }
0x5e: {  	s6 =	rddreg [dreg:$0x16];
	[sflag:s1] =	ssyncadd.s32 $0xFFFFFC18  }
0x5f: {  	[tilespmem:s22], [sflag:$0x5] =	stream.linear.gather [hbm4b:s6+s4], $0x3E8, $0x38;
	[tilespmem:$0x11B20] =	vst v63  }
0x60: {  	_ =	swait.ge [sflag:s1], $0x3E8  }
0x61: {  	[sflag:s1] =	ssyncset.done $0x0  }
0x62: {  	s8 =	rddreg [dreg:$0xc];
	[sflag:s1] =	ssyncadd.s32 $0xFFFFFC18  }
0x63: {  	[tilespmem:s23], [sflag:$0x5] =	stream.linear.gather [hbm4b:s8+s4], $0x3E8, $0x38;
	[tilespmem:$0x11B20] =	vst v63  }
0x64: {  	_ =	swait.ge [sflag:s1], $0x3E8  }
0x65: {  	[sflag:s1] =	ssyncset.done $0x0  }
0x66: {  	s13 =	rddreg [dreg:$0xd];
	[sflag:s1] =	ssyncadd.s32 $0xFFFFFC18  }
0x67: {  	[tilespmem:s24], [sflag:$0x5] =	stream.linear.gather [hbm4b:s13+s4], $0x3E8, $0x38;
	[tilespmem:$0x11B20] =	vst v63  }
0x68: {  	_ =	swait.ge [sflag:s1], $0x3E8  }
0x69: {  	[sflag:s1] =	ssyncset.done $0x0  }
0x6a: {  	s6 =	rddreg [dreg:$0x17];
	[sflag:s1] =	ssyncadd.s32 $0xFFFFFC18  }
0x6b: {  	[tilespmem:s25], [sflag:$0x5] =	stream.linear.gather [hbm4b:s6+s4], $0x3E8, $0x38;
	[tilespmem:$0x11B20] =	vst v63  }
0x6c: {  	_ =	swait.ge [sflag:s1], $0x3E8  }
0x6d: {  	[sflag:s1] =	ssyncset.done $0x0  }
0x6e: {  	s8 =	rddreg [dreg:$0x18];
	[sflag:s1] =	ssyncadd.s32 $0xFFFFFC18  }
0x6f: {  	[tilespmem:s26], [sflag:$0x5] =	stream.linear.gather [hbm4b:s8+s4], $0x3E8, $0x38;
	[tilespmem:$0x11B20] =	vst v63  }
0x70: {  	_ =	swait.ge [sflag:s1], $0x3E8  }
0x71: {  	[sflag:s1] =	ssyncset.done $0x0  }
0x72: {  	s13 =	rddreg [dreg:$0xe];
	[sflag:s1] =	ssyncadd.s32 $0xFFFFFC18  }
0x73: {  	[tilespmem:s28], [sflag:$0x5] =	stream.linear.gather [hbm4b:s13+s4], $0x3E8, $0x38;
	[tilespmem:$0x11B20] =	vst v63  }
0x74: {  	_ =	swait.ge [sflag:s1], $0x3E8  }
0x75: {  	[sflag:s1] =	ssyncset.done $0x0  }
0x76: {  	s8 =	simm.s32 $0x9268;
	s6 =	rddreg [dreg:$0xf];
	[sflag:s1] =	ssyncadd.s32 $0xFFFFFC18  }
0x77: {  	[tilespmem:s8], [sflag:$0x5] =	stream.linear.gather [hbm4b:s6+s4], $0x3E8, $0x38;
	[tilespmem:$0x11B20] =	vst v63  }
0x78: {  	_ =	swait.ge [sflag:s1], $0x3E8  }
0x79: {  	[sflag:s1] =	ssyncset.done $0x0  }
0x7a: {  	s6 =	simm.s32 $0x6F40;
	s13 =	rddreg [dreg:$0x19];
	[sflag:s1] =	ssyncadd.s32 $0xFFFFFC18  }
0x7b: {  	[tilespmem:s6], [sflag:$0x5] =	stream.linear.gather [hbm4b:s13+s4], $0x3E8, $0x38;
	[tilespmem:$0x11B20] =	vst v63  }
0x7c: {  	_ =	swait.ge [sflag:s1], $0x3E8  }
0x7d: {  	[sflag:s1] =	ssyncset.done $0x0  }
0x7e: {  	s13 =	simm.s32 $0x9650;
	s8 =	rddreg [dreg:$0x1a];
	[sflag:s1] =	ssyncadd.s32 $0xFFFFFC18  }
0x7f: {  	[tilespmem:s13], [sflag:$0x5] =	stream.linear.gather [hbm4b:s8+s4], $0x3E8, $0x38;
	[tilespmem:$0x11B20] =	vst v63  }
0x80: {  	_ =	swait.ge [sflag:s1], $0x3E8  }
0x81: {  	[sflag:s1] =	ssyncset.done $0x0  }
0x82: {  	s8 =	simm.s32 $0x7328;
	s13 =	rddreg [dreg:$0x10];
	[sflag:s1] =	ssyncadd.s32 $0xFFFFFC18  }
0x83: {  	[tilespmem:s8], [sflag:$0x5] =	stream.linear.gather [hbm4b:s13+s4], $0x3E8, $0x38;
	[tilespmem:$0x11B20] =	vst v63  }
0x84: {  	_ =	swait.ge [sflag:s1], $0x3E8  }
0x85: {  	[sflag:s1] =	ssyncset.done $0x0  }
0x86: {  	s13 =	simm.s32 $0x9A38;
	s12 =	rddreg [dreg:$0x11];
	[sflag:s1] =	ssyncadd.s32 $0xFFFFFC18  }
0x87: {  	[tilespmem:s13], [sflag:$0x5] =	stream.linear.gather [hbm4b:s12+s4], $0x3E8, $0x38;
	[tilespmem:$0x11B20] =	vst v63  }
0x88: {  	_ =	swait.ge [sflag:s1], $0x3E8  }
0x89: {  	[sflag:s1] =	ssyncset.done $0x0  }
0x8a: {  	[sflag:s1] =	ssyncadd.s32 $0xFFFFFC18  }
0x8b: {  	[bflag:$0x0] =	sbarrier.arrive $0xFFFF  }
0x8c: {  	[tilespmem:s0], [sflag:$0x1] =	stream.indirect.gather [spmem:s14], $0x10, s16, s29, $0xb8;
	[tilespmem:$0x11B20] =	vst v63  }
0x8d: {  	_ = 	snop  }
0x8e: {  	[tilespmem:s30], [sflag:$0x2] =	stream.indirect.gather [spmem:s14], $0x10, s15, s29, $0xb8;
	[tilespmem:$0x11B20] =	vst v63  }
0x8f: {  	_ =	swait.ge [sflag:s5], $0x3E80  }
0x90: {  	[sflag:s5] =	ssyncset.done $0x0  }
0x91: {  	s12 =	simm.s32 $0x7710;
	[sflag:s5] =	ssyncadd.s32 $0xFFFFC180  }
0x92: {  	[spmem:s3] =	stream.indirect.scatter.add.f32 [tilespmem:s0], [sflag:$0x3], $0x10, s12, s29, $0xb8;
	[tilespmem:$0x11B20] =	vst v63  }
0x93: {  	_ =	swait.ge [sflag:s31], $0x3E80  }
0x94: {  	[sflag:s31] =	ssyncset.done $0x0  }
0x95: {  	[sflag:s31] =	ssyncadd.s32 $0xFFFFC180  }
0x96: {  	[tilespmem:s0], [sflag:$0x1] =	stream.indirect.gather [spmem:s14], $0x10, s17, s29, $0xb8;
	[tilespmem:$0x11B20] =	vst v63  }
0x97: {  	_ =	swait.ge [sflag:s9], $0x3E80  }
0x98: {  	[sflag:s9] =	ssyncset.done $0x0  }
0x99: {  	s12 =	simm.s32 $0x7AF8;
	[sflag:s9] =	ssyncadd.s32 $0xFFFFC180  }
0x9a: {  	[spmem:s3] =	stream.indirect.scatter.add.f32 [tilespmem:s30], [sflag:$0x4], $0x10, s12, s29, $0xb8;
	[tilespmem:$0x11B20] =	vst v63  }
0x9b: {  	_ =	swait.ge [sflag:s10], $0x3E80  }
0x9c: {  	[sflag:s10] =	ssyncset.done $0x0  }
0x9d: {  	[sflag:s10] =	ssyncadd.s32 $0xFFFFC180  }
0x9e: {  	[tilespmem:s30], [sflag:$0x2] =	stream.indirect.gather [spmem:s14], $0x10, s19, s29, $0xb8;
	[tilespmem:$0x11B20] =	vst v63  }
0x9f: {  	_ =	swait.ge [sflag:s5], $0x3E80  }
0xa0: {  	[sflag:s5] =	ssyncset.done $0x0  }
0xa1: {  	[sflag:s5] =	ssyncadd.s32 $0xFFFFC180  }
0xa2: {  	[spmem:s3] =	stream.indirect.scatter.add.f32 [tilespmem:s0], [sflag:$0x3], $0x10, s18, s29, $0xb8;
	[tilespmem:$0x11B20] =	vst v63  }
0xa3: {  	_ =	swait.ge [sflag:s31], $0x3E80  }
0xa4: {  	[sflag:s31] =	ssyncset.done $0x0  }
0xa5: {  	[sflag:s31] =	ssyncadd.s32 $0xFFFFC180  }
0xa6: {  	[tilespmem:s0], [sflag:$0x1] =	stream.indirect.gather [spmem:s14], $0x10, s21, s29, $0xb8;
	[tilespmem:$0x11B20] =	vst v63  }
0xa7: {  	_ =	swait.ge [sflag:s9], $0x3E80  }
0xa8: {  	[sflag:s9] =	ssyncset.done $0x0  }
0xa9: {  	[sflag:s9] =	ssyncadd.s32 $0xFFFFC180  }
0xaa: {  	[spmem:s3] =	stream.indirect.scatter.add.f32 [tilespmem:s30], [sflag:$0x4], $0x10, s20, s29, $0xb8;
	[tilespmem:$0x11B20] =	vst v63  }
0xab: {  	_ =	swait.ge [sflag:s10], $0x3E80  }
0xac: {  	[sflag:s10] =	ssyncset.done $0x0  }
0xad: {  	[sflag:s10] =	ssyncadd.s32 $0xFFFFC180  }
0xae: {  	[tilespmem:s30], [sflag:$0x2] =	stream.indirect.gather [spmem:s14], $0x10, s23, s29, $0xb8;
	[tilespmem:$0x11B20] =	vst v63  }
0xaf: {  	_ =	swait.ge [sflag:s5], $0x3E80  }
0xb0: {  	[sflag:s5] =	ssyncset.done $0x0  }
0xb1: {  	[sflag:s5] =	ssyncadd.s32 $0xFFFFC180  }
0xb2: {  	[spmem:s3] =	stream.indirect.scatter.add.f32 [tilespmem:s0], [sflag:$0x3], $0x10, s22, s29, $0xb8;
	[tilespmem:$0x11B20] =	vst v63  }
0xb3: {  	_ =	swait.ge [sflag:s31], $0x3E80  }
0xb4: {  	[sflag:s31] =	ssyncset.done $0x0  }
0xb5: {  	[sflag:s31] =	ssyncadd.s32 $0xFFFFC180  }
0xb6: {  	[tilespmem:s0], [sflag:$0x1] =	stream.indirect.gather [spmem:s14], $0x10, s25, s29, $0xb8;
	[tilespmem:$0x11B20] =	vst v63  }
0xb7: {  	_ =	swait.ge [sflag:s9], $0x3E80  }
0xb8: {  	[sflag:s9] =	ssyncset.done $0x0  }
0xb9: {  	[sflag:s9] =	ssyncadd.s32 $0xFFFFC180  }
0xba: {  	[spmem:s3] =	stream.indirect.scatter.add.f32 [tilespmem:s30], [sflag:$0x4], $0x10, s24, s29, $0xb8;
	[tilespmem:$0x11B20] =	vst v63  }
0xbb: {  	_ =	swait.ge [sflag:s10], $0x3E80  }
0xbc: {  	[sflag:s10] =	ssyncset.done $0x0  }
0xbd: {  	[sflag:s10] =	ssyncadd.s32 $0xFFFFC180  }
0xbe: {  	[tilespmem:s30], [sflag:$0x2] =	stream.indirect.gather [spmem:s14], $0x10, s28, s29, $0xb8;
	[tilespmem:$0x11B20] =	vst v63  }
0xbf: {  	_ =	swait.ge [sflag:s5], $0x3E80  }
0xc0: {  	[sflag:s5] =	ssyncset.done $0x0  }
0xc1: {  	[sflag:s5] =	ssyncadd.s32 $0xFFFFC180  }
0xc2: {  	[spmem:s3] =	stream.indirect.scatter.add.f32 [tilespmem:s0], [sflag:$0x3], $0x10, s26, s29, $0xb8;
	[tilespmem:$0x11B20] =	vst v63  }
0xc3: {  	_ =	swait.ge [sflag:s31], $0x3E80  }
0xc4: {  	[sflag:s31] =	ssyncset.done $0x0  }
0xc5: {  	[sflag:s31] =	ssyncadd.s32 $0xFFFFC180  }
0xc6: {  	[tilespmem:s0], [sflag:$0x1] =	stream.indirect.gather [spmem:s14], $0x10, s6, s29, $0xb8;
	[tilespmem:$0x11B20] =	vst v63  }
0xc7: {  	_ =	swait.ge [sflag:s9], $0x3E80  }
0xc8: {  	[sflag:s9] =	ssyncset.done $0x0  }
0xc9: {  	s12 =	simm.s32 $0x9268;
	[sflag:s9] =	ssyncadd.s32 $0xFFFFC180  }
0xca: {  	[spmem:s3] =	stream.indirect.scatter.add.f32 [tilespmem:s30], [sflag:$0x4], $0x10, s12, s29, $0xb8;
	[tilespmem:$0x11B20] =	vst v63  }
0xcb: {  	_ =	swait.ge [sflag:s10], $0x3E80  }
0xcc: {  	[sflag:s10] =	ssyncset.done $0x0  }
0xcd: {  	[sflag:s10] =	ssyncadd.s32 $0xFFFFC180  }
0xce: {  	[tilespmem:s30], [sflag:$0x2] =	stream.indirect.gather [spmem:s14], $0x10, s8, s29, $0xb8;
	[tilespmem:$0x11B20] =	vst v63  }
0xcf: {  	_ =	swait.ge [sflag:s5], $0x3E80  }
0xd0: {  	[sflag:s5] =	ssyncset.done $0x0  }
0xd1: {  	s12 =	simm.s32 $0x9650;
	[sflag:s5] =	ssyncadd.s32 $0xFFFFC180  }
0xd2: {  	[spmem:s3] =	stream.indirect.scatter.add.f32 [tilespmem:s0], [sflag:$0x3], $0x10, s12, s29, $0xb8;
	[tilespmem:$0x11B20] =	vst v63  }
0xd3: {  	_ =	swait.ge [sflag:s9], $0x3E80  }
0xd4: {  	[sflag:s9] =	ssyncset.done $0x0  }
0xd5: {  	[sflag:s9] =	ssyncadd.s32 $0xFFFFC180  }
0xd6: {  	[spmem:s3] =	stream.indirect.scatter.add.f32 [tilespmem:s30], [sflag:$0x4], $0x10, s13, s29, $0xb8;
	[tilespmem:$0x11B20] =	vst v63  }
0xd7: {  	_ =	swait.ge [sflag:s31], $0x3E80  }
0xd8: {  	[sflag:s31] =	ssyncset.done $0x0  }
0xd9: {  	[sflag:s31] =	ssyncadd.s32 $0xFFFFC180  }
0xda: {  	_ =	swait.ge [sflag:s10], $0x3E80  }
0xdb: {  	[sflag:s10] =	ssyncset.done $0x0  }
0xdc: {  	[sflag:s10] =	ssyncadd.s32 $0xFFFFC180  }
0xdd: {  	[bflag:$0x0] =	sbarrier.arrive $0xFFFF  }
0xde: {  	s6 =	sshrl.u32 s2, $0x3;
	s8 =	rddreg [dreg:$0x13]  }
0xdf: {  	[hbm:s8], [sflag:s7] =	dma.local [spmem:s6], $0x500  }
0xe0: {  	_ =	swait.ge [sflag:s1], $0x500  }
0xe1: {  	s11 =	sadd.s32 $0x1, s11;
	s13 =	rddreg [dreg:$0x14]  }
0xe2: {  	p0 =	sne.s32 s11, s13  }
.Ltmp1:
0xe3: {  	_ = 	snop;
	(pc) =	sbr.rel @p0 .LBB2_1-.Ltmp1, $3  }
0xe4: {  	_ =	sdelay $0x1  }
0xe5: {  	[sflag:s1] =	ssyncset.done $0x0  }
0xe6: {  	[sflag:s1] =	ssyncadd.s32 $0xFFFFFB00  }
0xe7: {  	_ =	sfence.sel $0x180000  }
0xe8: {  	[bflag:$0x0] =	sbarrier.arrive $0xFFFF  }
0xe9: {  	_ =	strace $0x9000004A  }
0xea: {  	s0 =	stileid.u32;
	[bflag:$0x2] =	sbarrier.arrive $0xFFFF  }
0xeb: {  	p0 =	sne.s32 s0, $0x0;
	s0 =	rddreg [dreg:$0x3]  }
0xec: {  	s0 =	sadd.s32 @!p0 $0x100000, s0  }
0xed: {  	[sflag:s0] =	ssyncadd.tile.s32 @!p0 $0x1;
	_ =	shalt  }
.Lfunc_end2:
_tile_overlayer_lowered:
.L_overlay_start_2:
0xee: {  	(tag) =	ssettag $0x2  }
0xef: {  	s0 =	rddreg [dreg:$0x0];
	s2 =	stileid.u32  }
0xf0: {  	s1 =	rddreg [dreg:$0x1];
	p0 =	sne.s32 s2, $0x0  }
0xf1: {  	s3 =	rddreg [dreg:$0x2];
	[bflag:$0x3] =	sbarrier.arrive $0xFFFF;
	s2 =	simm.s32 @!p0 $0x1C05  }
0xf2: {  	[timem:s3], [sflag:s2] =	dma.local @!p0 [hbm:s0], s1  }
0xf3: {  	s0 =	simm.s32 @!p0 $0x5  }
0xf4: {  	_ =	swait.ge @!p0 [sflag:s0], s1  }
0xf5: {  	s1 =	ssub.s32 @!p0 $0x0, s1;
	[sflag:s0] =	ssyncset.done @!p0 $0x0  }
0xf6: {  	[sflag:s0] =	ssyncadd.s32 @!p0 s1  }
0xf7: {  	[bflag:$0x3] =	sbarrier.arrive $0xFFFF  }
0xf8: {  	_ =	shalt  }

// kernel: kernel.14.cloned.1.call-start
scs
__scs_entry_jumppad:
0x0: {  	(pc) =	sbr.rel $0x88, $3  }
0x1: {  	(tag) =	ssettag $0x0;
	lr =	simm.s32 $0x1  }
0x2: {  	[smem:$0x3F9B] =	sst lr;
	_ =	strace $0xD0000000  }
0x3: {  	_ = 	snop  }
0x4: {  	_ = 	snop  }
0x5: {  	_ = 	snop  }
0x6: {  	_ = 	snop  }
0x7: {  	_ = 	snop  }
__scs_overlays_trampoline_lowered:
0x8: {  	[smem:$0x3FAA] =	sst s0  }
0x9: {  	[smem:$0x3FAB] =	sst s1  }
0xa: {  	[smem:$0x3FAC] =	sst s2  }
0xb: {  	[smem:$0x3FAD] =	sst s3  }
0xc: {  	[smem:$0x3FAE] =	sst s4  }
0xd: {  	[smem:$0x3FAF] =	sst s5  }
0xe: {  	[smem:$0x3FB0] =	sst s6  }
0xf: {  	[smem:$0x3FB1] =	sst s7  }
0x10: {  	[smem:$0x3FB2] =	sst s8  }
0x11: {  	[smem:$0x3FB3] =	sst s9;
	s0 =	simm.s32 @!p0 $0x0  }
0x12: {  	s1 =	sld [smem:$0x3F99];
	s0 =	simm.s32 @p0 $0x1  }
0x13: {  	[smem:$0x3FB4] =	sst s0;
	s0 =	simm.s32 @!p1 $0x0  }
0x14: {  	s2 =	sld [smem:$0x3F98];
	s0 =	simm.s32 @p1 $0x1  }
0x15: {  	[smem:$0x3FB5] =	sst s0;
	s0 =	simm.s32 @!p2 $0x0  }
0x16: {  	s3 =	sld [smem:$0x3FDB];
	s0 =	simm.s32 @p2 $0x1  }
0x17: {  	s4 =	simm.s32 $0x1BF5;
	[smem:$0x3FB7] =	sst s0  }
0x18: {  	s0 =	sld [smem:$0x3F9A];
	_ =	swait.ge [sflag:s4], $0x0  }
0x19: {  	s7 =	sld [smem:$0x3F9B]  }
0x1a: {  	s8 =	sadd.s32 $0xFFFFE003, lr  }
0x1b: {  	s9 =	sadd.s32 $0xFFFFFEF7, lr;
	s5 =	simm.s32 $0xFFFFFFFF;
	p2 =	slt.u32 s8, $0xFFFFF086  }
0x1c: {  	p1 =	slt.u32 s9, $0xF7A;
	s5 =	simm.s32 @!p2 $0x0  }
0x1d: {  	s5 =	simm.s32 @p1 $0x1;
	p0 =	seq.s32 s7, s2  }
0x1e: {  	s7 =	smul.u32 @!p0 $0xF7A, s2;
	p2 =	seq.s32 @!p0 s5, $0x0  }
0x1f: {  	s9 =	smul.u32 $0xF7A, s1;
	s8 =	simm.s32 @!p0 $0x1BF5;
	p2 =	por !p2, p0  }
0x20: {  	[sflag:s8] =	ssyncset.s32 @!p0 $0xFFFFF086;
	s6 =	sadd.s32 @!p0 s3, s7;
	s7 =	simm.s32 @!p0 $0x108  }
0x21: {  	s3 =	sadd.s32 s3, s9;
	s6 =	sadd.s32 @!p0 $0x88, s6;
	s7 =	simm.s32 @p2 $0x1082  }
0x22: {  	[simem:s7], [sflag:s8] =	dma.local @!p0 [hbm:s6], $0xF7A  }
0x23: {  	s9 =	sor.u32 $0xD0000000, s2;
	s6 =	simm.s32 $0x108;
	_ =	swait.ge @!p0 [sflag:s8], $0x0  }
0x24: {  	s3 =	sadd.s32 $0x88, s3;
	s6 =	simm.s32 @!p1 $0x1082;
	[sflag:s4] =	ssyncset.s32 $0xFFFFF086  }
0x25: {  	[simem:s6], [sflag:s4] =	dma.local [hbm:s3], $0xF7A  }
0x26: {  	[smem:$0x3F9B] =	sst s1;
	(tag) =	ssettag s2;
	_ =	strace s9  }
0x27: {  	s1 =	sld [smem:$0x3FAB]  }
0x28: {  	s2 =	sld [smem:$0x3FAC]  }
0x29: {  	s4 =	sld [smem:$0x3FAE]  }
0x2a: {  	p0 =	seq.s32 s5, $0x0;
	s5 =	sld [smem:$0x3FAF]  }
0x2b: {  	s6 =	sld [smem:$0x3FB0]  }
0x2c: {  	s7 =	sld [smem:$0x3FB1]  }
0x2d: {  	s3 =	simm.s32 $0x108;
	s8 =	sld [smem:$0x3FB2]  }
0x2e: {  	s3 =	simm.s32 @!p0 $0x1082;
	s9 =	sld [smem:$0x3FB3]  }
0x2f: {  	lr =	sadd.s32 s0, s3;
	s0 =	sld [smem:$0x3FAA]  }
0x30: {  	s3 =	sld [smem:$0x3FAD]  }
0x31: {  	[smem:$0x3FB6] =	sst s10  }
0x32: {  	s10 =	sld [smem:$0x3FB4];
	_ =	sdelay $0x3  }
0x33: {  	p0 =	seq.s32 s10, $0x1;
	s10 =	sld [smem:$0x3FB6];
	_ =	sdelay $0x3  }
0x34: {  	[smem:$0x3FB6] =	sst s10  }
0x35: {  	s10 =	sld [smem:$0x3FB5];
	_ =	sdelay $0x3  }
0x36: {  	p1 =	seq.s32 s10, $0x1;
	s10 =	sld [smem:$0x3FB6];
	_ =	sdelay $0x3  }
0x37: {  	[smem:$0x3FB6] =	sst s10  }
0x38: {  	s10 =	sld [smem:$0x3FB7]  }
0x39: {  	_ = 	snop;
	(pc) =	sbr.ind lr, $3  }
0x3a: {  	_ = 	snop  }
0x3b: {  	_ = 	snop  }
0x3c: {  	p2 =	seq.s32 s10, $0x1;
	s10 =	sld [smem:$0x3FB6]  }
0x3d: {  	_ =	shalt  }
0x3e: {  	_ =	shalt  }
0x3f: {  	_ =	shalt  }
0x40: {  	_ =	shalt  }
0x41: {  	_ =	shalt  }
0x42: {  	_ =	shalt  }
0x43: {  	_ =	shalt  }
0x44: {  	_ =	shalt  }
0x45: {  	_ =	shalt  }
0x46: {  	_ =	shalt  }
0x47: {  	_ =	shalt  }
0x48: {  	_ =	shalt  }
0x49: {  	_ =	shalt  }
0x4a: {  	_ =	shalt  }
0x4b: {  	_ =	shalt  }
0x4c: {  	_ =	shalt  }
0x4d: {  	_ =	shalt  }
0x4e: {  	_ =	shalt  }
0x4f: {  	_ =	shalt  }
0x50: {  	_ =	shalt  }
0x51: {  	_ =	shalt  }
0x52: {  	_ =	shalt  }
0x53: {  	_ =	shalt  }
0x54: {  	_ =	shalt  }
0x55: {  	_ =	shalt  }
0x56: {  	_ =	shalt  }
0x57: {  	_ =	shalt  }
0x58: {  	_ =	shalt  }
0x59: {  	_ =	shalt  }
0x5a: {  	_ =	shalt  }
0x5b: {  	_ =	shalt  }
0x5c: {  	_ =	shalt  }
0x5d: {  	_ =	shalt  }
0x5e: {  	_ =	shalt  }
0x5f: {  	_ =	shalt  }
0x60: {  	_ =	shalt  }
0x61: {  	_ =	shalt  }
0x62: {  	_ =	shalt  }
0x63: {  	_ =	shalt  }
0x64: {  	_ =	shalt  }
0x65: {  	_ =	shalt  }
0x66: {  	_ =	shalt  }
0x67: {  	_ =	shalt  }
0x68: {  	_ =	shalt  }
0x69: {  	_ =	shalt  }
0x6a: {  	_ =	shalt  }
0x6b: {  	_ =	shalt  }
0x6c: {  	_ =	shalt  }
0x6d: {  	_ =	shalt  }
0x6e: {  	_ =	shalt  }
0x6f: {  	_ =	shalt  }
0x70: {  	_ =	shalt  }
0x71: {  	_ =	shalt  }
0x72: {  	_ =	shalt  }
0x73: {  	_ =	shalt  }
0x74: {  	_ =	shalt  }
0x75: {  	_ =	shalt  }
0x76: {  	_ =	shalt  }
0x77: {  	_ =	shalt  }
0x78: {  	_ =	shalt  }
0x79: {  	_ =	shalt  }
0x7a: {  	_ =	shalt  }
0x7b: {  	_ =	shalt  }
0x7c: {  	_ =	shalt  }
0x7d: {  	_ =	shalt  }
0x7e: {  	_ =	shalt  }
0x7f: {  	_ =	shalt  }
0x80: {  	_ =	shalt  }
0x81: {  	_ =	shalt  }
0x82: {  	_ =	shalt  }
0x83: {  	_ =	shalt  }
0x84: {  	_ =	shalt  }
0x85: {  	_ =	shalt  }
0x86: {  	_ =	shalt  }
0x87: {  	_ =	shalt  }
.Lfunc_end0:
.L_simem_size_0:
called_computation.2_lowered:
.L_overlay_start_0:
0x88: {  	s2 =	sld [smem:$0x3FD9]  }
0x89: {  	s3 =	sld [smem:$0x3FFE];
	_ =	sdelay $0x1  }
0x8a: {  	s1 =	srdreg.scid  }
0x8b: {  	s0 =	sand.u32 $0x1, s1  }
0x8c: {  	s16 =	sshll.u32 s0, $0xA;
	s2 =	sadd.s32 s3, s2  }
0x8d: {  	s2 =	sadd.s32 s2, s16  }
0x8e: {  	[smem:$0x3FC2] =	sst s2  }
0x8f: {  	_ = 	snop  }
0x90: {  	(tm) =	ssettm $0x1  }
0x91: {  	s17 =	sld [smem:$0x3FFB];
	_ =	sdelay $0x3  }
0x92: {  	_ =	strace s17  }
0x93: {  	s2 =	sld [smem:$0x3FFC];
	_ =	sdelay $0x3  }
0x94: {  	_ =	strace s2  }
0x95: {  	s2 =	sld [smem:$0x3FFD];
	_ =	sdelay $0x3  }
0x96: {  	_ =	strace s2  }
0x97: {  	_ =	strace $0x8FFFFFFF  }
0x98: {  	s18 =	sld [smem:$0x3FDB];
	_ =	sdelay $0x1  }
0x99: {  	s19 =	simm.s32 $_scs_section_size  }
0x9a: {  	s4 =	simm.s32 $_size__tile_overlayer_lowered;
	s5 =	simm.s32 $_tile_overlayer_lowered  }
0x9b: {  	s22 =	simm.s32 $0x1BFF;
	s21 =	sshll.u32 s5, $0x1;
	s2 =	sadd.s32 s19, s18  }
0x9c: {  	s6 =	simm.s32 $0x0;
	s20 =	sshll.u32 s4, $0x1;
	s4 =	sadd.s32 s21, s2  }
0x9d: {  	[timem:s6], [sflag:s22] =	dma.local [hbm:s4], s20  }
0x9e: {  	_ =	swait.ge [sflag:s22], s20  }
0x9f: {  	s3 =	ssub.s32 $0x0, s20;
	[sflag:s22] =	ssyncset.done $0x0  }
0xa0: {  	[sflag:s22] =	ssyncadd.s32 s3;
	_ =	sdelay $0x1  }
0xa1: {  	s23 =	simm.s32 $0x1B8B  }
0xa2: {  	_ =	swait.ge [sflag:s23], $0x1  }
0xa3: {  	[sflag:s23] =	ssyncset.done $0x0  }
0xa4: {  	s25 =	simm.s32 $0x1B8E;
	s24 =	sld [smem:$0x3FFE];
	[sflag:s23] =	ssyncadd.s32 $0xFFFFFFFF  }
0xa5: {  	s26 =	simm.s32 $execute0_lowered;
	[smem:$0x3FD2] =	sst s25  }
0xa6: {  	s4 =	sshll.u32 s26, $0x1;
	_ =	strace $0x8000004C;
	[dreg:$0x1] =	wrdreg $0xFFFFFFFF  }
0xa7: {  	s28 =	simm.s32 $_size_execute0_lowered;
	s2 =	sadd.s32 s2, s4;
	[dreg:$0x0] =	wrdreg $0x0  }
0xa8: {  	s4 =	sshll.u32 s28, $0x1;
	[dreg:$0x2] =	wrdreg s2  }
0xa9: {  	[dreg:$0x3] =	wrdreg s4  }
0xaa: {  	[dreg:$0x4] =	wrdreg $0xC0  }
0xab: {  	_ =	task [dreg:s6], $0x5FFFF  }
0xac: {  	[dreg:$0x1] =	wrdreg $0xFFFFFFFF  }
0xad: {  	[dreg:$0x0] =	wrdreg $0x60  }
0xae: {  	[dreg:$0x2] =	wrdreg s24  }
0xaf: {  	[dreg:$0x3] =	wrdreg $0x0  }
0xb0: {  	[dreg:$0x4] =	wrdreg $0x28000  }
0xb1: {  	[dreg:$0x5] =	wrdreg $0x9  }
0xb2: {  	_ =	task.clear_ibuf [dreg:s6], $0x6FFFF;
	_ =	strace $0x9000004C  }
0xb3: {  	s29 =	simm.s32 $0x9;
	_ =	strace $0x8000004E  }
0xb4: {  	_ =	swait.ge [sflag:s29], $0x1  }
0xb5: {  	[sflag:s29] =	ssyncadd.s32 $0xFFFFFFFF  }
0xb6: {  	_ =	strace $0x9000004E  }
0xb7: {  	_ =	sfence  }
0xb8: {  	s30 =	sld [smem:$0x0];
	_ =	sdelay $0x2  }
0xb9: {  	s31 =	sshll.u32 s1, $0xD;
	s1 =	sshrl.u32 s1, $0x2  }
0xba: {  	s3 =	sand.u32 $0x4000, s31;
	s1 =	sadd.s32 s1, s30  }
0xbb: {  	s0 =	sor.u32 s3, s0;
	s1 =	sshll.u32 s1, $0x11  }
0xbc: {  	s0 =	sor.u32 s1, s0  }
0xbd: {  	s0 =	sadd.s32 $0x8F2B, s0  }
0xbe: {  	[sflag:s0] =	ssyncadd.remote.s32 $0x1  }
0xbf: {  	_ =	sfence.sel $0xFFFF  }
0xc0: {  	[dreg:$0x0] =	wrdreg $0xFFFFFFFF;
	(pc) =	sbr.abs _section_cstart, $3  }
0xc1: {  	[dreg:$0x1] =	wrdreg $0xFFFFFFFF  }
0xc2: {  	_ =	task.clear_ibuf [dreg:s6], $0x2FFFF;
	_ =	strace $0x9FFFFFFF  }
0xc3: {  	(tm) =	ssettm $0x7FFFFFFF  }
tec
execute0_lowered:
.L_overlay_start_1:
0x0: {  	(tag) =	ssettag $0x1  }
0x1: {  	s0 =	rddreg [dreg:$0x0]  }
0x2: {  	s14 =	rddreg [dreg:$0x1]  }
0x3: {  	s3 =	rddreg [dreg:$0x2]  }
0x4: {  	s12 =	stileid.u32;
	s5 =	srdreg.scid;
	s4 =	simm.s32 $0x0  }
0x5: {  	s29 =	simm.s32 $0x3E8;
	s30 =	simm.s32 $0xDCA0;
	s31 =	simm.s32 $0x3  }
0x6: {  	s28 =	simm.s32 $0x6B58;
	s1 =	smul.u32 $0x2800, s12;
	s5 =	sand.u32 $0x1, s5  }
0x7: {  	[smem:$0x7FF] =	sst s4;
	s9 =	sadd.s32 $0x1E00, s0;
	s17 =	sshll.u32 s12, $0x6  }
0x8: {  	s7 =	smul.u32 $0x28000, s5;
	_ =	strace $0x8000004D;
	s8 =	ssub.s32 $0x2, s5  }
0x9: {  	s5 =	sshll.u32 s5, $0x4;
	s6 =	sshrl.u32 s1, $0x3;
	s10 =	sshrl.u32 s8, $0x1  }
0xa: {  	s5 =	sor.u32 s12, s5;
	s11 =	sadd.s32 s1, s14;
	s6 =	sadd.s32 s6, s0  }
0xb: {  	s7 =	sadd.s32 s1, s7;
	s5 =	smul.u32 $0x2710, s5;
	s1 =	sadd.s32 s1, s3  }
0xc: {  	s7 =	sshrl.u32 s7, $0x3;
	s6 =	sadd.s32 $0x15800, s6;
	[dreg:$0x1d] =	wrdreg s1  }
0xd: {  	s10 =	ssub.s32 s8, s10;
	s0 =	sadd.s32 s7, s0;
	[dreg:$0x4] =	wrdreg s6  }
0xe: {  	s6 =	sor.u32 $0x1C05, s17;
	s18 =	sshrl.u32 s5, $0x3;
	s19 =	sadd.s32 $0x3E8, s5  }
0xf: {  	s20 =	sadd.s32 $0x4E5E8, s5;
	s22 =	sadd.s32 $0xBB8, s5;
	s24 =	sadd.s32 $0x4EDB8, s5  }
0x10: {  	s2 =	sadd.s32 $0x1388, s5;
	s7 =	sadd.s32 $0x1B58, s5;
	s15 =	sadd.s32 $0x4FD58, s5  }
0x11: {  	s16 =	sadd.s32 $0x2328, s5;
	[dreg:$0x1c] =	wrdreg s6;
	s8 =	sadd.s32 s9, s18  }
0x12: {  	s1 =	sshrl.u32 s19, $0x3;
	s12 =	sshrl.u32 s20, $0x3;
	s0 =	sadd.s32 $0x1A800, s0  }
0x13: {  	s26 =	sshrl.u32 s24, $0x3;
	s20 =	smax.u32 s10, $0x1;
	[dreg:$0x13] =	wrdreg s0  }
0x14: {  	s6 =	sadd.s32 $0x4F588, s5;
	s5 =	sadd.s32 $0x50528, s5;
	[dreg:$0x14] =	wrdreg s20  }
0x15: {  	s10 =	simm.s32 $0x4;
	s13 =	sadd.s32 $0x9C40, s8;
	[dreg:$0x1b] =	wrdreg s8  }
0x16: {  	s1 =	sadd.s32 s9, s1;
	s21 =	sadd.s32 s9, s12;
	[dreg:$0x5] =	wrdreg s13  }
0x17: {  	s23 =	sadd.s32 $0xFA, s8;
	s25 =	sadd.s32 $0x9D3A, s8;
	[dreg:$0x6] =	wrdreg s1  }
0x18: {  	s12 =	sshrl.u32 s6, $0x3;
	s18 =	sshrl.u32 s5, $0x3;
	[dreg:$0x7] =	wrdreg s21  }
0x19: {  	s19 =	sadd.s32 $0x1F4, s8;
	s24 =	sadd.s32 $0x9F2E, s8;
	[dreg:$0x8] =	wrdreg s23  }
0x1a: {  	s0 =	simm.s32 $0x9E20;
	s5 =	simm.s32 $0x1;
	[dreg:$0x9] =	wrdreg s25  }
0x1b: {  	s20 =	simm.s32 $0x82C8;
	s1 =	sshrl.u32 s22, $0x3;
	[dreg:$0x12] =	wrdreg s19  }
0x1c: {  	s12 =	sadd.s32 s9, s12;
	s13 =	sshrl.u32 s7, $0x3;
	[dreg:$0x18] =	wrdreg s24  }
0x1d: {  	s21 =	sshrl.u32 s11, $0x3;
	s22 =	sadd.s32 $0x9E34, s8;
	[dreg:$0xd] =	wrdreg s12  }
0x1e: {  	s23 =	sadd.s32 $0x2EE, s8;
	s25 =	sadd.s32 $0x3E8, s8;
	[dreg:$0x15] =	wrdreg s21  }
0x1f: {  	s11 =	simm.s32 $0x0;
	s19 =	simm.s32 $0x5BB8;
	[dreg:$0x16] =	wrdreg s22  }
0x20: {  	s24 =	simm.s32 $0x8A98;
	s1 =	sadd.s32 s9, s1;
	[dreg:$0x17] =	wrdreg s23  }
0x21: {  	s12 =	sshrl.u32 s16, $0x3;
	[dreg:$0x19] =	wrdreg s25;
	s16 =	simm.s32 $0x5000  }
0x22: {  	s21 =	simm.s32 $0x5FA0;
	[dreg:$0xa] =	wrdreg s1;
	s1 =	sadd.s32 s9, s26  }
0x23: {  	s22 =	simm.s32 $0x86B0;
	s17 =	sadd.s32 s9, s12;
	[dreg:$0xb] =	wrdreg s1  }
0x24: {  	s26 =	sadd.s32 $0xA028, s8;
	s1 =	sshrl.u32 s2, $0x3;
	[dreg:$0x10] =	wrdreg s17  }
0x25: {  	s23 =	simm.s32 $0x6388;
	[dreg:$0x1a] =	wrdreg s26;
	s1 =	sadd.s32 s9, s1  }
0x26: {  	s25 =	simm.s32 $0x6770;
	[dreg:$0xc] =	wrdreg s1;
	s1 =	sadd.s32 s9, s13  }
0x27: {  	s17 =	simm.s32 $0x57D0;
	[dreg:$0xe] =	wrdreg s1;
	s1 =	sshrl.u32 s15, $0x3  }
0x28: {  	s26 =	simm.s32 $0x8E80;
	s15 =	simm.s32 $0x53E8;
	s1 =	sadd.s32 s9, s1  }
0x29: {  	[dreg:$0xf] =	wrdreg s1;
	s1 =	sadd.s32 s9, s18;
	s9 =	simm.s32 $0x2  }
0x2a: {  	v0 =	vimm.f32 $0.0e+00;
	s18 =	simm.s32 $0x7EE0;
	[dreg:$0x11] =	wrdreg s1;
	s1 =	simm.s32 $0x5  }
.LBB2_1:
0x2b: {  	s12 =	simm.s32 $0x40;
	s13 =	simm.s32 $0x0  }
.LBB2_2:
0x2c: {  	p0 =	sne.s32 s12, $0x9FC0;
	[tilespmem:s13+$0x9E20] =	vst v0;
	s13 =	smov.u32 s12;
	s12 =	sadd.s32 $0x40, s12  }
.Ltmp0:
0x2d: {  	(pc) =	sbr.rel @p0 .LBB2_2-.Ltmp0, $2  }
0x2e: {  	_ =	sdelay $0x2  }
0x2f: {  	s13 =	sshra.s32 s13, $0x2  }
0x30: {  	s12 =	rddreg [dreg:$0x4]  }
0x31: {  	s8 =	rddreg [dreg:$0x15]  }
0x32: {  	[tilespmem:s13+$0x9E20] =	vst v0;
	s7 =	rddreg [dreg:$0x1c]  }
0x33: {  	[spmem:s8], [sflag:s7] =	dma.local [hbm:s12], $0x500  }
0x34: {  	_ =	swait.ge [sflag:s1], $0x500  }
0x35: {  	[sflag:s1] =	ssyncset.done $0x0  }
0x36: {  	s2 =	rddreg [dreg:$0x1d];
	[sflag:s1] =	ssyncadd.s32 $0xFFFFFB00  }
0x37: {  	[spmem:s2] =	stream.linear.scatter [tilespmem:s0], [sflag:$0x5], $0x2800, $0x38;
	[tilespmem:$0x11B20] =	vst v63  }
0x38: {  	_ =	swait.ge [sflag:s1], $0x2800  }
0x39: {  	[sflag:s1] =	ssyncset.done $0x0  }
0x3a: {  	s8 =	rddreg [dreg:$0x1b];
	[sflag:s1] =	ssyncadd.s32 $0xFFFFD800  }
0x3b: {  	[tilespmem:s16], [sflag:$0x5] =	stream.linear.gather [hbm4b:s8+s4], $0x3E8, $0x38;
	[tilespmem:$0x11B20] =	vst v63  }
0x3c: {  	_ =	swait.ge [sflag:s1], $0x3E8  }
0x3d: {  	[sflag:s1] =	ssyncset.done $0x0  }
0x3e: {  	s6 =	simm.s32 $0x7710;
	s13 =	rddreg [dreg:$0x5];
	[sflag:s1] =	ssyncadd.s32 $0xFFFFFC18  }
0x3f: {  	[tilespmem:s6], [sflag:$0x5] =	stream.linear.gather [hbm4b:s13+s4], $0x3E8, $0x38;
	[tilespmem:$0x11B20] =	vst v63  }
0x40: {  	_ =	swait.ge [sflag:s1], $0x3E8  }
0x41: {  	[sflag:s1] =	ssyncset.done $0x0  }
0x42: {  	s6 =	rddreg [dreg:$0x6];
	[sflag:s1] =	ssyncadd.s32 $0xFFFFFC18  }
0x43: {  	[tilespmem:s15], [sflag:$0x5] =	stream.linear.gather [hbm4b:s6+s4], $0x3E8, $0x38;
	[tilespmem:$0x11B20] =	vst v63  }
0x44: {  	_ =	swait.ge [sflag:s1], $0x3E8  }
0x45: {  	[sflag:s1] =	ssyncset.done $0x0  }
0x46: {  	s13 =	simm.s32 $0x7AF8;
	s8 =	rddreg [dreg:$0x7];
	[sflag:s1] =	ssyncadd.s32 $0xFFFFFC18  }
0x47: {  	[tilespmem:s13], [sflag:$0x5] =	stream.linear.gather [hbm4b:s8+s4], $0x3E8, $0x38;
	[tilespmem:$0x11B20] =	vst v63  }
0x48: {  	_ =	swait.ge [sflag:s1], $0x3E8  }
0x49: {  	[sflag:s1] =	ssyncset.done $0x0  }
0x4a: {  	s8 =	rddreg [dreg:$0x8];
	[sflag:s1] =	ssyncadd.s32 $0xFFFFFC18  }
0x4b: {  	[tilespmem:s17], [sflag:$0x5] =	stream.linear.gather [hbm4b:s8+s4], $0x3E8, $0x38;
	[tilespmem:$0x11B20] =	vst v63  }
0x4c: {  	_ =	swait.ge [sflag:s1], $0x3E8  }
0x4d: {  	[sflag:s1] =	ssyncset.done $0x0  }
0x4e: {  	s13 =	rddreg [dreg:$0x9];
	[sflag:s1] =	ssyncadd.s32 $0xFFFFFC18  }
0x4f: {  	[tilespmem:s18], [sflag:$0x5] =	stream.linear.gather [hbm4b:s13+s4], $0x3E8, $0x38;
	[tilespmem:$0x11B20] =	vst v63  }
0x50: {  	_ =	swait.ge [sflag:s1], $0x3E8  }
0x51: {  	[sflag:s1] =	ssyncset.done $0x0  }
0x52: {  	s6 =	rddreg [dreg:$0xa];
	[sflag:s1] =	ssyncadd.s32 $0xFFFFFC18  }
0x53: {  	[tilespmem:s19], [sflag:$0x5] =	stream.linear.gather [hbm4b:s6+s4], $0x3E8, $0x38;
	[tilespmem:$0x11B20] =	vst v63  }
0x54: {  	_ =	swait.ge [sflag:s1], $0x3E8  }
0x55: {  	[sflag:s1] =	ssyncset.done $0x0  }
0x56: {  	s8 =	rddreg [dreg:$0xb];
	[sflag:s1] =	ssyncadd.s32 $0xFFFFFC18  }
0x57: {  	[tilespmem:s20], [sflag:$0x5] =	stream.linear.gather [hbm4b:s8+s4], $0x3E8, $0x38;
	[tilespmem:$0x11B20] =	vst v63  }
0x58: {  	_ =	swait.ge [sflag:s1], $0x3E8  }
0x59: {  	[sflag:s1] =	ssyncset.done $0x0  }
0x5a: {  	s13 =	rddreg [dreg:$0x12];
	[sflag:s1] =	ssyncadd.s32 $0xFFFFFC18  }
0x5b: {  	[tilespmem:s21], [sflag:$0x5] =	stream.linear.gather [hbm4b:s13+s4], $0x3E8, $0x38;
	[tilespmem:$0x11B20] =	vst v63  }
0x5c: {  	_ =	swait.ge [sflag:s1], $0x3E8  }
0x5d: {  	[sflag:s1] =	ssyncset.done $0x0  }
0x5e: {  	s6 =	rddreg [dreg:$0x16];
	[sflag:s1] =	ssyncadd.s32 $0xFFFFFC18  }
0x5f: {  	[tilespmem:s22], [sflag:$0x5] =	stream.linear.gather [hbm4b:s6+s4], $0x3E8, $0x38;
	[tilespmem:$0x11B20] =	vst v63  }
0x60: {  	_ =	swait.ge [sflag:s1], $0x3E8  }
0x61: {  	[sflag:s1] =	ssyncset.done $0x0  }
0x62: {  	s8 =	rddreg [dreg:$0xc];
	[sflag:s1] =	ssyncadd.s32 $0xFFFFFC18  }
0x63: {  	[tilespmem:s23], [sflag:$0x5] =	stream.linear.gather [hbm4b:s8+s4], $0x3E8, $0x38;
	[tilespmem:$0x11B20] =	vst v63  }
0x64: {  	_ =	swait.ge [sflag:s1], $0x3E8  }
0x65: {  	[sflag:s1] =	ssyncset.done $0x0  }
0x66: {  	s13 =	rddreg [dreg:$0xd];
	[sflag:s1] =	ssyncadd.s32 $0xFFFFFC18  }
0x67: {  	[tilespmem:s24], [sflag:$0x5] =	stream.linear.gather [hbm4b:s13+s4], $0x3E8, $0x38;
	[tilespmem:$0x11B20] =	vst v63  }
0x68: {  	_ =	swait.ge [sflag:s1], $0x3E8  }
0x69: {  	[sflag:s1] =	ssyncset.done $0x0  }
0x6a: {  	s6 =	rddreg [dreg:$0x17];
	[sflag:s1] =	ssyncadd.s32 $0xFFFFFC18  }
0x6b: {  	[tilespmem:s25], [sflag:$0x5] =	stream.linear.gather [hbm4b:s6+s4], $0x3E8, $0x38;
	[tilespmem:$0x11B20] =	vst v63  }
0x6c: {  	_ =	swait.ge [sflag:s1], $0x3E8  }
0x6d: {  	[sflag:s1] =	ssyncset.done $0x0  }
0x6e: {  	s8 =	rddreg [dreg:$0x18];
	[sflag:s1] =	ssyncadd.s32 $0xFFFFFC18  }
0x6f: {  	[tilespmem:s26], [sflag:$0x5] =	stream.linear.gather [hbm4b:s8+s4], $0x3E8, $0x38;
	[tilespmem:$0x11B20] =	vst v63  }
0x70: {  	_ =	swait.ge [sflag:s1], $0x3E8  }
0x71: {  	[sflag:s1] =	ssyncset.done $0x0  }
0x72: {  	s13 =	rddreg [dreg:$0xe];
	[sflag:s1] =	ssyncadd.s32 $0xFFFFFC18  }
0x73: {  	[tilespmem:s28], [sflag:$0x5] =	stream.linear.gather [hbm4b:s13+s4], $0x3E8, $0x38;
	[tilespmem:$0x11B20] =	vst v63  }
0x74: {  	_ =	swait.ge [sflag:s1], $0x3E8  }
0x75: {  	[sflag:s1] =	ssyncset.done $0x0  }
0x76: {  	s8 =	simm.s32 $0x9268;
	s6 =	rddreg [dreg:$0xf];
	[sflag:s1] =	ssyncadd.s32 $0xFFFFFC18  }
0x77: {  	[tilespmem:s8], [sflag:$0x5] =	stream.linear.gather [hbm4b:s6+s4], $0x3E8, $0x38;
	[tilespmem:$0x11B20] =	vst v63  }
0x78: {  	_ =	swait.ge [sflag:s1], $0x3E8  }
0x79: {  	[sflag:s1] =	ssyncset.done $0x0  }
0x7a: {  	s6 =	simm.s32 $0x6F40;
	s13 =	rddreg [dreg:$0x19];
	[sflag:s1] =	ssyncadd.s32 $0xFFFFFC18  }
0x7b: {  	[tilespmem:s6], [sflag:$0x5] =	stream.linear.gather [hbm4b:s13+s4], $0x3E8, $0x38;
	[tilespmem:$0x11B20] =	vst v63  }
0x7c: {  	_ =	swait.ge [sflag:s1], $0x3E8  }
0x7d: {  	[sflag:s1] =	ssyncset.done $0x0  }
0x7e: {  	s13 =	simm.s32 $0x9650;
	s8 =	rddreg [dreg:$0x1a];
	[sflag:s1] =	ssyncadd.s32 $0xFFFFFC18  }
0x7f: {  	[tilespmem:s13], [sflag:$0x5] =	stream.linear.gather [hbm4b:s8+s4], $0x3E8, $0x38;
	[tilespmem:$0x11B20] =	vst v63  }
0x80: {  	_ =	swait.ge [sflag:s1], $0x3E8  }
0x81: {  	[sflag:s1] =	ssyncset.done $0x0  }
0x82: {  	s8 =	simm.s32 $0x7328;
	s13 =	rddreg [dreg:$0x10];
	[sflag:s1] =	ssyncadd.s32 $0xFFFFFC18  }
0x83: {  	[tilespmem:s8], [sflag:$0x5] =	stream.linear.gather [hbm4b:s13+s4], $0x3E8, $0x38;
	[tilespmem:$0x11B20] =	vst v63  }
0x84: {  	_ =	swait.ge [sflag:s1], $0x3E8  }
0x85: {  	[sflag:s1] =	ssyncset.done $0x0  }
0x86: {  	s13 =	simm.s32 $0x9A38;
	s12 =	rddreg [dreg:$0x11];
	[sflag:s1] =	ssyncadd.s32 $0xFFFFFC18  }
0x87: {  	[tilespmem:s13], [sflag:$0x5] =	stream.linear.gather [hbm4b:s12+s4], $0x3E8, $0x38;
	[tilespmem:$0x11B20] =	vst v63  }
0x88: {  	_ =	swait.ge [sflag:s1], $0x3E8  }
0x89: {  	[sflag:s1] =	ssyncset.done $0x0  }
0x8a: {  	[sflag:s1] =	ssyncadd.s32 $0xFFFFFC18  }
0x8b: {  	[bflag:$0x0] =	sbarrier.arrive $0xFFFF  }
0x8c: {  	[tilespmem:s0], [sflag:$0x1] =	stream.indirect.gather [spmem:s14], $0x10, s16, s29, $0xb8;
	[tilespmem:$0x11B20] =	vst v63  }
0x8d: {  	_ = 	snop  }
0x8e: {  	[tilespmem:s30], [sflag:$0x2] =	stream.indirect.gather [spmem:s14], $0x10, s15, s29, $0xb8;
	[tilespmem:$0x11B20] =	vst v63  }
0x8f: {  	_ =	swait.ge [sflag:s5], $0x3E80  }
0x90: {  	[sflag:s5] =	ssyncset.done $0x0  }
0x91: {  	s12 =	simm.s32 $0x7710;
	[sflag:s5] =	ssyncadd.s32 $0xFFFFC180  }
0x92: {  	[spmem:s3] =	stream.indirect.scatter.add.f32 [tilespmem:s0], [sflag:$0x3], $0x10, s12, s29, $0xb8;
	[tilespmem:$0x11B20] =	vst v63  }
0x93: {  	_ =	swait.ge [sflag:s31], $0x3E80  }
0x94: {  	[sflag:s31] =	ssyncset.done $0x0  }
0x95: {  	[sflag:s31] =	ssyncadd.s32 $0xFFFFC180  }
0x96: {  	[tilespmem:s0], [sflag:$0x1] =	stream.indirect.gather [spmem:s14], $0x10, s17, s29, $0xb8;
	[tilespmem:$0x11B20] =	vst v63  }
0x97: {  	_ =	swait.ge [sflag:s9], $0x3E80  }
0x98: {  	[sflag:s9] =	ssyncset.done $0x0  }
0x99: {  	s12 =	simm.s32 $0x7AF8;
	[sflag:s9] =	ssyncadd.s32 $0xFFFFC180  }
0x9a: {  	[spmem:s3] =	stream.indirect.scatter.add.f32 [tilespmem:s30], [sflag:$0x4], $0x10, s12, s29, $0xb8;
	[tilespmem:$0x11B20] =	vst v63  }
0x9b: {  	_ =	swait.ge [sflag:s10], $0x3E80  }
0x9c: {  	[sflag:s10] =	ssyncset.done $0x0  }
0x9d: {  	[sflag:s10] =	ssyncadd.s32 $0xFFFFC180  }
0x9e: {  	[tilespmem:s30], [sflag:$0x2] =	stream.indirect.gather [spmem:s14], $0x10, s19, s29, $0xb8;
	[tilespmem:$0x11B20] =	vst v63  }
0x9f: {  	_ =	swait.ge [sflag:s5], $0x3E80  }
0xa0: {  	[sflag:s5] =	ssyncset.done $0x0  }
0xa1: {  	[sflag:s5] =	ssyncadd.s32 $0xFFFFC180  }
0xa2: {  	[spmem:s3] =	stream.indirect.scatter.add.f32 [tilespmem:s0], [sflag:$0x3], $0x10, s18, s29, $0xb8;
	[tilespmem:$0x11B20] =	vst v63  }
0xa3: {  	_ =	swait.ge [sflag:s31], $0x3E80  }
0xa4: {  	[sflag:s31] =	ssyncset.done $0x0  }
0xa5: {  	[sflag:s31] =	ssyncadd.s32 $0xFFFFC180  }
0xa6: {  	[tilespmem:s0], [sflag:$0x1] =	stream.indirect.gather [spmem:s14], $0x10, s21, s29, $0xb8;
	[tilespmem:$0x11B20] =	vst v63  }
0xa7: {  	_ =	swait.ge [sflag:s9], $0x3E80  }
0xa8: {  	[sflag:s9] =	ssyncset.done $0x0  }
0xa9: {  	[sflag:s9] =	ssyncadd.s32 $0xFFFFC180  }
0xaa: {  	[spmem:s3] =	stream.indirect.scatter.add.f32 [tilespmem:s30], [sflag:$0x4], $0x10, s20, s29, $0xb8;
	[tilespmem:$0x11B20] =	vst v63  }
0xab: {  	_ =	swait.ge [sflag:s10], $0x3E80  }
0xac: {  	[sflag:s10] =	ssyncset.done $0x0  }
0xad: {  	[sflag:s10] =	ssyncadd.s32 $0xFFFFC180  }
0xae: {  	[tilespmem:s30], [sflag:$0x2] =	stream.indirect.gather [spmem:s14], $0x10, s23, s29, $0xb8;
	[tilespmem:$0x11B20] =	vst v63  }
0xaf: {  	_ =	swait.ge [sflag:s5], $0x3E80  }
0xb0: {  	[sflag:s5] =	ssyncset.done $0x0  }
0xb1: {  	[sflag:s5] =	ssyncadd.s32 $0xFFFFC180  }
0xb2: {  	[spmem:s3] =	stream.indirect.scatter.add.f32 [tilespmem:s0], [sflag:$0x3], $0x10, s22, s29, $0xb8;
	[tilespmem:$0x11B20] =	vst v63  }
0xb3: {  	_ =	swait.ge [sflag:s31], $0x3E80  }
0xb4: {  	[sflag:s31] =	ssyncset.done $0x0  }
0xb5: {  	[sflag:s31] =	ssyncadd.s32 $0xFFFFC180  }
0xb6: {  	[tilespmem:s0], [sflag:$0x1] =	stream.indirect.gather [spmem:s14], $0x10, s25, s29, $0xb8;
	[tilespmem:$0x11B20] =	vst v63  }
0xb7: {  	_ =	swait.ge [sflag:s9], $0x3E80  }
0xb8: {  	[sflag:s9] =	ssyncset.done $0x0  }
0xb9: {  	[sflag:s9] =	ssyncadd.s32 $0xFFFFC180  }
0xba: {  	[spmem:s3] =	stream.indirect.scatter.add.f32 [tilespmem:s30], [sflag:$0x4], $0x10, s24, s29, $0xb8;
	[tilespmem:$0x11B20] =	vst v63  }
0xbb: {  	_ =	swait.ge [sflag:s10], $0x3E80  }
0xbc: {  	[sflag:s10] =	ssyncset.done $0x0  }
0xbd: {  	[sflag:s10] =	ssyncadd.s32 $0xFFFFC180  }
0xbe: {  	[tilespmem:s30], [sflag:$0x2] =	stream.indirect.gather [spmem:s14], $0x10, s28, s29, $0xb8;
	[tilespmem:$0x11B20] =	vst v63  }
0xbf: {  	_ =	swait.ge [sflag:s5], $0x3E80  }
0xc0: {  	[sflag:s5] =	ssyncset.done $0x0  }
0xc1: {  	[sflag:s5] =	ssyncadd.s32 $0xFFFFC180  }
0xc2: {  	[spmem:s3] =	stream.indirect.scatter.add.f32 [tilespmem:s0], [sflag:$0x3], $0x10, s26, s29, $0xb8;
	[tilespmem:$0x11B20] =	vst v63  }
0xc3: {  	_ =	swait.ge [sflag:s31], $0x3E80  }
0xc4: {  	[sflag:s31] =	ssyncset.done $0x0  }
0xc5: {  	[sflag:s31] =	ssyncadd.s32 $0xFFFFC180  }
0xc6: {  	[tilespmem:s0], [sflag:$0x1] =	stream.indirect.gather [spmem:s14], $0x10, s6, s29, $0xb8;
	[tilespmem:$0x11B20] =	vst v63  }
0xc7: {  	_ =	swait.ge [sflag:s9], $0x3E80  }
0xc8: {  	[sflag:s9] =	ssyncset.done $0x0  }
0xc9: {  	s12 =	simm.s32 $0x9268;
	[sflag:s9] =	ssyncadd.s32 $0xFFFFC180  }
0xca: {  	[spmem:s3] =	stream.indirect.scatter.add.f32 [tilespmem:s30], [sflag:$0x4], $0x10, s12, s29, $0xb8;
	[tilespmem:$0x11B20] =	vst v63  }
0xcb: {  	_ =	swait.ge [sflag:s10], $0x3E80  }
0xcc: {  	[sflag:s10] =	ssyncset.done $0x0  }
0xcd: {  	[sflag:s10] =	ssyncadd.s32 $0xFFFFC180  }
0xce: {  	[tilespmem:s30], [sflag:$0x2] =	stream.indirect.gather [spmem:s14], $0x10, s8, s29, $0xb8;
	[tilespmem:$0x11B20] =	vst v63  }
0xcf: {  	_ =	swait.ge [sflag:s5], $0x3E80  }
0xd0: {  	[sflag:s5] =	ssyncset.done $0x0  }
0xd1: {  	s12 =	simm.s32 $0x9650;
	[sflag:s5] =	ssyncadd.s32 $0xFFFFC180  }
0xd2: {  	[spmem:s3] =	stream.indirect.scatter.add.f32 [tilespmem:s0], [sflag:$0x3], $0x10, s12, s29, $0xb8;
	[tilespmem:$0x11B20] =	vst v63  }
0xd3: {  	_ =	swait.ge [sflag:s9], $0x3E80  }
0xd4: {  	[sflag:s9] =	ssyncset.done $0x0  }
0xd5: {  	[sflag:s9] =	ssyncadd.s32 $0xFFFFC180  }
0xd6: {  	[spmem:s3] =	stream.indirect.scatter.add.f32 [tilespmem:s30], [sflag:$0x4], $0x10, s13, s29, $0xb8;
	[tilespmem:$0x11B20] =	vst v63  }
0xd7: {  	_ =	swait.ge [sflag:s31], $0x3E80  }
0xd8: {  	[sflag:s31] =	ssyncset.done $0x0  }
0xd9: {  	[sflag:s31] =	ssyncadd.s32 $0xFFFFC180  }
0xda: {  	_ =	swait.ge [sflag:s10], $0x3E80  }
0xdb: {  	[sflag:s10] =	ssyncset.done $0x0  }
0xdc: {  	[sflag:s10] =	ssyncadd.s32 $0xFFFFC180  }
0xdd: {  	[bflag:$0x0] =	sbarrier.arrive $0xFFFF  }
0xde: {  	s6 =	sshrl.u32 s2, $0x3;
	s8 =	rddreg [dreg:$0x13]  }
0xdf: {  	[hbm:s8], [sflag:s7] =	dma.local [spmem:s6], $0x500  }
0xe0: {  	_ =	swait.ge [sflag:s1], $0x500  }
0xe1: {  	s11 =	sadd.s32 $0x1, s11;
	s13 =	rddreg [dreg:$0x14]  }
0xe2: {  	p0 =	sne.s32 s11, s13  }
.Ltmp1:
0xe3: {  	_ = 	snop;
	(pc) =	sbr.rel @p0 .LBB2_1-.Ltmp1, $3  }
0xe4: {  	_ =	sdelay $0x1  }
0xe5: {  	[sflag:s1] =	ssyncset.done $0x0  }
0xe6: {  	[sflag:s1] =	ssyncadd.s32 $0xFFFFFB00  }
0xe7: {  	_ =	sfence.sel $0x180000  }
0xe8: {  	[bflag:$0x0] =	sbarrier.arrive $0xFFFF  }
0xe9: {  	_ =	strace $0x9000004D  }
0xea: {  	s0 =	stileid.u32;
	[bflag:$0x2] =	sbarrier.arrive $0xFFFF  }
0xeb: {  	p0 =	sne.s32 s0, $0x0;
	s0 =	rddreg [dreg:$0x3]  }
0xec: {  	s0 =	sadd.s32 @!p0 $0x100000, s0  }
0xed: {  	[sflag:s0] =	ssyncadd.tile.s32 @!p0 $0x1;
	_ =	shalt  }
.Lfunc_end2:
_tile_overlayer_lowered:
.L_overlay_start_2:
0xee: {  	(tag) =	ssettag $0x2  }
0xef: {  	s0 =	rddreg [dreg:$0x0];
	s2 =	stileid.u32  }
0xf0: {  	s1 =	rddreg [dreg:$0x1];
	p0 =	sne.s32 s2, $0x0  }
0xf1: {  	s3 =	rddreg [dreg:$0x2];
	[bflag:$0x3] =	sbarrier.arrive $0xFFFF;
	s2 =	simm.s32 @!p0 $0x1C05  }
0xf2: {  	[timem:s3], [sflag:s2] =	dma.local @!p0 [hbm:s0], s1  }
0xf3: {  	s0 =	simm.s32 @!p0 $0x5  }
0xf4: {  	_ =	swait.ge @!p0 [sflag:s0], s1  }
0xf5: {  	s1 =	ssub.s32 @!p0 $0x0, s1;
	[sflag:s0] =	ssyncset.done @!p0 $0x0  }
0xf6: {  	[sflag:s0] =	ssyncadd.s32 @!p0 s1  }
0xf7: {  	[bflag:$0x3] =	sbarrier.arrive $0xFFFF  }
0xf8: {  	_ =	shalt  }

// kernel: kernel.8.cloned.1.call-start
scs
__scs_entry_jumppad:
0x0: {  	(pc) =	sbr.rel $0x88, $3  }
0x1: {  	(tag) =	ssettag $0x0;
	lr =	simm.s32 $0x1  }
0x2: {  	[smem:$0x3F9B] =	sst lr;
	_ =	strace $0xD0000000  }
0x3: {  	_ = 	snop  }
0x4: {  	_ = 	snop  }
0x5: {  	_ = 	snop  }
0x6: {  	_ = 	snop  }
0x7: {  	_ = 	snop  }
__scs_overlays_trampoline_lowered:
0x8: {  	[smem:$0x3FAA] =	sst s0  }
0x9: {  	[smem:$0x3FAB] =	sst s1  }
0xa: {  	[smem:$0x3FAC] =	sst s2  }
0xb: {  	[smem:$0x3FAD] =	sst s3  }
0xc: {  	[smem:$0x3FAE] =	sst s4  }
0xd: {  	[smem:$0x3FAF] =	sst s5  }
0xe: {  	[smem:$0x3FB0] =	sst s6  }
0xf: {  	[smem:$0x3FB1] =	sst s7  }
0x10: {  	[smem:$0x3FB2] =	sst s8  }
0x11: {  	[smem:$0x3FB3] =	sst s9;
	s0 =	simm.s32 @!p0 $0x0  }
0x12: {  	s1 =	sld [smem:$0x3F99];
	s0 =	simm.s32 @p0 $0x1  }
0x13: {  	[smem:$0x3FB4] =	sst s0;
	s0 =	simm.s32 @!p1 $0x0  }
0x14: {  	s2 =	sld [smem:$0x3F98];
	s0 =	simm.s32 @p1 $0x1  }
0x15: {  	[smem:$0x3FB5] =	sst s0;
	s0 =	simm.s32 @!p2 $0x0  }
0x16: {  	s3 =	sld [smem:$0x3FDB];
	s0 =	simm.s32 @p2 $0x1  }
0x17: {  	s4 =	simm.s32 $0x1BF5;
	[smem:$0x3FB7] =	sst s0  }
0x18: {  	s0 =	sld [smem:$0x3F9A];
	_ =	swait.ge [sflag:s4], $0x0  }
0x19: {  	s7 =	sld [smem:$0x3F9B]  }
0x1a: {  	s8 =	sadd.s32 $0xFFFFE003, lr  }
0x1b: {  	s9 =	sadd.s32 $0xFFFFFEF7, lr;
	s5 =	simm.s32 $0xFFFFFFFF;
	p2 =	slt.u32 s8, $0xFFFFF086  }
0x1c: {  	p1 =	slt.u32 s9, $0xF7A;
	s5 =	simm.s32 @!p2 $0x0  }
0x1d: {  	s5 =	simm.s32 @p1 $0x1;
	p0 =	seq.s32 s7, s2  }
0x1e: {  	s7 =	smul.u32 @!p0 $0xF7A, s2;
	p2 =	seq.s32 @!p0 s5, $0x0  }
0x1f: {  	s9 =	smul.u32 $0xF7A, s1;
	s8 =	simm.s32 @!p0 $0x1BF5;
	p2 =	por !p2, p0  }
0x20: {  	[sflag:s8] =	ssyncset.s32 @!p0 $0xFFFFF086;
	s6 =	sadd.s32 @!p0 s3, s7;
	s7 =	simm.s32 @!p0 $0x108  }
0x21: {  	s3 =	sadd.s32 s3, s9;
	s6 =	sadd.s32 @!p0 $0x88, s6;
	s7 =	simm.s32 @p2 $0x1082  }
0x22: {  	[simem:s7], [sflag:s8] =	dma.local @!p0 [hbm:s6], $0xF7A  }
0x23: {  	s9 =	sor.u32 $0xD0000000, s2;
	s6 =	simm.s32 $0x108;
	_ =	swait.ge @!p0 [sflag:s8], $0x0  }
0x24: {  	s3 =	sadd.s32 $0x88, s3;
	s6 =	simm.s32 @!p1 $0x1082;
	[sflag:s4] =	ssyncset.s32 $0xFFFFF086  }
0x25: {  	[simem:s6], [sflag:s4] =	dma.local [hbm:s3], $0xF7A  }
0x26: {  	[smem:$0x3F9B] =	sst s1;
	(tag) =	ssettag s2;
	_ =	strace s9  }
0x27: {  	s1 =	sld [smem:$0x3FAB]  }
0x28: {  	s2 =	sld [smem:$0x3FAC]  }
0x29: {  	s4 =	sld [smem:$0x3FAE]  }
0x2a: {  	p0 =	seq.s32 s5, $0x0;
	s5 =	sld [smem:$0x3FAF]  }
0x2b: {  	s6 =	sld [smem:$0x3FB0]  }
0x2c: {  	s7 =	sld [smem:$0x3FB1]  }
0x2d: {  	s3 =	simm.s32 $0x108;
	s8 =	sld [smem:$0x3FB2]  }
0x2e: {  	s3 =	simm.s32 @!p0 $0x1082;
	s9 =	sld [smem:$0x3FB3]  }
0x2f: {  	lr =	sadd.s32 s0, s3;
	s0 =	sld [smem:$0x3FAA]  }
0x30: {  	s3 =	sld [smem:$0x3FAD]  }
0x31: {  	[smem:$0x3FB6] =	sst s10  }
0x32: {  	s10 =	sld [smem:$0x3FB4];
	_ =	sdelay $0x3  }
0x33: {  	p0 =	seq.s32 s10, $0x1;
	s10 =	sld [smem:$0x3FB6];
	_ =	sdelay $0x3  }
0x34: {  	[smem:$0x3FB6] =	sst s10  }
0x35: {  	s10 =	sld [smem:$0x3FB5];
	_ =	sdelay $0x3  }
0x36: {  	p1 =	seq.s32 s10, $0x1;
	s10 =	sld [smem:$0x3FB6];
	_ =	sdelay $0x3  }
0x37: {  	[smem:$0x3FB6] =	sst s10  }
0x38: {  	s10 =	sld [smem:$0x3FB7]  }
0x39: {  	_ = 	snop;
	(pc) =	sbr.ind lr, $3  }
0x3a: {  	_ = 	snop  }
0x3b: {  	_ = 	snop  }
0x3c: {  	p2 =	seq.s32 s10, $0x1;
	s10 =	sld [smem:$0x3FB6]  }
0x3d: {  	_ =	shalt  }
0x3e: {  	_ =	shalt  }
0x3f: {  	_ =	shalt  }
0x40: {  	_ =	shalt  }
0x41: {  	_ =	shalt  }
0x42: {  	_ =	shalt  }
0x43: {  	_ =	shalt  }
0x44: {  	_ =	shalt  }
0x45: {  	_ =	shalt  }
0x46: {  	_ =	shalt  }
0x47: {  	_ =	shalt  }
0x48: {  	_ =	shalt  }
0x49: {  	_ =	shalt  }
0x4a: {  	_ =	shalt  }
0x4b: {  	_ =	shalt  }
0x4c: {  	_ =	shalt  }
0x4d: {  	_ =	shalt  }
0x4e: {  	_ =	shalt  }
0x4f: {  	_ =	shalt  }
0x50: {  	_ =	shalt  }
0x51: {  	_ =	shalt  }
0x52: {  	_ =	shalt  }
0x53: {  	_ =	shalt  }
0x54: {  	_ =	shalt  }
0x55: {  	_ =	shalt  }
0x56: {  	_ =	shalt  }
0x57: {  	_ =	shalt  }
0x58: {  	_ =	shalt  }
0x59: {  	_ =	shalt  }
0x5a: {  	_ =	shalt  }
0x5b: {  	_ =	shalt  }
0x5c: {  	_ =	shalt  }
0x5d: {  	_ =	shalt  }
0x5e: {  	_ =	shalt  }
0x5f: {  	_ =	shalt  }
0x60: {  	_ =	shalt  }
0x61: {  	_ =	shalt  }
0x62: {  	_ =	shalt  }
0x63: {  	_ =	shalt  }
0x64: {  	_ =	shalt  }
0x65: {  	_ =	shalt  }
0x66: {  	_ =	shalt  }
0x67: {  	_ =	shalt  }
0x68: {  	_ =	shalt  }
0x69: {  	_ =	shalt  }
0x6a: {  	_ =	shalt  }
0x6b: {  	_ =	shalt  }
0x6c: {  	_ =	shalt  }
0x6d: {  	_ =	shalt  }
0x6e: {  	_ =	shalt  }
0x6f: {  	_ =	shalt  }
0x70: {  	_ =	shalt  }
0x71: {  	_ =	shalt  }
0x72: {  	_ =	shalt  }
0x73: {  	_ =	shalt  }
0x74: {  	_ =	shalt  }
0x75: {  	_ =	shalt  }
0x76: {  	_ =	shalt  }
0x77: {  	_ =	shalt  }
0x78: {  	_ =	shalt  }
0x79: {  	_ =	shalt  }
0x7a: {  	_ =	shalt  }
0x7b: {  	_ =	shalt  }
0x7c: {  	_ =	shalt  }
0x7d: {  	_ =	shalt  }
0x7e: {  	_ =	shalt  }
0x7f: {  	_ =	shalt  }
0x80: {  	_ =	shalt  }
0x81: {  	_ =	shalt  }
0x82: {  	_ =	shalt  }
0x83: {  	_ =	shalt  }
0x84: {  	_ =	shalt  }
0x85: {  	_ =	shalt  }
0x86: {  	_ =	shalt  }
0x87: {  	_ =	shalt  }
.Lfunc_end0:
.L_simem_size_0:
called_computation_lowered:
.L_overlay_start_0:
0x88: {  	s2 =	sld [smem:$0x3FD9]  }
0x89: {  	s3 =	sld [smem:$0x3FFE];
	_ =	sdelay $0x1  }
0x8a: {  	s1 =	srdreg.scid  }
0x8b: {  	s0 =	sand.u32 $0x1, s1  }
0x8c: {  	s17 =	sshll.u32 s0, $0xA;
	s2 =	sadd.s32 s3, s2  }
0x8d: {  	s2 =	sadd.s32 s2, s17  }
0x8e: {  	[smem:$0x3FC2] =	sst s2  }
0x8f: {  	_ = 	snop  }
0x90: {  	s2 =	sld [smem:$0x3FD0];
	(tm) =	ssettm $0x1  }
0x91: {  	s18 =	sld [smem:$0x3FFB];
	_ =	sdelay $0x3  }
0x92: {  	_ =	strace s18  }
0x93: {  	s3 =	sld [smem:$0x3FFC];
	_ =	sdelay $0x3  }
0x94: {  	_ =	strace s3  }
0x95: {  	s3 =	sld [smem:$0x3FFD];
	_ =	sdelay $0x3  }
0x96: {  	_ =	strace s3  }
0x97: {  	_ =	strace $0x8FFFFFFF  }
0x98: {  	s19 =	sld [smem:$0x3FDB];
	_ =	sdelay $0x1  }
0x99: {  	s4 =	simm.s32 $_scs_section_size  }
0x9a: {  	s5 =	simm.s32 $_size__tile_overlayer_lowered;
	s6 =	simm.s32 $_tile_overlayer_lowered  }
0x9b: {  	s22 =	simm.s32 $0x1BFF;
	s21 =	sshll.u32 s6, $0x1;
	s3 =	sadd.s32 s4, s19  }
0x9c: {  	s7 =	simm.s32 $0x0;
	s20 =	sshll.u32 s5, $0x1;
	s5 =	sadd.s32 s21, s3  }
0x9d: {  	[timem:s7], [sflag:s22] =	dma.local [hbm:s5], s20  }
0x9e: {  	_ =	swait.ge [sflag:s22], s20  }
0x9f: {  	s4 =	ssub.s32 $0x0, s20;
	[sflag:s22] =	ssyncset.done $0x0  }
0xa0: {  	[sflag:s22] =	ssyncadd.s32 s4;
	_ =	sdelay $0x1  }
0xa1: {  	s23 =	simm.s32 $0x1B8B  }
0xa2: {  	_ =	swait.ge [sflag:s23], $0x1  }
0xa3: {  	[sflag:s23] =	ssyncset.done $0x0  }
0xa4: {  	s25 =	simm.s32 $0x1B8E;
	s24 =	sld [smem:$0x3FFE];
	[sflag:s23] =	ssyncadd.s32 $0xFFFFFFFF  }
0xa5: {  	s26 =	simm.s32 $execute0_lowered;
	[smem:$0x3FD2] =	sst s25  }
0xa6: {  	s5 =	sshll.u32 s26, $0x1;
	_ =	strace $0x80000046;
	[dreg:$0x1] =	wrdreg $0xFFFFFFFF  }
0xa7: {  	s28 =	simm.s32 $_size_execute0_lowered;
	s3 =	sadd.s32 s3, s5;
	[dreg:$0x0] =	wrdreg $0x0  }
0xa8: {  	s5 =	sshll.u32 s28, $0x1;
	[dreg:$0x2] =	wrdreg s3  }
0xa9: {  	[dreg:$0x3] =	wrdreg s5  }
0xaa: {  	[dreg:$0x4] =	wrdreg $0xC0  }
0xab: {  	_ =	task [dreg:s7], $0x5FFFF  }
0xac: {  	[dreg:$0x1] =	wrdreg $0xFFFFFFFF  }
0xad: {  	[dreg:$0x0] =	wrdreg $0x60  }
0xae: {  	[dreg:$0x2] =	wrdreg s24  }
0xaf: {  	[dreg:$0x3] =	wrdreg s2  }
0xb0: {  	[dreg:$0x4] =	wrdreg $0x0  }
0xb1: {  	[dreg:$0x5] =	wrdreg $0x9  }
0xb2: {  	_ =	task.clear_ibuf [dreg:s7], $0x6FFFF;
	_ =	strace $0x90000046  }
0xb3: {  	s29 =	simm.s32 $0x9;
	_ =	strace $0x80000048  }
0xb4: {  	_ =	swait.ge [sflag:s29], $0x1  }
0xb5: {  	[sflag:s29] =	ssyncadd.s32 $0xFFFFFFFF  }
0xb6: {  	_ =	strace $0x90000048  }
0xb7: {  	_ =	sfence  }
0xb8: {  	s30 =	sld [smem:$0x0];
	_ =	sdelay $0x2  }
0xb9: {  	s31 =	sshll.u32 s1, $0xD;
	s1 =	sshrl.u32 s1, $0x2  }
0xba: {  	s3 =	sand.u32 $0x4000, s31;
	s1 =	sadd.s32 s1, s30  }
0xbb: {  	s0 =	sor.u32 s3, s0;
	s1 =	sshll.u32 s1, $0x11  }
0xbc: {  	s0 =	sor.u32 s1, s0  }
0xbd: {  	s0 =	sadd.s32 $0x8F2B, s0  }
0xbe: {  	[sflag:s0] =	ssyncadd.remote.s32 $0x1  }
0xbf: {  	_ =	sfence.sel $0xFFFF  }
0xc0: {  	[dreg:$0x0] =	wrdreg $0xFFFFFFFF;
	(pc) =	sbr.abs _section_cstart, $3  }
0xc1: {  	[dreg:$0x1] =	wrdreg $0xFFFFFFFF  }
0xc2: {  	_ =	task.clear_ibuf [dreg:s7], $0x2FFFF;
	_ =	strace $0x9FFFFFFF  }
0xc3: {  	(tm) =	ssettm $0x7FFFFFFF  }
tec
execute0_lowered:
.L_overlay_start_1:
0x0: {  	(tag) =	ssettag $0x1  }
0x1: {  	s4 =	rddreg [dreg:$0x0]  }
0x2: {  	s6 =	rddreg [dreg:$0x1];
	s0 =	srdreg.scid  }
0x3: {  	s2 =	rddreg [dreg:$0x2];
	s1 =	stileid.u32;
	s3 =	simm.s32 $0x0  }
0x4: {  	s5 =	sand.u32 $0x1, s0;
	s0 =	rddreg [dreg:$0x3];
	s8 =	smul.u32 $0x4E20, s1  }
0x5: {  	s11 =	simm.s32 $0x78A0;
	[smem:$0x7FF] =	sst s3;
	s9 =	smul.u32 $0x280, s1  }
0x6: {  	s12 =	sshll.u32 s1, $0x6;
	s7 =	smul.u32 $0x4E200, s5;
	s29 =	ssub.s32 $0x2, s5  }
0x7: {  	s5 =	smul.u32 $0x2800, s5;
	_ =	strace $0x80000047;
	s10 =	sshrl.u32 s29, $0x1  }
0x8: {  	s12 =	sor.u32 $0x1C01, s12;
	s7 =	sadd.s32 s8, s7;
	s8 =	ssub.s32 s29, s10  }
0x9: {  	s30 =	sadd.s32 s9, s5;
	s10 =	simm.s32 $0x2A80;
	s7 =	sshrl.u32 s7, $0x3  }
0xa: {  	s31 =	sshrl.u32 s30, $0x3;
	s7 =	sadd.s32 s7, s4;
	s4 =	sadd.s32 s9, s2  }
0xb: {  	s6 =	sadd.s32 s6, s31;
	s9 =	simm.s32 $0x1;
	s5 =	sadd.s32 $0x1E00, s7  }
0xc: {  	v0 =	vimm.f32 $0.0e+00;
	v1 =	vlaneseq.u32;
	v2 =	vimm.f32 $1.000000000e+00;
	s7 =	smax.u32 s8, $0x1;
	s8 =	simm.s32 $0x280;
	s13 =	sshrl.u32 s4, $0x3  }
.LBB2_1:
0xd: {  	s14 =	simm.s32 $0x0  }
.LBB2_2:
0xe: {  	p0 =	sne.s32 s14, $0x9FC0  }
.Ltmp0:
0xf: {  	_ = 	snop;
	(pc) =	sbr.rel @p0 .LBB2_2-.Ltmp0, $3  }
0x10: {  	_ =	sdelay $0x1  }
0x11: {  	s15 =	sshra.s32 s14, $0x2  }
0x12: {  	s14 =	sadd.s32 $0x40, s14;
	[tilespmem:s15+$0x280] =	vst v0  }
0x13: {  	s15 =	simm.s32 $0x0  }
0x14: {  	s14 =	simm.s32 $0x78A0;
	v3 =	vor.u32 s15, v1  }
0x15: {  	s15 =	simm.s32 $0x10;
	[tilespmem:s14+$0x0] =	vst v3  }
.LBB2_4:
0x16: {  	p0 =	sne.s32 s15, $0x270  }
.Ltmp1:
0x17: {  	_ = 	snop;
	(pc) =	sbr.rel @p0 .LBB2_4-.Ltmp1, $3  }
0x18: {  	_ =	sdelay $0x1  }
0x19: {  	v3 =	vor.u32 s15, v1;
	s15 =	sadd.s32 $0x10, s15;
	s14 =	sadd.s32 $0x10, s14  }
0x1a: {  	[tilespmem:s14+$0x0] =	vst v3  }
0x1b: {  	[spmem:s4] =	stream.linear.scatter [tilespmem:s8], [sflag:$0x1], $0x280, $0x38;
	[tilespmem:$0x7B20] =	vst v63  }
0x1c: {  	_ =	swait.ge [sflag:s9], $0x280  }
0x1d: {  	[sflag:s9] =	ssyncset.done $0x0  }
0x1e: {  	s14 =	simm.s32 $0x0;
	[sflag:s9] =	ssyncadd.s32 $0xFFFFFD80  }
0x1f: {  	[tilespmem:s10], [sflag:$0x1] =	stream.linear.gather [hbm4b:s5+s14], $0x4E20, $0x38;
	[tilespmem:$0x7B20] =	vst v63  }
0x20: {  	_ =	swait.ge [sflag:s9], $0x4E20  }
0x21: {  	[sflag:s9] =	ssyncset.done $0x0  }
0x22: {  	[sflag:s9] =	ssyncadd.s32 $0xFFFFB1E0  }
0x23: {  	s15 =	simm.s32 $0x0;
	s14 =	simm.s32 $0x40;
	[bflag:$0x0] =	sbarrier.arrive $0xFFFF  }
.LBB2_6:
0x24: {  	p0 =	sne.s32 s14, $0x13840;
	v3 =	vld [tilespmem:s15+$0x2A80];
	_ =	sdelay $0x3  }
.Ltmp2:
0x25: {  	(pc) =	sbr.rel @p0 .LBB2_6-.Ltmp2, $2  }
0x26: {  	_ =	sdelay $0x2  }
0x27: {  	s15 =	sshra.s32 s14, $0x2;
	s14 =	sadd.s32 $0x40, s14;
	[tilespmem:v3+s8+$0x0] =	vst.idx.add.f32.msk $0xffff, v2  }
0x28: {  	v3 =	vld [tilespmem:s15+$0x2A80];
	_ =	sdelay $0x7  }
0x29: {  	[tilespmem:v3+s8+$0x0] =	vst.idx.add.f32.msk $0xffff, v2  }
0x2a: {  	[spmem:s2] =	stream.indirect.scatter.add.f32 [tilespmem:s8], [sflag:$0x1], $0x10, s11, s8, $0xb8;
	[tilespmem:$0x7B20] =	vst v63  }
0x2b: {  	_ =	swait.ge [sflag:s9], $0x2800  }
0x2c: {  	s3 =	sadd.s32 $0x1, s3;
	[sflag:s9] =	ssyncset.done $0x0  }
0x2d: {  	p0 =	sne.s32 s3, s7;
	[sflag:s9] =	ssyncadd.s32 $0xFFFFD800  }
.Ltmp3:
0x2e: {  	[bflag:$0x0] =	sbarrier.arrive $0xFFFF;
	(pc) =	sbr.rel @p0 .LBB2_1-.Ltmp3, $4  }
0x2f: {  	[hbm:s6], [sflag:s12] =	dma.local [spmem:s13], $0x50  }
0x30: {  	_ =	swait.ge [sflag:s9], $0x50  }
0x31: {  	[sflag:s9] =	ssyncset.done $0x0  }
0x32: {  	[sflag:s9] =	ssyncadd.s32 $0xFFFFFFB0  }
0x33: {  	_ =	sfence.sel $0x180000  }
0x34: {  	[bflag:$0x0] =	sbarrier.arrive $0xFFFF  }
0x35: {  	p0 =	sne.s32 s1, $0x0;
	_ =	strace $0x90000047  }
0x36: {  	s0 =	sadd.s32 @!p0 $0x100000, s0;
	[bflag:$0x2] =	sbarrier.arrive $0xFFFF  }
0x37: {  	[sflag:s0] =	ssyncadd.tile.s32 @!p0 $0x1;
	_ =	shalt  }
.Lfunc_end2:
_tile_overlayer_lowered:
.L_overlay_start_2:
0x38: {  	(tag) =	ssettag $0x2  }
0x39: {  	s0 =	rddreg [dreg:$0x0];
	s2 =	stileid.u32  }
0x3a: {  	s1 =	rddreg [dreg:$0x1];
	p0 =	sne.s32 s2, $0x0  }
0x3b: {  	s3 =	rddreg [dreg:$0x2];
	[bflag:$0x3] =	sbarrier.arrive $0xFFFF;
	s2 =	simm.s32 @!p0 $0x1C01  }
0x3c: {  	[timem:s3], [sflag:s2] =	dma.local @!p0 [hbm:s0], s1  }
0x3d: {  	s0 =	simm.s32 @!p0 $0x1  }
0x3e: {  	_ =	swait.ge @!p0 [sflag:s0], s1  }
0x3f: {  	s1 =	ssub.s32 @!p0 $0x0, s1;
	[sflag:s0] =	ssyncset.done @!p0 $0x0  }
0x40: {  	[sflag:s0] =	ssyncadd.s32 @!p0 s1  }
0x41: {  	[bflag:$0x3] =	sbarrier.arrive $0xFFFF  }
0x42: {  	_ =	shalt  }

</sc_bundles>
